<compile_context>
chip_gen: v7x
topology: tpu7x:2x2x1
jax: 0.10.2.dev20260603
libtpu: 0.0.44.dev20260713+nightly
codegen_flags: <defaults>
</compile_context>

<pallas_src>
import jax
import jax.numpy as jnp
import numpy as np
from jax import lax
from jax.experimental import pallas as pl
from jax.experimental.pallas import tpu as pltpu
from jax.experimental.pallas import tpu_sc as plsc

_B, _C, _H, _W, _G = 8, 96, 224, 224, 4
_BH = _H // _G
_NC, _NS = 2, 16
_CSC = 8
_CC = 8
_MOVES_PER_W = 4


def _inv_perms() -> np.ndarray:
    rng = np.random.RandomState(0)
    perms = np.stack([rng.permutation(_G * _G) for _ in range(_B)], axis=0)
    return np.argsort(perms, axis=1)


_INV = _inv_perms()


def _packed_inv() -> tuple[list[int], list[int]]:
    lo = [int(sum(int(v) << (4 * j) for j, v in enumerate(row[:8]))) for row in _INV]
    hi = [int(sum(int(v) << (4 * j) for j, v in enumerate(row[8:]))) for row in _INV]
    return lo, hi


_PACKED_LO, _PACKED_HI = _packed_inv()


def _sc_body(x_hbm, out_hbm, bufs, rsem, wsem):
    wid = lax.axis_index("s") * _NC + lax.axis_index("c")
    b = wid >> 2

    lo = jnp.uint32(_PACKED_LO[0])
    hi = jnp.uint32(_PACKED_HI[0])
    for bb in range(1, _B):
        lo = jnp.where(b == bb, jnp.uint32(_PACKED_LO[bb]), lo)
        hi = jnp.where(b == bb, jnp.uint32(_PACKED_HI[bb]), hi)

    def coords(k):
        t = (wid & 3) * 4 + k
        sl = (4 * jnp.where(t < 8, t, 0)).astype(jnp.uint32)
        sh_ = (4 * jnp.where(t < 8, 0, t - 8)).astype(jnp.uint32)
        src = jnp.where(t < 8, lo >> sl, hi >> sh_).astype(jnp.int32) & 15
        return src >> 2, src & 3, t >> 2, t & 3

    def read_start(k):
        sh, sw, _, _ = coords(k)
        pltpu.make_async_copy(
            x_hbm.at[b, :, pl.ds(sh * _BH, _BH), pl.ds(sw * _BH, _BH)],
            bufs[k],
            rsem[k],
        ).start()

    def read_wait(k):
        pltpu.make_async_copy(
            x_hbm.at[0, :, pl.ds(0, _BH), pl.ds(0, _BH)], bufs[k], rsem[k]
        ).wait()

    def write_start(k):
        _, _, th, tw = coords(k)
        pltpu.make_async_copy(
            bufs[k],
            out_hbm.at[b, :, pl.ds(th * _BH, _BH), pl.ds(tw * _BH, _BH)],
            wsem[k],
        ).start()

    def write_wait(k):
        pltpu.make_async_copy(
            bufs[k], out_hbm.at[0, :, pl.ds(0, _BH), pl.ds(0, _BH)], wsem[k]
        ).wait()

    for k in range(_MOVES_PER_W):
        read_start(k)
    for k in range(_MOVES_PER_W):
        read_wait(k)
        write_start(k)
    for k in range(_MOVES_PER_W):
        write_wait(k)


_sc_call = pl.kernel(
    _sc_body,
    out_type=jax.ShapeDtypeStruct((_B, _CSC, _H, _W), jnp.float32),
    mesh=plsc.VectorSubcoreMesh(core_axis_name="c", subcore_axis_name="s"),
    scratch_types=[
        [pltpu.VMEM((_CSC, _BH, _BH), jnp.float32) for _ in range(_MOVES_PER_W)],
        [pltpu.SemaphoreType.DMA for _ in range(_MOVES_PER_W)],
        [pltpu.SemaphoreType.DMA for _ in range(_MOVES_PER_W)],
    ],
    compiler_params=pltpu.CompilerParams(use_tc_tiling_on_sc=False),
    name="sc_block_permute",
)


def _tc_body(x_ref, o_ref):
    b = pl.program_id(0)
    for bb in range(_B):

        @pl.when(b == bb)
        def _():
            for t in range(_G * _G):
                src = int(_INV[bb][t])
                sh, sw = src >> 2, src & 3
                th, tw = t >> 2, t & 3
                o_ref[
                    0, :, th * _BH : (th + 1) * _BH, tw * _BH : (tw + 1) * _BH
                ] = x_ref[
                    0, :, sh * _BH : (sh + 1) * _BH, sw * _BH : (sw + 1) * _BH
                ]


def _tc_call(x):
    grid = (_B, (_C - _CSC) // _CC)
    spec = pl.BlockSpec((1, _CC, _H, _W), lambda b, c: (b, c + _CSC // _CC, 0, 0))
    return pl.pallas_call(
        _tc_body,
        grid=grid,
        in_specs=[spec],
        out_specs=spec,
        out_shape=jax.ShapeDtypeStruct((_B, _C, _H, _W), jnp.float32),
    )(x)


def kernel(x):
    xs = lax.slice_in_dim(x, 0, _CSC, axis=1)
    ps = _sc_call(xs)
    full = _tc_call(x)
    return lax.dynamic_update_slice(full, ps, (0, 0, 0, 0))

# --- scband reference (transcript-rebuilt; emitter-appended) ---
"""Pipeline reference for scband-multi-granularity-space-chaos-40398462386445 (READ-ONLY COPY).

The authoritative reference and input builder live on the scoring server;
editing this copy changes nothing except your own understanding.
"""

import jax, jax.numpy as jnp
import numpy as np


def setup_inputs(seed: int = 0) -> dict:
    key = jax.random.key(seed)
    x = jax.random.normal(key, (8, 96, 224, 224), dtype=jnp.float32)
    return {"x": x}


def reference(x):
    # MultiGranularitySpaceChaos forward (training=True), G=4.
    G = 4
    B, C, H, W = x.shape
    # H, W divisible by G -> no bilinear interpolation branch.
    bh, bw = H // G, W // G
    # view + permute: (B, C, G, bh, G, bw) -> (B, G, G, C, bh, bw)
    blocks = x.reshape(B, C, G, bh, G, bw).transpose(0, 2, 4, 1, 3, 5)
    flat = blocks.reshape(B, G * G, C, bh, bw)
    # Per-sample random permutation of block positions (deterministic seed;
    # original uses np.random.shuffle of target positions).
    rng = np.random.RandomState(0)
    perms_np = np.stack([rng.permutation(G * G) for _ in range(B)], axis=0)
    perms = jnp.asarray(perms_np, dtype=jnp.int32)
    # shuffled_blocks[b, tgt] = blocks[b, src]  (scatter-overwrite into zeros)
    shuffled = jnp.zeros_like(flat).at[jnp.arange(B)[:, None], perms].set(flat)
    shuffled = shuffled.reshape(B, G, G, C, bh, bw)
    out = shuffled.transpose(0, 3, 1, 4, 2, 5).reshape(B, C, H, W)
    return out

if __name__ == "__main__":
    import jax
    _d = setup_inputs()
    print(jax.jit(kernel)(*tuple(_d.values())))

</pallas_src>

<mosaic_0001>
#map = affine_map<(d0, d1) -> (0, 0, 0, 0)>
module attributes {stable_mosaic.version = 14 : i64} {
  func.func @sc_block_permute(%arg0: i32, %arg1: i32, %arg2: memref<8x8x224x224xf32, #tpu.memory_space<hbm>>, %arg3: memref<8x8x224x224xf32, #tpu.memory_space<hbm>>, %arg4: memref<8x56x56xf32, #tpu.memory_space<vmem>>, %arg5: memref<8x56x56xf32, #tpu.memory_space<vmem>>, %arg6: memref<8x56x56xf32, #tpu.memory_space<vmem>>, %arg7: memref<8x56x56xf32, #tpu.memory_space<vmem>>, %arg8: memref<!tpu.dma_semaphore, #tpu.memory_space<semaphore_mem>>, %arg9: memref<!tpu.dma_semaphore, #tpu.memory_space<semaphore_mem>>, %arg10: memref<!tpu.dma_semaphore, #tpu.memory_space<semaphore_mem>>, %arg11: memref<!tpu.dma_semaphore, #tpu.memory_space<semaphore_mem>>, %arg12: memref<!tpu.dma_semaphore, #tpu.memory_space<semaphore_mem>>, %arg13: memref<!tpu.dma_semaphore, #tpu.memory_space<semaphore_mem>>, %arg14: memref<!tpu.dma_semaphore, #tpu.memory_space<semaphore_mem>>, %arg15: memref<!tpu.dma_semaphore, #tpu.memory_space<semaphore_mem>>) attributes {dimension_semantics = [#tpu.dimension_semantics<core_parallel>, #tpu.dimension_semantics<subcore_parallel>], iteration_bounds = array<i64: 2, 16>, scalar_prefetch = 0 : i64, scratch_operands = 12 : i64, tpu.core_type = #tpu.core_type<sc_vector_subcore>, window_params = [{transform_indices = #map}, {transform_indices = #map}]} {
    %mul3A = arith.constant 2 : i32
    %mul3A_0 = arith.muli %arg1, %mul3A : i32
    %add3A = arith.addi %mul3A_0, %arg0 : i32
    %shift_right_arithmetic3A = arith.constant 2 : i32
    %shift_right_arithmetic3A_1 = arith.shrsi %add3A, %shift_right_arithmetic3A : i32
    %eq3A = arith.constant 1 : i32
    %eq3A_2 = arith.cmpi eq, %shift_right_arithmetic3A_1, %eq3A : i32
    %jit3A = arith.constant -560574220 : i32
    %jit3A_3 = arith.constant -1847212531 : i32
    %select_n3A = arith.select %eq3A_2, %jit3A, %jit3A_3 : i32
    %eq3A_4 = arith.constant 1 : i32
    %eq3A_5 = arith.cmpi eq, %shift_right_arithmetic3A_1, %eq3A_4 : i32
    %jit3A_6 = arith.constant -1581086917 : i32
    %jit3A_7 = arith.constant -1487947726 : i32
    %select_n3A_8 = arith.select %eq3A_5, %jit3A_6, %jit3A_7 : i32
    %eq3A_9 = arith.constant 2 : i32
    %eq3A_10 = arith.cmpi eq, %shift_right_arithmetic3A_1, %eq3A_9 : i32
    %jit3A_11 = arith.constant 637783470 : i32
    %select_n3A_12 = arith.select %eq3A_10, %jit3A_11, %select_n3A : i32
    %eq3A_13 = arith.constant 2 : i32
    %eq3A_14 = arith.cmpi eq, %shift_right_arithmetic3A_1, %eq3A_13 : i32
    %jit3A_15 = arith.constant -182881141 : i32
    %select_n3A_16 = arith.select %eq3A_14, %jit3A_15, %select_n3A_8 : i32
    %eq3A_17 = arith.constant 3 : i32
    %eq3A_18 = arith.cmpi eq, %shift_right_arithmetic3A_1, %eq3A_17 : i32
    %jit3A_19 = arith.constant -1002587601 : i32
    %select_n3A_20 = arith.select %eq3A_18, %jit3A_19, %select_n3A_12 : i32
    %eq3A_21 = arith.constant 3 : i32
    %eq3A_22 = arith.cmpi eq, %shift_right_arithmetic3A_1, %eq3A_21 : i32
    %jit3A_23 = arith.constant 2019102305 : i32
    %select_n3A_24 = arith.select %eq3A_22, %jit3A_23, %select_n3A_16 : i32
    %eq3A_25 = arith.constant 4 : i32
    %eq3A_26 = arith.cmpi eq, %shift_right_arithmetic3A_1, %eq3A_25 : i32
    %jit3A_27 = arith.constant -2125507680 : i32
    %select_n3A_28 = arith.select %eq3A_26, %jit3A_27, %select_n3A_20 : i32
    %eq3A_29 = arith.constant 4 : i32
    %eq3A_30 = arith.cmpi eq, %shift_right_arithmetic3A_1, %eq3A_29 : i32
    %jit3A_31 = arith.constant 667512299 : i32
    %select_n3A_32 = arith.select %eq3A_30, %jit3A_31, %select_n3A_24 : i32
    %eq3A_33 = arith.constant 5 : i32
    %eq3A_34 = arith.cmpi eq, %shift_right_arithmetic3A_1, %eq3A_33 : i32
    %jit3A_35 = arith.constant 1472844047 : i32
    %select_n3A_36 = arith.select %eq3A_34, %jit3A_35, %select_n3A_28 : i32
    %eq3A_37 = arith.constant 5 : i32
    %eq3A_38 = arith.cmpi eq, %shift_right_arithmetic3A_1, %eq3A_37 : i32
    %jit3A_39 = arith.constant 1044548278 : i32
    %select_n3A_40 = arith.select %eq3A_38, %jit3A_39, %select_n3A_32 : i32
    %eq3A_41 = arith.constant 6 : i32
    %eq3A_42 = arith.cmpi eq, %shift_right_arithmetic3A_1, %eq3A_41 : i32
    %jit3A_43 = arith.constant -1533165465 : i32
    %select_n3A_44 = arith.select %eq3A_42, %jit3A_43, %select_n3A_36 : i32
    %eq3A_45 = arith.constant 6 : i32
    %eq3A_46 = arith.cmpi eq, %shift_right_arithmetic3A_1, %eq3A_45 : i32
    %jit3A_47 = arith.constant 1578314639 : i32
    %select_n3A_48 = arith.select %eq3A_46, %jit3A_47, %select_n3A_40 : i32
    %eq3A_49 = arith.constant 7 : i32
    %eq3A_50 = arith.cmpi eq, %shift_right_arithmetic3A_1, %eq3A_49 : i32
    %jit3A_51 = arith.constant 1106930637 : i32
    %select_n3A_52 = arith.select %eq3A_50, %jit3A_51, %select_n3A_44 : i32
    %eq3A_53 = arith.constant 7 : i32
    %eq3A_54 = arith.cmpi eq, %shift_right_arithmetic3A_1, %eq3A_53 : i32
    %jit3A_55 = arith.constant 2122551378 : i32
    %select_n3A_56 = arith.select %eq3A_54, %jit3A_55, %select_n3A_48 : i32
    %and3A = arith.constant 3 : i32
    %and3A_57 = arith.andi %add3A, %and3A : i32
    %mul3A_58 = arith.constant 4 : i32
    %mul3A_59 = arith.muli %and3A_57, %mul3A_58 : i32
    %add3A_60 = arith.constant 0 : i32
    %add3A_61 = arith.addi %mul3A_59, %add3A_60 : i32
    %lt3A = arith.constant 8 : i32
    %lt3A_62 = arith.cmpi slt, %add3A_61, %lt3A : i32
    %jit3A_63 = arith.constant 0 : i32
    %select_n3A_64 = arith.select %lt3A_62, %add3A_61, %jit3A_63 : i32
    %mul3A_65 = arith.constant 4 : i32
    %mul3A_66 = arith.muli %mul3A_65, %select_n3A_64 : i32
    %lt3A_67 = arith.constant 8 : i32
    %lt3A_68 = arith.cmpi slt, %add3A_61, %lt3A_67 : i32
    %sub3A = arith.constant 8 : i32
    %sub3A_69 = arith.subi %add3A_61, %sub3A : i32
    %jit3A_70 = arith.constant 0 : i32
    %select_n3A_71 = arith.select %lt3A_68, %jit3A_70, %sub3A_69 : i32
    %mul3A_72 = arith.constant 4 : i32
    %mul3A_73 = arith.muli %mul3A_72, %select_n3A_71 : i32
    %lt3A_74 = arith.constant 8 : i32
    %lt3A_75 = arith.cmpi slt, %add3A_61, %lt3A_74 : i32
    %shift_right_logical3A = arith.shrui %select_n3A_52, %mul3A_66 : i32
    %shift_right_logical3A_76 = arith.shrui %select_n3A_56, %mul3A_73 : i32
    %select_n3A_77 = arith.select %lt3A_75, %shift_right_logical3A, %shift_right_logical3A_76 : i32
    %and3A_78 = arith.constant 15 : i32
    %and3A_79 = arith.andi %select_n3A_77, %and3A_78 : i32
    %shift_right_arithmetic3A_80 = arith.constant 2 : i32
    %shift_right_arithmetic3A_81 = arith.shrsi %and3A_79, %shift_right_arithmetic3A_80 : i32
    %and3A_82 = arith.constant 3 : i32
    %and3A_83 = arith.andi %and3A_79, %and3A_82 : i32
    %shift_right_arithmetic3A_84 = arith.constant 2 : i32
    %shift_right_arithmetic3A_85 = arith.shrsi %add3A_61, %shift_right_arithmetic3A_84 : i32
    %and3A_86 = arith.constant 3 : i32
    %and3A_87 = arith.andi %add3A_61, %and3A_86 : i32
    %mul3A_88 = arith.constant 56 : i32
    %mul3A_89 = arith.muli %shift_right_arithmetic3A_81, %mul3A_88 : i32
    %mul3A_90 = arith.constant 56 : i32
    %mul3A_91 = arith.muli %and3A_83, %mul3A_90 : i32
    %dma_start3A = arith.constant 0 : i32
    %dma_start3A_92 = tpu.memref_slice %arg2[%shift_right_arithmetic3A_1, %dma_start3A, %mul3A_89, %mul3A_91] : memref<8x8x224x224xf32, #tpu.memory_space<hbm>> -> memref<1x8x56x56xf32, #tpu.memory_space<hbm>>
    %dma_start3A_93 = tpu.memref_squeeze %dma_start3A_92 : memref<1x8x56x56xf32, #tpu.memory_space<hbm>> -> memref<8x56x56xf32, #tpu.memory_space<hbm>>
    %dma_start3A_94 = arith.constant 0 : i32
    %dma_start3A_95 = tpu.memref_slice %arg2[%shift_right_arithmetic3A_1, %dma_start3A_94, %mul3A_89, %mul3A_91] : memref<8x8x224x224xf32, #tpu.memory_space<hbm>> -> memref<1x8x56x56xf32, #tpu.memory_space<hbm>>
    %dma_start3A_96 = tpu.memref_squeeze %dma_start3A_95 : memref<1x8x56x56xf32, #tpu.memory_space<hbm>> -> memref<8x56x56xf32, #tpu.memory_space<hbm>>
    tpu.enqueue_dma source(%dma_start3A_96 : memref<8x56x56xf32, #tpu.memory_space<hbm>>) target(%arg4 : memref<8x56x56xf32, #tpu.memory_space<vmem>>) target_semaphore(%arg8 : memref<!tpu.dma_semaphore, #tpu.memory_space<semaphore_mem>>)
    %and3A_97 = arith.constant 3 : i32
    %and3A_98 = arith.andi %add3A, %and3A_97 : i32
    %mul3A_99 = arith.constant 4 : i32
    %mul3A_100 = arith.muli %and3A_98, %mul3A_99 : i32
    %add3A_101 = arith.constant 1 : i32
    %add3A_102 = arith.addi %mul3A_100, %add3A_101 : i32
    %lt3A_103 = arith.constant 8 : i32
    %lt3A_104 = arith.cmpi slt, %add3A_102, %lt3A_103 : i32
    %jit3A_105 = arith.constant 0 : i32
    %select_n3A_106 = arith.select %lt3A_104, %add3A_102, %jit3A_105 : i32
    %mul3A_107 = arith.constant 4 : i32
    %mul3A_108 = arith.muli %mul3A_107, %select_n3A_106 : i32
    %lt3A_109 = arith.constant 8 : i32
    %lt3A_110 = arith.cmpi slt, %add3A_102, %lt3A_109 : i32
    %sub3A_111 = arith.constant 8 : i32
    %sub3A_112 = arith.subi %add3A_102, %sub3A_111 : i32
    %jit3A_113 = arith.constant 0 : i32
    %select_n3A_114 = arith.select %lt3A_110, %jit3A_113, %sub3A_112 : i32
    %mul3A_115 = arith.constant 4 : i32
    %mul3A_116 = arith.muli %mul3A_115, %select_n3A_114 : i32
    %lt3A_117 = arith.constant 8 : i32
    %lt3A_118 = arith.cmpi slt, %add3A_102, %lt3A_117 : i32
    %shift_right_logical3A_119 = arith.shrui %select_n3A_52, %mul3A_108 : i32
    %shift_right_logical3A_120 = arith.shrui %select_n3A_56, %mul3A_116 : i32
    %select_n3A_121 = arith.select %lt3A_118, %shift_right_logical3A_119, %shift_right_logical3A_120 : i32
    %and3A_122 = arith.constant 15 : i32
    %and3A_123 = arith.andi %select_n3A_121, %and3A_122 : i32
    %shift_right_arithmetic3A_124 = arith.constant 2 : i32
    %shift_right_arithmetic3A_125 = arith.shrsi %and3A_123, %shift_right_arithmetic3A_124 : i32
    %and3A_126 = arith.constant 3 : i32
    %and3A_127 = arith.andi %and3A_123, %and3A_126 : i32
    %shift_right_arithmetic3A_128 = arith.constant 2 : i32
    %shift_right_arithmetic3A_129 = arith.shrsi %add3A_102, %shift_right_arithmetic3A_128 : i32
    %and3A_130 = arith.constant 3 : i32
    %and3A_131 = arith.andi %add3A_102, %and3A_130 : i32
    %mul3A_132 = arith.constant 56 : i32
    %mul3A_133 = arith.muli %shift_right_arithmetic3A_125, %mul3A_132 : i32
    %mul3A_134 = arith.constant 56 : i32
    %mul3A_135 = arith.muli %and3A_127, %mul3A_134 : i32
    %dma_start3A_136 = arith.constant 0 : i32
    %dma_start3A_137 = tpu.memref_slice %arg2[%shift_right_arithmetic3A_1, %dma_start3A_136, %mul3A_133, %mul3A_135] : memref<8x8x224x224xf32, #tpu.memory_space<hbm>> -> memref<1x8x56x56xf32, #tpu.memory_space<hbm>>
    %dma_start3A_138 = tpu.memref_squeeze %dma_start3A_137 : memref<1x8x56x56xf32, #tpu.memory_space<hbm>> -> memref<8x56x56xf32, #tpu.memory_space<hbm>>
    %dma_start3A_139 = arith.constant 0 : i32
    %dma_start3A_140 = tpu.memref_slice %arg2[%shift_right_arithmetic3A_1, %dma_start3A_139, %mul3A_133, %mul3A_135] : memref<8x8x224x224xf32, #tpu.memory_space<hbm>> -> memref<1x8x56x56xf32, #tpu.memory_space<hbm>>
    %dma_start3A_141 = tpu.memref_squeeze %dma_start3A_140 : memref<1x8x56x56xf32, #tpu.memory_space<hbm>> -> memref<8x56x56xf32, #tpu.memory_space<hbm>>
    tpu.enqueue_dma source(%dma_start3A_141 : memref<8x56x56xf32, #tpu.memory_space<hbm>>) target(%arg5 : memref<8x56x56xf32, #tpu.memory_space<vmem>>) target_semaphore(%arg9 : memref<!tpu.dma_semaphore, #tpu.memory_space<semaphore_mem>>)
    %and3A_142 = arith.constant 3 : i32
    %and3A_143 = arith.andi %add3A, %and3A_142 : i32
    %mul3A_144 = arith.constant 4 : i32
    %mul3A_145 = arith.muli %and3A_143, %mul3A_144 : i32
    %add3A_146 = arith.constant 2 : i32
    %add3A_147 = arith.addi %mul3A_145, %add3A_146 : i32
    %lt3A_148 = arith.constant 8 : i32
    %lt3A_149 = arith.cmpi slt, %add3A_147, %lt3A_148 : i32
    %jit3A_150 = arith.constant 0 : i32
    %select_n3A_151 = arith.select %lt3A_149, %add3A_147, %jit3A_150 : i32
    %mul3A_152 = arith.constant 4 : i32
    %mul3A_153 = arith.muli %mul3A_152, %select_n3A_151 : i32
    %lt3A_154 = arith.constant 8 : i32
    %lt3A_155 = arith.cmpi slt, %add3A_147, %lt3A_154 : i32
    %sub3A_156 = arith.constant 8 : i32
    %sub3A_157 = arith.subi %add3A_147, %sub3A_156 : i32
    %jit3A_158 = arith.constant 0 : i32
    %select_n3A_159 = arith.select %lt3A_155, %jit3A_158, %sub3A_157 : i32
    %mul3A_160 = arith.constant 4 : i32
    %mul3A_161 = arith.muli %mul3A_160, %select_n3A_159 : i32
    %lt3A_162 = arith.constant 8 : i32
    %lt3A_163 = arith.cmpi slt, %add3A_147, %lt3A_162 : i32
    %shift_right_logical3A_164 = arith.shrui %select_n3A_52, %mul3A_153 : i32
    %shift_right_logical3A_165 = arith.shrui %select_n3A_56, %mul3A_161 : i32
    %select_n3A_166 = arith.select %lt3A_163, %shift_right_logical3A_164, %shift_right_logical3A_165 : i32
    %and3A_167 = arith.constant 15 : i32
    %and3A_168 = arith.andi %select_n3A_166, %and3A_167 : i32
    %shift_right_arithmetic3A_169 = arith.constant 2 : i32
    %shift_right_arithmetic3A_170 = arith.shrsi %and3A_168, %shift_right_arithmetic3A_169 : i32
    %and3A_171 = arith.constant 3 : i32
    %and3A_172 = arith.andi %and3A_168, %and3A_171 : i32
    %shift_right_arithmetic3A_173 = arith.constant 2 : i32
    %shift_right_arithmetic3A_174 = arith.shrsi %add3A_147, %shift_right_arithmetic3A_173 : i32
    %and3A_175 = arith.constant 3 : i32
    %and3A_176 = arith.andi %add3A_147, %and3A_175 : i32
    %mul3A_177 = arith.constant 56 : i32
    %mul3A_178 = arith.muli %shift_right_arithmetic3A_170, %mul3A_177 : i32
    %mul3A_179 = arith.constant 56 : i32
    %mul3A_180 = arith.muli %and3A_172, %mul3A_179 : i32
    %dma_start3A_181 = arith.constant 0 : i32
    %dma_start3A_182 = tpu.memref_slice %arg2[%shift_right_arithmetic3A_1, %dma_start3A_181, %mul3A_178, %mul3A_180] : memref<8x8x224x224xf32, #tpu.memory_space<hbm>> -> memref<1x8x56x56xf32, #tpu.memory_space<hbm>>
    %dma_start3A_183 = tpu.memref_squeeze %dma_start3A_182 : memref<1x8x56x56xf32, #tpu.memory_space<hbm>> -> memref<8x56x56xf32, #tpu.memory_space<hbm>>
    %dma_start3A_184 = arith.constant 0 : i32
    %dma_start3A_185 = tpu.memref_slice %arg2[%shift_right_arithmetic3A_1, %dma_start3A_184, %mul3A_178, %mul3A_180] : memref<8x8x224x224xf32, #tpu.memory_space<hbm>> -> memref<1x8x56x56xf32, #tpu.memory_space<hbm>>
    %dma_start3A_186 = tpu.memref_squeeze %dma_start3A_185 : memref<1x8x56x56xf32, #tpu.memory_space<hbm>> -> memref<8x56x56xf32, #tpu.memory_space<hbm>>
    tpu.enqueue_dma source(%dma_start3A_186 : memref<8x56x56xf32, #tpu.memory_space<hbm>>) target(%arg6 : memref<8x56x56xf32, #tpu.memory_space<vmem>>) target_semaphore(%arg10 : memref<!tpu.dma_semaphore, #tpu.memory_space<semaphore_mem>>)
    %and3A_187 = arith.constant 3 : i32
    %and3A_188 = arith.andi %add3A, %and3A_187 : i32
    %mul3A_189 = arith.constant 4 : i32
    %mul3A_190 = arith.muli %and3A_188, %mul3A_189 : i32
    %add3A_191 = arith.constant 3 : i32
    %add3A_192 = arith.addi %mul3A_190, %add3A_191 : i32
    %lt3A_193 = arith.constant 8 : i32
    %lt3A_194 = arith.cmpi slt, %add3A_192, %lt3A_193 : i32
    %jit3A_195 = arith.constant 0 : i32
    %select_n3A_196 = arith.select %lt3A_194, %add3A_192, %jit3A_195 : i32
    %mul3A_197 = arith.constant 4 : i32
    %mul3A_198 = arith.muli %mul3A_197, %select_n3A_196 : i32
    %lt3A_199 = arith.constant 8 : i32
    %lt3A_200 = arith.cmpi slt, %add3A_192, %lt3A_199 : i32
    %sub3A_201 = arith.constant 8 : i32
    %sub3A_202 = arith.subi %add3A_192, %sub3A_201 : i32
    %jit3A_203 = arith.constant 0 : i32
    %select_n3A_204 = arith.select %lt3A_200, %jit3A_203, %sub3A_202 : i32
    %mul3A_205 = arith.constant 4 : i32
    %mul3A_206 = arith.muli %mul3A_205, %select_n3A_204 : i32
    %lt3A_207 = arith.constant 8 : i32
    %lt3A_208 = arith.cmpi slt, %add3A_192, %lt3A_207 : i32
    %shift_right_logical3A_209 = arith.shrui %select_n3A_52, %mul3A_198 : i32
    %shift_right_logical3A_210 = arith.shrui %select_n3A_56, %mul3A_206 : i32
    %select_n3A_211 = arith.select %lt3A_208, %shift_right_logical3A_209, %shift_right_logical3A_210 : i32
    %and3A_212 = arith.constant 15 : i32
    %and3A_213 = arith.andi %select_n3A_211, %and3A_212 : i32
    %shift_right_arithmetic3A_214 = arith.constant 2 : i32
    %shift_right_arithmetic3A_215 = arith.shrsi %and3A_213, %shift_right_arithmetic3A_214 : i32
    %and3A_216 = arith.constant 3 : i32
    %and3A_217 = arith.andi %and3A_213, %and3A_216 : i32
    %shift_right_arithmetic3A_218 = arith.constant 2 : i32
    %shift_right_arithmetic3A_219 = arith.shrsi %add3A_192, %shift_right_arithmetic3A_218 : i32
    %and3A_220 = arith.constant 3 : i32
    %and3A_221 = arith.andi %add3A_192, %and3A_220 : i32
    %mul3A_222 = arith.constant 56 : i32
    %mul3A_223 = arith.muli %shift_right_arithmetic3A_215, %mul3A_222 : i32
    %mul3A_224 = arith.constant 56 : i32
    %mul3A_225 = arith.muli %and3A_217, %mul3A_224 : i32
    %dma_start3A_226 = arith.constant 0 : i32
    %dma_start3A_227 = tpu.memref_slice %arg2[%shift_right_arithmetic3A_1, %dma_start3A_226, %mul3A_223, %mul3A_225] : memref<8x8x224x224xf32, #tpu.memory_space<hbm>> -> memref<1x8x56x56xf32, #tpu.memory_space<hbm>>
    %dma_start3A_228 = tpu.memref_squeeze %dma_start3A_227 : memref<1x8x56x56xf32, #tpu.memory_space<hbm>> -> memref<8x56x56xf32, #tpu.memory_space<hbm>>
    %dma_start3A_229 = arith.constant 0 : i32
    %dma_start3A_230 = tpu.memref_slice %arg2[%shift_right_arithmetic3A_1, %dma_start3A_229, %mul3A_223, %mul3A_225] : memref<8x8x224x224xf32, #tpu.memory_space<hbm>> -> memref<1x8x56x56xf32, #tpu.memory_space<hbm>>
    %dma_start3A_231 = tpu.memref_squeeze %dma_start3A_230 : memref<1x8x56x56xf32, #tpu.memory_space<hbm>> -> memref<8x56x56xf32, #tpu.memory_space<hbm>>
    tpu.enqueue_dma source(%dma_start3A_231 : memref<8x56x56xf32, #tpu.memory_space<hbm>>) target(%arg7 : memref<8x56x56xf32, #tpu.memory_space<vmem>>) target_semaphore(%arg11 : memref<!tpu.dma_semaphore, #tpu.memory_space<semaphore_mem>>)
    %dma_wait3A = arith.constant 0 : i32
    %dma_wait3A_232 = arith.constant 0 : i32
    %dma_wait3A_233 = arith.constant 0 : i32
    %dma_wait3A_234 = arith.constant 0 : i32
    %dma_wait3A_235 = tpu.memref_slice %arg2[%dma_wait3A, %dma_wait3A_232, %dma_wait3A_233, %dma_wait3A_234] : memref<8x8x224x224xf32, #tpu.memory_space<hbm>> -> memref<1x8x56x56xf32, #tpu.memory_space<hbm>>
    %dma_wait3A_236 = tpu.memref_squeeze %dma_wait3A_235 : memref<1x8x56x56xf32, #tpu.memory_space<hbm>> -> memref<8x56x56xf32, #tpu.memory_space<hbm>>
    %dma_wait3A_237 = arith.constant 0 : i32
    %dma_wait3A_238 = arith.constant 0 : i32
    %dma_wait3A_239 = arith.constant 0 : i32
    %dma_wait3A_240 = tpu.memref_slice %arg2[%dma_wait3A, %dma_wait3A_237, %dma_wait3A_238, %dma_wait3A_239] : memref<8x8x224x224xf32, #tpu.memory_space<hbm>> -> memref<1x8x56x56xf32, #tpu.memory_space<hbm>>
    %dma_wait3A_241 = tpu.memref_squeeze %dma_wait3A_240 : memref<1x8x56x56xf32, #tpu.memory_space<hbm>> -> memref<8x56x56xf32, #tpu.memory_space<hbm>>
    tpu.wait_dma2 semaphore(%arg8 : memref<!tpu.dma_semaphore, #tpu.memory_space<semaphore_mem>>) src(%dma_wait3A_241 : memref<8x56x56xf32, #tpu.memory_space<hbm>>) dst(%arg4 : memref<8x56x56xf32, #tpu.memory_space<vmem>>)
    %and3A_242 = arith.constant 3 : i32
    %and3A_243 = arith.andi %add3A, %and3A_242 : i32
    %mul3A_244 = arith.constant 4 : i32
    %mul3A_245 = arith.muli %and3A_243, %mul3A_244 : i32
    %add3A_246 = arith.constant 0 : i32
    %add3A_247 = arith.addi %mul3A_245, %add3A_246 : i32
    %lt3A_248 = arith.constant 8 : i32
    %lt3A_249 = arith.cmpi slt, %add3A_247, %lt3A_248 : i32
    %jit3A_250 = arith.constant 0 : i32
    %select_n3A_251 = arith.select %lt3A_249, %add3A_247, %jit3A_250 : i32
    %mul3A_252 = arith.constant 4 : i32
    %mul3A_253 = arith.muli %mul3A_252, %select_n3A_251 : i32
    %lt3A_254 = arith.constant 8 : i32
    %lt3A_255 = arith.cmpi slt, %add3A_247, %lt3A_254 : i32
    %sub3A_256 = arith.constant 8 : i32
    %sub3A_257 = arith.subi %add3A_247, %sub3A_256 : i32
    %jit3A_258 = arith.constant 0 : i32
    %select_n3A_259 = arith.select %lt3A_255, %jit3A_258, %sub3A_257 : i32
    %mul3A_260 = arith.constant 4 : i32
    %mul3A_261 = arith.muli %mul3A_260, %select_n3A_259 : i32
    %lt3A_262 = arith.constant 8 : i32
    %lt3A_263 = arith.cmpi slt, %add3A_247, %lt3A_262 : i32
    %shift_right_logical3A_264 = arith.shrui %select_n3A_52, %mul3A_253 : i32
    %shift_right_logical3A_265 = arith.shrui %select_n3A_56, %mul3A_261 : i32
    %select_n3A_266 = arith.select %lt3A_263, %shift_right_logical3A_264, %shift_right_logical3A_265 : i32
    %and3A_267 = arith.constant 15 : i32
    %and3A_268 = arith.andi %select_n3A_266, %and3A_267 : i32
    %shift_right_arithmetic3A_269 = arith.constant 2 : i32
    %shift_right_arithmetic3A_270 = arith.shrsi %and3A_268, %shift_right_arithmetic3A_269 : i32
    %and3A_271 = arith.constant 3 : i32
    %and3A_272 = arith.andi %and3A_268, %and3A_271 : i32
    %shift_right_arithmetic3A_273 = arith.constant 2 : i32
    %shift_right_arithmetic3A_274 = arith.shrsi %add3A_247, %shift_right_arithmetic3A_273 : i32
    %and3A_275 = arith.constant 3 : i32
    %and3A_276 = arith.andi %add3A_247, %and3A_275 : i32
    %mul3A_277 = arith.constant 56 : i32
    %mul3A_278 = arith.muli %shift_right_arithmetic3A_274, %mul3A_277 : i32
    %mul3A_279 = arith.constant 56 : i32
    %mul3A_280 = arith.muli %and3A_276, %mul3A_279 : i32
    %dma_start3A_281 = arith.constant 0 : i32
    %dma_start3A_282 = tpu.memref_slice %arg3[%shift_right_arithmetic3A_1, %dma_start3A_281, %mul3A_278, %mul3A_280] : memref<8x8x224x224xf32, #tpu.memory_space<hbm>> -> memref<1x8x56x56xf32, #tpu.memory_space<hbm>>
    %dma_start3A_283 = tpu.memref_squeeze %dma_start3A_282 : memref<1x8x56x56xf32, #tpu.memory_space<hbm>> -> memref<8x56x56xf32, #tpu.memory_space<hbm>>
    %dma_start3A_284 = arith.constant 0 : i32
    %dma_start3A_285 = tpu.memref_slice %arg3[%shift_right_arithmetic3A_1, %dma_start3A_284, %mul3A_278, %mul3A_280] : memref<8x8x224x224xf32, #tpu.memory_space<hbm>> -> memref<1x8x56x56xf32, #tpu.memory_space<hbm>>
    %dma_start3A_286 = tpu.memref_squeeze %dma_start3A_285 : memref<1x8x56x56xf32, #tpu.memory_space<hbm>> -> memref<8x56x56xf32, #tpu.memory_space<hbm>>
    tpu.enqueue_dma source(%arg4 : memref<8x56x56xf32, #tpu.memory_space<vmem>>) target(%dma_start3A_286 : memref<8x56x56xf32, #tpu.memory_space<hbm>>) target_semaphore(%arg12 : memref<!tpu.dma_semaphore, #tpu.memory_space<semaphore_mem>>)
    %dma_wait3A_287 = arith.constant 0 : i32
    %dma_wait3A_288 = arith.constant 0 : i32
    %dma_wait3A_289 = arith.constant 0 : i32
    %dma_wait3A_290 = arith.constant 0 : i32
    %dma_wait3A_291 = tpu.memref_slice %arg2[%dma_wait3A_287, %dma_wait3A_288, %dma_wait3A_289, %dma_wait3A_290] : memref<8x8x224x224xf32, #tpu.memory_space<hbm>> -> memref<1x8x56x56xf32, #tpu.memory_space<hbm>>
    %dma_wait3A_292 = tpu.memref_squeeze %dma_wait3A_291 : memref<1x8x56x56xf32, #tpu.memory_space<hbm>> -> memref<8x56x56xf32, #tpu.memory_space<hbm>>
    %dma_wait3A_293 = arith.constant 0 : i32
    %dma_wait3A_294 = arith.constant 0 : i32
    %dma_wait3A_295 = arith.constant 0 : i32
    %dma_wait3A_296 = tpu.memref_slice %arg2[%dma_wait3A_287, %dma_wait3A_293, %dma_wait3A_294, %dma_wait3A_295] : memref<8x8x224x224xf32, #tpu.memory_space<hbm>> -> memref<1x8x56x56xf32, #tpu.memory_space<hbm>>
    %dma_wait3A_297 = tpu.memref_squeeze %dma_wait3A_296 : memref<1x8x56x56xf32, #tpu.memory_space<hbm>> -> memref<8x56x56xf32, #tpu.memory_space<hbm>>
    tpu.wait_dma2 semaphore(%arg9 : memref<!tpu.dma_semaphore, #tpu.memory_space<semaphore_mem>>) src(%dma_wait3A_297 : memref<8x56x56xf32, #tpu.memory_space<hbm>>) dst(%arg5 : memref<8x56x56xf32, #tpu.memory_space<vmem>>)
    %and3A_298 = arith.constant 3 : i32
    %and3A_299 = arith.andi %add3A, %and3A_298 : i32
    %mul3A_300 = arith.constant 4 : i32
    %mul3A_301 = arith.muli %and3A_299, %mul3A_300 : i32
    %add3A_302 = arith.constant 1 : i32
    %add3A_303 = arith.addi %mul3A_301, %add3A_302 : i32
    %lt3A_304 = arith.constant 8 : i32
    %lt3A_305 = arith.cmpi slt, %add3A_303, %lt3A_304 : i32
    %jit3A_306 = arith.constant 0 : i32
    %select_n3A_307 = arith.select %lt3A_305, %add3A_303, %jit3A_306 : i32
    %mul3A_308 = arith.constant 4 : i32
    %mul3A_309 = arith.muli %mul3A_308, %select_n3A_307 : i32
    %lt3A_310 = arith.constant 8 : i32
    %lt3A_311 = arith.cmpi slt, %add3A_303, %lt3A_310 : i32
    %sub3A_312 = arith.constant 8 : i32
    %sub3A_313 = arith.subi %add3A_303, %sub3A_312 : i32
    %jit3A_314 = arith.constant 0 : i32
    %select_n3A_315 = arith.select %lt3A_311, %jit3A_314, %sub3A_313 : i32
    %mul3A_316 = arith.constant 4 : i32
    %mul3A_317 = arith.muli %mul3A_316, %select_n3A_315 : i32
    %lt3A_318 = arith.constant 8 : i32
    %lt3A_319 = arith.cmpi slt, %add3A_303, %lt3A_318 : i32
    %shift_right_logical3A_320 = arith.shrui %select_n3A_52, %mul3A_309 : i32
    %shift_right_logical3A_321 = arith.shrui %select_n3A_56, %mul3A_317 : i32
    %select_n3A_322 = arith.select %lt3A_319, %shift_right_logical3A_320, %shift_right_logical3A_321 : i32
    %and3A_323 = arith.constant 15 : i32
    %and3A_324 = arith.andi %select_n3A_322, %and3A_323 : i32
    %shift_right_arithmetic3A_325 = arith.constant 2 : i32
    %shift_right_arithmetic3A_326 = arith.shrsi %and3A_324, %shift_right_arithmetic3A_325 : i32
    %and3A_327 = arith.constant 3 : i32
    %and3A_328 = arith.andi %and3A_324, %and3A_327 : i32
    %shift_right_arithmetic3A_329 = arith.constant 2 : i32
    %shift_right_arithmetic3A_330 = arith.shrsi %add3A_303, %shift_right_arithmetic3A_329 : i32
    %and3A_331 = arith.constant 3 : i32
    %and3A_332 = arith.andi %add3A_303, %and3A_331 : i32
    %mul3A_333 = arith.constant 56 : i32
    %mul3A_334 = arith.muli %shift_right_arithmetic3A_330, %mul3A_333 : i32
    %mul3A_335 = arith.constant 56 : i32
    %mul3A_336 = arith.muli %and3A_332, %mul3A_335 : i32
    %dma_start3A_337 = arith.constant 0 : i32
    %dma_start3A_338 = tpu.memref_slice %arg3[%shift_right_arithmetic3A_1, %dma_start3A_337, %mul3A_334, %mul3A_336] : memref<8x8x224x224xf32, #tpu.memory_space<hbm>> -> memref<1x8x56x56xf32, #tpu.memory_space<hbm>>
    %dma_start3A_339 = tpu.memref_squeeze %dma_start3A_338 : memref<1x8x56x56xf32, #tpu.memory_space<hbm>> -> memref<8x56x56xf32, #tpu.memory_space<hbm>>
    %dma_start3A_340 = arith.constant 0 : i32
    %dma_start3A_341 = tpu.memref_slice %arg3[%shift_right_arithmetic3A_1, %dma_start3A_340, %mul3A_334, %mul3A_336] : memref<8x8x224x224xf32, #tpu.memory_space<hbm>> -> memref<1x8x56x56xf32, #tpu.memory_space<hbm>>
    %dma_start3A_342 = tpu.memref_squeeze %dma_start3A_341 : memref<1x8x56x56xf32, #tpu.memory_space<hbm>> -> memref<8x56x56xf32, #tpu.memory_space<hbm>>
    tpu.enqueue_dma source(%arg5 : memref<8x56x56xf32, #tpu.memory_space<vmem>>) target(%dma_start3A_342 : memref<8x56x56xf32, #tpu.memory_space<hbm>>) target_semaphore(%arg13 : memref<!tpu.dma_semaphore, #tpu.memory_space<semaphore_mem>>)
    %dma_wait3A_343 = arith.constant 0 : i32
    %dma_wait3A_344 = arith.constant 0 : i32
    %dma_wait3A_345 = arith.constant 0 : i32
    %dma_wait3A_346 = arith.constant 0 : i32
    %dma_wait3A_347 = tpu.memref_slice %arg2[%dma_wait3A_343, %dma_wait3A_344, %dma_wait3A_345, %dma_wait3A_346] : memref<8x8x224x224xf32, #tpu.memory_space<hbm>> -> memref<1x8x56x56xf32, #tpu.memory_space<hbm>>
    %dma_wait3A_348 = tpu.memref_squeeze %dma_wait3A_347 : memref<1x8x56x56xf32, #tpu.memory_space<hbm>> -> memref<8x56x56xf32, #tpu.memory_space<hbm>>
    %dma_wait3A_349 = arith.constant 0 : i32
    %dma_wait3A_350 = arith.constant 0 : i32
    %dma_wait3A_351 = arith.constant 0 : i32
    %dma_wait3A_352 = tpu.memref_slice %arg2[%dma_wait3A_343, %dma_wait3A_349, %dma_wait3A_350, %dma_wait3A_351] : memref<8x8x224x224xf32, #tpu.memory_space<hbm>> -> memref<1x8x56x56xf32, #tpu.memory_space<hbm>>
    %dma_wait3A_353 = tpu.memref_squeeze %dma_wait3A_352 : memref<1x8x56x56xf32, #tpu.memory_space<hbm>> -> memref<8x56x56xf32, #tpu.memory_space<hbm>>
    tpu.wait_dma2 semaphore(%arg10 : memref<!tpu.dma_semaphore, #tpu.memory_space<semaphore_mem>>) src(%dma_wait3A_353 : memref<8x56x56xf32, #tpu.memory_space<hbm>>) dst(%arg6 : memref<8x56x56xf32, #tpu.memory_space<vmem>>)
    %and3A_354 = arith.constant 3 : i32
    %and3A_355 = arith.andi %add3A, %and3A_354 : i32
    %mul3A_356 = arith.constant 4 : i32
    %mul3A_357 = arith.muli %and3A_355, %mul3A_356 : i32
    %add3A_358 = arith.constant 2 : i32
    %add3A_359 = arith.addi %mul3A_357, %add3A_358 : i32
    %lt3A_360 = arith.constant 8 : i32
    %lt3A_361 = arith.cmpi slt, %add3A_359, %lt3A_360 : i32
    %jit3A_362 = arith.constant 0 : i32
    %select_n3A_363 = arith.select %lt3A_361, %add3A_359, %jit3A_362 : i32
    %mul3A_364 = arith.constant 4 : i32
    %mul3A_365 = arith.muli %mul3A_364, %select_n3A_363 : i32
    %lt3A_366 = arith.constant 8 : i32
    %lt3A_367 = arith.cmpi slt, %add3A_359, %lt3A_366 : i32
    %sub3A_368 = arith.constant 8 : i32
    %sub3A_369 = arith.subi %add3A_359, %sub3A_368 : i32
    %jit3A_370 = arith.constant 0 : i32
    %select_n3A_371 = arith.select %lt3A_367, %jit3A_370, %sub3A_369 : i32
    %mul3A_372 = arith.constant 4 : i32
    %mul3A_373 = arith.muli %mul3A_372, %select_n3A_371 : i32
    %lt3A_374 = arith.constant 8 : i32
    %lt3A_375 = arith.cmpi slt, %add3A_359, %lt3A_374 : i32
    %shift_right_logical3A_376 = arith.shrui %select_n3A_52, %mul3A_365 : i32
    %shift_right_logical3A_377 = arith.shrui %select_n3A_56, %mul3A_373 : i32
    %select_n3A_378 = arith.select %lt3A_375, %shift_right_logical3A_376, %shift_right_logical3A_377 : i32
    %and3A_379 = arith.constant 15 : i32
    %and3A_380 = arith.andi %select_n3A_378, %and3A_379 : i32
    %shift_right_arithmetic3A_381 = arith.constant 2 : i32
    %shift_right_arithmetic3A_382 = arith.shrsi %and3A_380, %shift_right_arithmetic3A_381 : i32
    %and3A_383 = arith.constant 3 : i32
    %and3A_384 = arith.andi %and3A_380, %and3A_383 : i32
    %shift_right_arithmetic3A_385 = arith.constant 2 : i32
    %shift_right_arithmetic3A_386 = arith.shrsi %add3A_359, %shift_right_arithmetic3A_385 : i32
    %and3A_387 = arith.constant 3 : i32
    %and3A_388 = arith.andi %add3A_359, %and3A_387 : i32
    %mul3A_389 = arith.constant 56 : i32
    %mul3A_390 = arith.muli %shift_right_arithmetic3A_386, %mul3A_389 : i32
    %mul3A_391 = arith.constant 56 : i32
    %mul3A_392 = arith.muli %and3A_388, %mul3A_391 : i32
    %dma_start3A_393 = arith.constant 0 : i32
    %dma_start3A_394 = tpu.memref_slice %arg3[%shift_right_arithmetic3A_1, %dma_start3A_393, %mul3A_390, %mul3A_392] : memref<8x8x224x224xf32, #tpu.memory_space<hbm>> -> memref<1x8x56x56xf32, #tpu.memory_space<hbm>>
    %dma_start3A_395 = tpu.memref_squeeze %dma_start3A_394 : memref<1x8x56x56xf32, #tpu.memory_space<hbm>> -> memref<8x56x56xf32, #tpu.memory_space<hbm>>
    %dma_start3A_396 = arith.constant 0 : i32
    %dma_start3A_397 = tpu.memref_slice %arg3[%shift_right_arithmetic3A_1, %dma_start3A_396, %mul3A_390, %mul3A_392] : memref<8x8x224x224xf32, #tpu.memory_space<hbm>> -> memref<1x8x56x56xf32, #tpu.memory_space<hbm>>
    %dma_start3A_398 = tpu.memref_squeeze %dma_start3A_397 : memref<1x8x56x56xf32, #tpu.memory_space<hbm>> -> memref<8x56x56xf32, #tpu.memory_space<hbm>>
    tpu.enqueue_dma source(%arg6 : memref<8x56x56xf32, #tpu.memory_space<vmem>>) target(%dma_start3A_398 : memref<8x56x56xf32, #tpu.memory_space<hbm>>) target_semaphore(%arg14 : memref<!tpu.dma_semaphore, #tpu.memory_space<semaphore_mem>>)
    %dma_wait3A_399 = arith.constant 0 : i32
    %dma_wait3A_400 = arith.constant 0 : i32
    %dma_wait3A_401 = arith.constant 0 : i32
    %dma_wait3A_402 = arith.constant 0 : i32
    %dma_wait3A_403 = tpu.memref_slice %arg2[%dma_wait3A_399, %dma_wait3A_400, %dma_wait3A_401, %dma_wait3A_402] : memref<8x8x224x224xf32, #tpu.memory_space<hbm>> -> memref<1x8x56x56xf32, #tpu.memory_space<hbm>>
    %dma_wait3A_404 = tpu.memref_squeeze %dma_wait3A_403 : memref<1x8x56x56xf32, #tpu.memory_space<hbm>> -> memref<8x56x56xf32, #tpu.memory_space<hbm>>
    %dma_wait3A_405 = arith.constant 0 : i32
    %dma_wait3A_406 = arith.constant 0 : i32
    %dma_wait3A_407 = arith.constant 0 : i32
    %dma_wait3A_408 = tpu.memref_slice %arg2[%dma_wait3A_399, %dma_wait3A_405, %dma_wait3A_406, %dma_wait3A_407] : memref<8x8x224x224xf32, #tpu.memory_space<hbm>> -> memref<1x8x56x56xf32, #tpu.memory_space<hbm>>
    %dma_wait3A_409 = tpu.memref_squeeze %dma_wait3A_408 : memref<1x8x56x56xf32, #tpu.memory_space<hbm>> -> memref<8x56x56xf32, #tpu.memory_space<hbm>>
    tpu.wait_dma2 semaphore(%arg11 : memref<!tpu.dma_semaphore, #tpu.memory_space<semaphore_mem>>) src(%dma_wait3A_409 : memref<8x56x56xf32, #tpu.memory_space<hbm>>) dst(%arg7 : memref<8x56x56xf32, #tpu.memory_space<vmem>>)
    %and3A_410 = arith.constant 3 : i32
    %and3A_411 = arith.andi %add3A, %and3A_410 : i32
    %mul3A_412 = arith.constant 4 : i32
    %mul3A_413 = arith.muli %and3A_411, %mul3A_412 : i32
    %add3A_414 = arith.constant 3 : i32
    %add3A_415 = arith.addi %mul3A_413, %add3A_414 : i32
    %lt3A_416 = arith.constant 8 : i32
    %lt3A_417 = arith.cmpi slt, %add3A_415, %lt3A_416 : i32
    %jit3A_418 = arith.constant 0 : i32
    %select_n3A_419 = arith.select %lt3A_417, %add3A_415, %jit3A_418 : i32
    %mul3A_420 = arith.constant 4 : i32
    %mul3A_421 = arith.muli %mul3A_420, %select_n3A_419 : i32
    %lt3A_422 = arith.constant 8 : i32
    %lt3A_423 = arith.cmpi slt, %add3A_415, %lt3A_422 : i32
    %sub3A_424 = arith.constant 8 : i32
    %sub3A_425 = arith.subi %add3A_415, %sub3A_424 : i32
    %jit3A_426 = arith.constant 0 : i32
    %select_n3A_427 = arith.select %lt3A_423, %jit3A_426, %sub3A_425 : i32
    %mul3A_428 = arith.constant 4 : i32
    %mul3A_429 = arith.muli %mul3A_428, %select_n3A_427 : i32
    %lt3A_430 = arith.constant 8 : i32
    %lt3A_431 = arith.cmpi slt, %add3A_415, %lt3A_430 : i32
    %shift_right_logical3A_432 = arith.shrui %select_n3A_52, %mul3A_421 : i32
    %shift_right_logical3A_433 = arith.shrui %select_n3A_56, %mul3A_429 : i32
    %select_n3A_434 = arith.select %lt3A_431, %shift_right_logical3A_432, %shift_right_logical3A_433 : i32
    %and3A_435 = arith.constant 15 : i32
    %and3A_436 = arith.andi %select_n3A_434, %and3A_435 : i32
    %shift_right_arithmetic3A_437 = arith.constant 2 : i32
    %shift_right_arithmetic3A_438 = arith.shrsi %and3A_436, %shift_right_arithmetic3A_437 : i32
    %and3A_439 = arith.constant 3 : i32
    %and3A_440 = arith.andi %and3A_436, %and3A_439 : i32
    %shift_right_arithmetic3A_441 = arith.constant 2 : i32
    %shift_right_arithmetic3A_442 = arith.shrsi %add3A_415, %shift_right_arithmetic3A_441 : i32
    %and3A_443 = arith.constant 3 : i32
    %and3A_444 = arith.andi %add3A_415, %and3A_443 : i32
    %mul3A_445 = arith.constant 56 : i32
    %mul3A_446 = arith.muli %shift_right_arithmetic3A_442, %mul3A_445 : i32
    %mul3A_447 = arith.constant 56 : i32
    %mul3A_448 = arith.muli %and3A_444, %mul3A_447 : i32
    %dma_start3A_449 = arith.constant 0 : i32
    %dma_start3A_450 = tpu.memref_slice %arg3[%shift_right_arithmetic3A_1, %dma_start3A_449, %mul3A_446, %mul3A_448] : memref<8x8x224x224xf32, #tpu.memory_space<hbm>> -> memref<1x8x56x56xf32, #tpu.memory_space<hbm>>
    %dma_start3A_451 = tpu.memref_squeeze %dma_start3A_450 : memref<1x8x56x56xf32, #tpu.memory_space<hbm>> -> memref<8x56x56xf32, #tpu.memory_space<hbm>>
    %dma_start3A_452 = arith.constant 0 : i32
    %dma_start3A_453 = tpu.memref_slice %arg3[%shift_right_arithmetic3A_1, %dma_start3A_452, %mul3A_446, %mul3A_448] : memref<8x8x224x224xf32, #tpu.memory_space<hbm>> -> memref<1x8x56x56xf32, #tpu.memory_space<hbm>>
    %dma_start3A_454 = tpu.memref_squeeze %dma_start3A_453 : memref<1x8x56x56xf32, #tpu.memory_space<hbm>> -> memref<8x56x56xf32, #tpu.memory_space<hbm>>
    tpu.enqueue_dma source(%arg7 : memref<8x56x56xf32, #tpu.memory_space<vmem>>) target(%dma_start3A_454 : memref<8x56x56xf32, #tpu.memory_space<hbm>>) target_semaphore(%arg15 : memref<!tpu.dma_semaphore, #tpu.memory_space<semaphore_mem>>)
    %dma_wait3A_455 = arith.constant 0 : i32
    %dma_wait3A_456 = arith.constant 0 : i32
    %dma_wait3A_457 = arith.constant 0 : i32
    %dma_wait3A_458 = arith.constant 0 : i32
    %dma_wait3A_459 = tpu.memref_slice %arg3[%dma_wait3A_455, %dma_wait3A_456, %dma_wait3A_457, %dma_wait3A_458] : memref<8x8x224x224xf32, #tpu.memory_space<hbm>> -> memref<1x8x56x56xf32, #tpu.memory_space<hbm>>
    %dma_wait3A_460 = tpu.memref_squeeze %dma_wait3A_459 : memref<1x8x56x56xf32, #tpu.memory_space<hbm>> -> memref<8x56x56xf32, #tpu.memory_space<hbm>>
    %dma_wait3A_461 = arith.constant 0 : i32
    %dma_wait3A_462 = arith.constant 0 : i32
    %dma_wait3A_463 = arith.constant 0 : i32
    %dma_wait3A_464 = tpu.memref_slice %arg3[%dma_wait3A_455, %dma_wait3A_461, %dma_wait3A_462, %dma_wait3A_463] : memref<8x8x224x224xf32, #tpu.memory_space<hbm>> -> memref<1x8x56x56xf32, #tpu.memory_space<hbm>>
    %dma_wait3A_465 = tpu.memref_squeeze %dma_wait3A_464 : memref<1x8x56x56xf32, #tpu.memory_space<hbm>> -> memref<8x56x56xf32, #tpu.memory_space<hbm>>
    tpu.wait_dma2 semaphore(%arg12 : memref<!tpu.dma_semaphore, #tpu.memory_space<semaphore_mem>>) src(%arg4 : memref<8x56x56xf32, #tpu.memory_space<vmem>>) dst(%dma_wait3A_465 : memref<8x56x56xf32, #tpu.memory_space<hbm>>)
    %dma_wait3A_466 = arith.constant 0 : i32
    %dma_wait3A_467 = arith.constant 0 : i32
    %dma_wait3A_468 = arith.constant 0 : i32
    %dma_wait3A_469 = arith.constant 0 : i32
    %dma_wait3A_470 = tpu.memref_slice %arg3[%dma_wait3A_466, %dma_wait3A_467, %dma_wait3A_468, %dma_wait3A_469] : memref<8x8x224x224xf32, #tpu.memory_space<hbm>> -> memref<1x8x56x56xf32, #tpu.memory_space<hbm>>
    %dma_wait3A_471 = tpu.memref_squeeze %dma_wait3A_470 : memref<1x8x56x56xf32, #tpu.memory_space<hbm>> -> memref<8x56x56xf32, #tpu.memory_space<hbm>>
    %dma_wait3A_472 = arith.constant 0 : i32
    %dma_wait3A_473 = arith.constant 0 : i32
    %dma_wait3A_474 = arith.constant 0 : i32
    %dma_wait3A_475 = tpu.memref_slice %arg3[%dma_wait3A_466, %dma_wait3A_472, %dma_wait3A_473, %dma_wait3A_474] : memref<8x8x224x224xf32, #tpu.memory_space<hbm>> -> memref<1x8x56x56xf32, #tpu.memory_space<hbm>>
    %dma_wait3A_476 = tpu.memref_squeeze %dma_wait3A_475 : memref<1x8x56x56xf32, #tpu.memory_space<hbm>> -> memref<8x56x56xf32, #tpu.memory_space<hbm>>
    tpu.wait_dma2 semaphore(%arg13 : memref<!tpu.dma_semaphore, #tpu.memory_space<semaphore_mem>>) src(%arg5 : memref<8x56x56xf32, #tpu.memory_space<vmem>>) dst(%dma_wait3A_476 : memref<8x56x56xf32, #tpu.memory_space<hbm>>)
    %dma_wait3A_477 = arith.constant 0 : i32
    %dma_wait3A_478 = arith.constant 0 : i32
    %dma_wait3A_479 = arith.constant 0 : i32
    %dma_wait3A_480 = arith.constant 0 : i32
    %dma_wait3A_481 = tpu.memref_slice %arg3[%dma_wait3A_477, %dma_wait3A_478, %dma_wait3A_479, %dma_wait3A_480] : memref<8x8x224x224xf32, #tpu.memory_space<hbm>> -> memref<1x8x56x56xf32, #tpu.memory_space<hbm>>
    %dma_wait3A_482 = tpu.memref_squeeze %dma_wait3A_481 : memref<1x8x56x56xf32, #tpu.memory_space<hbm>> -> memref<8x56x56xf32, #tpu.memory_space<hbm>>
    %dma_wait3A_483 = arith.constant 0 : i32
    %dma_wait3A_484 = arith.constant 0 : i32
    %dma_wait3A_485 = arith.constant 0 : i32
    %dma_wait3A_486 = tpu.memref_slice %arg3[%dma_wait3A_477, %dma_wait3A_483, %dma_wait3A_484, %dma_wait3A_485] : memref<8x8x224x224xf32, #tpu.memory_space<hbm>> -> memref<1x8x56x56xf32, #tpu.memory_space<hbm>>
    %dma_wait3A_487 = tpu.memref_squeeze %dma_wait3A_486 : memref<1x8x56x56xf32, #tpu.memory_space<hbm>> -> memref<8x56x56xf32, #tpu.memory_space<hbm>>
    tpu.wait_dma2 semaphore(%arg14 : memref<!tpu.dma_semaphore, #tpu.memory_space<semaphore_mem>>) src(%arg6 : memref<8x56x56xf32, #tpu.memory_space<vmem>>) dst(%dma_wait3A_487 : memref<8x56x56xf32, #tpu.memory_space<hbm>>)
    %dma_wait3A_488 = arith.constant 0 : i32
    %dma_wait3A_489 = arith.constant 0 : i32
    %dma_wait3A_490 = arith.constant 0 : i32
    %dma_wait3A_491 = arith.constant 0 : i32
    %dma_wait3A_492 = tpu.memref_slice %arg3[%dma_wait3A_488, %dma_wait3A_489, %dma_wait3A_490, %dma_wait3A_491] : memref<8x8x224x224xf32, #tpu.memory_space<hbm>> -> memref<1x8x56x56xf32, #tpu.memory_space<hbm>>
    %dma_wait3A_493 = tpu.memref_squeeze %dma_wait3A_492 : memref<1x8x56x56xf32, #tpu.memory_space<hbm>> -> memref<8x56x56xf32, #tpu.memory_space<hbm>>
    %dma_wait3A_494 = arith.constant 0 : i32
    %dma_wait3A_495 = arith.constant 0 : i32
    %dma_wait3A_496 = arith.constant 0 : i32
    %dma_wait3A_497 = tpu.memref_slice %arg3[%dma_wait3A_488, %dma_wait3A_494, %dma_wait3A_495, %dma_wait3A_496] : memref<8x8x224x224xf32, #tpu.memory_space<hbm>> -> memref<1x8x56x56xf32, #tpu.memory_space<hbm>>
    %dma_wait3A_498 = tpu.memref_squeeze %dma_wait3A_497 : memref<1x8x56x56xf32, #tpu.memory_space<hbm>> -> memref<8x56x56xf32, #tpu.memory_space<hbm>>
    tpu.wait_dma2 semaphore(%arg15 : memref<!tpu.dma_semaphore, #tpu.memory_space<semaphore_mem>>) src(%arg7 : memref<8x56x56xf32, #tpu.memory_space<vmem>>) dst(%dma_wait3A_498 : memref<8x56x56xf32, #tpu.memory_space<hbm>>)
    return
  }
}

module attributes {stable_mosaic.version = 14 : i64} {
  func.func @_tc_body(%arg0: i32, %arg1: i32, %arg2: memref<1x8x224x224xf32, #tpu.memory_space<vmem>>, %arg3: memref<1x8x224x224xf32, #tpu.memory_space<vmem>>) attributes {dimension_semantics = [#tpu.dimension_semantics<arbitrary>, #tpu.dimension_semantics<arbitrary>], iteration_bounds = array<i64: 8, 11>, scalar_prefetch = 0 : i64, scratch_operands = 0 : i64, tpu.core_type = #tpu.core_type<tc>, window_params = [{transform_indices = @transform_0, window_bounds = array<i64: 1, 8, 224, 224>}, {transform_indices = @transform_1, window_bounds = array<i64: 1, 8, 224, 224>}]} {
    %eq3A = arith.constant 0 : i32
    %eq3A_0 = arith.cmpi eq, %arg0, %eq3A : i32
    %convert_element_type3A = arith.extui %eq3A_0 : i1 to i32
    %cond3A = arith.constant 0 : i32
    %cond3A_1 = arith.cmpi ne, %convert_element_type3A, %cond3A : i32
    scf.if %cond3A_1 {
      %get3A = arith.constant 0 : index
      %get3A_37 = arith.constant 0 : index
      %get3A_38 = arith.constant 168 : index
      %get3A_39 = arith.constant 56 : index
      %get3A_40 = vector.load %arg2[%get3A, %get3A_37, %get3A_38, %get3A_39] : memref<1x8x224x224xf32, #tpu.memory_space<vmem>>, vector<1x8x56x56xf32>
      %get3A_41 = vector.shape_cast %get3A_40 : vector<1x8x56x56xf32> to vector<8x56x56xf32>
      %swap3A = arith.constant 0 : index
      %swap3A_42 = arith.constant 0 : index
      %swap3A_43 = arith.constant 0 : index
      %swap3A_44 = arith.constant 0 : index
      %swap3A_45 = vector.load %arg3[%swap3A, %swap3A_42, %swap3A_43, %swap3A_44] : memref<1x8x224x224xf32, #tpu.memory_space<vmem>>, vector<1x8x56x56xf32>
      %swap3A_46 = vector.shape_cast %swap3A_45 : vector<1x8x56x56xf32> to vector<8x56x56xf32>
      %swap3A_47 = vector.shape_cast %get3A_41 : vector<8x56x56xf32> to vector<1x8x56x56xf32>
      tpu.vector_store %arg3[%swap3A, %swap3A_42, %swap3A_43, %swap3A_44], %swap3A_47 {strides = array<i32>} : memref<1x8x224x224xf32, #tpu.memory_space<vmem>>, vector<1x8x56x56xf32>,
      %get3A_48 = arith.constant 0 : index
      %get3A_49 = arith.constant 0 : index
      %get3A_50 = arith.constant 0 : index
      %get3A_51 = arith.constant 0 : index
      %get3A_52 = vector.load %arg2[%get3A_48, %get3A_49, %get3A_50, %get3A_51] : memref<1x8x224x224xf32, #tpu.memory_space<vmem>>, vector<1x8x56x56xf32>
      %get3A_53 = vector.shape_cast %get3A_52 : vector<1x8x56x56xf32> to vector<8x56x56xf32>
      %swap3A_54 = arith.constant 0 : index
      %swap3A_55 = arith.constant 0 : index
      %swap3A_56 = arith.constant 0 : index
      %swap3A_57 = arith.constant 56 : index
      %swap3A_58 = vector.load %arg3[%swap3A_54, %swap3A_55, %swap3A_56, %swap3A_57] : memref<1x8x224x224xf32, #tpu.memory_space<vmem>>, vector<1x8x56x56xf32>
      %swap3A_59 = vector.shape_cast %swap3A_58 : vector<1x8x56x56xf32> to vector<8x56x56xf32>
      %swap3A_60 = vector.shape_cast %get3A_53 : vector<8x56x56xf32> to vector<1x8x56x56xf32>
      tpu.vector_store %arg3[%swap3A_54, %swap3A_55, %swap3A_56, %swap3A_57], %swap3A_60 {strides = array<i32>} : memref<1x8x224x224xf32, #tpu.memory_space<vmem>>, vector<1x8x56x56xf32>,
      %get3A_61 = arith.constant 0 : index
      %get3A_62 = arith.constant 0 : index
      %get3A_63 = arith.constant 56 : index
      %get3A_64 = arith.constant 112 : index
      %get3A_65 = vector.load %arg2[%get3A_61, %get3A_62, %get3A_63, %get3A_64] : memref<1x8x224x224xf32, #tpu.memory_space<vmem>>, vector<1x8x56x56xf32>
      %get3A_66 = vector.shape_cast %get3A_65 : vector<1x8x56x56xf32> to vector<8x56x56xf32>
      %swap3A_67 = arith.constant 0 : index
      %swap3A_68 = arith.constant 0 : index
      %swap3A_69 = arith.constant 0 : index
      %swap3A_70 = arith.constant 112 : index
      %swap3A_71 = vector.load %arg3[%swap3A_67, %swap3A_68, %swap3A_69, %swap3A_70] : memref<1x8x224x224xf32, #tpu.memory_space<vmem>>, vector<1x8x56x56xf32>
      %swap3A_72 = vector.shape_cast %swap3A_71 : vector<1x8x56x56xf32> to vector<8x56x56xf32>
      %swap3A_73 = vector.shape_cast %get3A_66 : vector<8x56x56xf32> to vector<1x8x56x56xf32>
      tpu.vector_store %arg3[%swap3A_67, %swap3A_68, %swap3A_69, %swap3A_70], %swap3A_73 {strides = array<i32>} : memref<1x8x224x224xf32, #tpu.memory_space<vmem>>, vector<1x8x56x56xf32>,
      %get3A_74 = arith.constant 0 : index
      %get3A_75 = arith.constant 0 : index
      %get3A_76 = arith.constant 168 : index
      %get3A_77 = arith.constant 0 : index
      %get3A_78 = vector.load %arg2[%get3A_74, %get3A_75, %get3A_76, %get3A_77] : memref<1x8x224x224xf32, #tpu.memory_space<vmem>>, vector<1x8x56x56xf32>
      %get3A_79 = vector.shape_cast %get3A_78 : vector<1x8x56x56xf32> to vector<8x56x56xf32>
      %swap3A_80 = arith.constant 0 : index
      %swap3A_81 = arith.constant 0 : index
      %swap3A_82 = arith.constant 0 : index
      %swap3A_83 = arith.constant 168 : index
      %swap3A_84 = vector.load %arg3[%swap3A_80, %swap3A_81, %swap3A_82, %swap3A_83] : memref<1x8x224x224xf32, #tpu.memory_space<vmem>>, vector<1x8x56x56xf32>
      %swap3A_85 = vector.shape_cast %swap3A_84 : vector<1x8x56x56xf32> to vector<8x56x56xf32>
      %swap3A_86 = vector.shape_cast %get3A_79 : vector<8x56x56xf32> to vector<1x8x56x56xf32>
      tpu.vector_store %arg3[%swap3A_80, %swap3A_81, %swap3A_82, %swap3A_83], %swap3A_86 {strides = array<i32>} : memref<1x8x224x224xf32, #tpu.memory_space<vmem>>, vector<1x8x56x56xf32>,
      %get3A_87 = arith.constant 0 : index
      %get3A_88 = arith.constant 0 : index
      %get3A_89 = arith.constant 56 : index
      %get3A_90 = arith.constant 56 : index
      %get3A_91 = vector.load %arg2[%get3A_87, %get3A_88, %get3A_89, %get3A_90] : memref<1x8x224x224xf32, #tpu.memory_space<vmem>>, vector<1x8x56x56xf32>
      %get3A_92 = vector.shape_cast %get3A_91 : vector<1x8x56x56xf32> to vector<8x56x56xf32>
      %swap3A_93 = arith.constant 0 : index
      %swap3A_94 = arith.constant 0 : index
      %swap3A_95 = arith.constant 56 : index
      %swap3A_96 = arith.constant 0 : index
      %swap3A_97 = vector.load %arg3[%swap3A_93, %swap3A_94, %swap3A_95, %swap3A_96] : memref<1x8x224x224xf32, #tpu.memory_space<vmem>>, vector<1x8x56x56xf32>
      %swap3A_98 = vector.shape_cast %swap3A_97 : vector<1x8x56x56xf32> to vector<8x56x56xf32>
      %swap3A_99 = vector.shape_cast %get3A_92 : vector<8x56x56xf32> to vector<1x8x56x56xf32>
      tpu.vector_store %arg3[%swap3A_93, %swap3A_94, %swap3A_95, %swap3A_96], %swap3A_99 {strides = array<i32>} : memref<1x8x224x224xf32, #tpu.memory_space<vmem>>, vector<1x8x56x56xf32>,
      %get3A_100 = arith.constant 0 : index
      %get3A_101 = arith.constant 0 : index
      %get3A_102 = arith.constant 168 : index
      %get3A_103 = arith.constant 112 : index
      %get3A_104 = vector.load %arg2[%get3A_100, %get3A_101, %get3A_102, %get3A_103] : memref<1x8x224x224xf32, #tpu.memory_space<vmem>>, vector<1x8x56x56xf32>
      %get3A_105 = vector.shape_cast %get3A_104 : vector<1x8x56x56xf32> to vector<8x56x56xf32>
      %swap3A_106 = arith.constant 0 : index
      %swap3A_107 = arith.constant 0 : index
      %swap3A_108 = arith.constant 56 : index
      %swap3A_109 = arith.constant 56 : index
      %swap3A_110 = vector.load %arg3[%swap3A_106, %swap3A_107, %swap3A_108, %swap3A_109] : memref<1x8x224x224xf32, #tpu.memory_space<vmem>>, vector<1x8x56x56xf32>
      %swap3A_111 = vector.shape_cast %swap3A_110 : vector<1x8x56x56xf32> to vector<8x56x56xf32>
      %swap3A_112 = vector.shape_cast %get3A_105 : vector<8x56x56xf32> to vector<1x8x56x56xf32>
      tpu.vector_store %arg3[%swap3A_106, %swap3A_107, %swap3A_108, %swap3A_109], %swap3A_112 {strides = array<i32>} : memref<1x8x224x224xf32, #tpu.memory_space<vmem>>, vector<1x8x56x56xf32>,
      %get3A_113 = arith.constant 0 : index
      %get3A_114 = arith.constant 0 : index
      %get3A_115 = arith.constant 0 : index
      %get3A_116 = arith.constant 56 : index
      %get3A_117 = vector.load %arg2[%get3A_113, %get3A_114, %get3A_115, %get3A_116] : memref<1x8x224x224xf32, #tpu.memory_space<vmem>>, vector<1x8x56x56xf32>
      %get3A_118 = vector.shape_cast %get3A_117 : vector<1x8x56x56xf32> to vector<8x56x56xf32>
      %swap3A_119 = arith.constant 0 : index
      %swap3A_120 = arith.constant 0 : index
      %swap3A_121 = arith.constant 56 : index
      %swap3A_122 = arith.constant 112 : index
      %swap3A_123 = vector.load %arg3[%swap3A_119, %swap3A_120, %swap3A_121, %swap3A_122] : memref<1x8x224x224xf32, #tpu.memory_space<vmem>>, vector<1x8x56x56xf32>
      %swap3A_124 = vector.shape_cast %swap3A_123 : vector<1x8x56x56xf32> to vector<8x56x56xf32>
      %swap3A_125 = vector.shape_cast %get3A_118 : vector<8x56x56xf32> to vector<1x8x56x56xf32>
      tpu.vector_store %arg3[%swap3A_119, %swap3A_120, %swap3A_121, %swap3A_122], %swap3A_125 {strides = array<i32>} : memref<1x8x224x224xf32, #tpu.memory_space<vmem>>, vector<1x8x56x56xf32>,
      %get3A_126 = arith.constant 0 : index
      %get3A_127 = arith.constant 0 : index
      %get3A_128 = arith.constant 112 : index
      %get3A_129 = arith.constant 56 : index
      %get3A_130 = vector.load %arg2[%get3A_126, %get3A_127, %get3A_128, %get3A_129] : memref<1x8x224x224xf32, #tpu.memory_space<vmem>>, vector<1x8x56x56xf32>
      %get3A_131 = vector.shape_cast %get3A_130 : vector<1x8x56x56xf32> to vector<8x56x56xf32>
      %swap3A_132 = arith.constant 0 : index
      %swap3A_133 = arith.constant 0 : index
      %swap3A_134 = arith.constant 56 : index
      %swap3A_135 = arith.constant 168 : index
      %swap3A_136 = vector.load %arg3[%swap3A_132, %swap3A_133, %swap3A_134, %swap3A_135] : memref<1x8x224x224xf32, #tpu.memory_space<vmem>>, vector<1x8x56x56xf32>
      %swap3A_137 = vector.shape_cast %swap3A_136 : vector<1x8x56x56xf32> to vector<8x56x56xf32>
      %swap3A_138 = vector.shape_cast %get3A_131 : vector<8x56x56xf32> to vector<1x8x56x56xf32>
      tpu.vector_store %arg3[%swap3A_132, %swap3A_133, %swap3A_134, %swap3A_135], %swap3A_138 {strides = array<i32>} : memref<1x8x224x224xf32, #tpu.memory_space<vmem>>, vector<1x8x56x56xf32>,
      %get3A_139 = arith.constant 0 : index
      %get3A_140 = arith.constant 0 : index
      %get3A_141 = arith.constant 0 : index
      %get3A_142 = arith.constant 112 : index
      %get3A_143 = vector.load %arg2[%get3A_139, %get3A_140, %get3A_141, %get3A_142] : memref<1x8x224x224xf32, #tpu.memory_space<vmem>>, vector<1x8x56x56xf32>
      %get3A_144 = vector.shape_cast %get3A_143 : vector<1x8x56x56xf32> to vector<8x56x56xf32>
      %swap3A_145 = arith.constant 0 : index
      %swap3A_146 = arith.constant 0 : index
      %swap3A_147 = arith.constant 112 : index
      %swap3A_148 = arith.constant 0 : index
      %swap3A_149 = vector.load %arg3[%swap3A_145, %swap3A_146, %swap3A_147, %swap3A_148] : memref<1x8x224x224xf32, #tpu.memory_space<vmem>>, vector<1x8x56x56xf32>
      %swap3A_150 = vector.shape_cast %swap3A_149 : vector<1x8x56x56xf32> to vector<8x56x56xf32>
      %swap3A_151 = vector.shape_cast %get3A_144 : vector<8x56x56xf32> to vector<1x8x56x56xf32>
      tpu.vector_store %arg3[%swap3A_145, %swap3A_146, %swap3A_147, %swap3A_148], %swap3A_151 {strides = array<i32>} : memref<1x8x224x224xf32, #tpu.memory_space<vmem>>, vector<1x8x56x56xf32>,
      %get3A_152 = arith.constant 0 : index
      %get3A_153 = arith.constant 0 : index
      %get3A_154 = arith.constant 0 : index
      %get3A_155 = arith.constant 168 : index
      %get3A_156 = vector.load %arg2[%get3A_152, %get3A_153, %get3A_154, %get3A_155] : memref<1x8x224x224xf32, #tpu.memory_space<vmem>>, vector<1x8x56x56xf32>
      %get3A_157 = vector.shape_cast %get3A_156 : vector<1x8x56x56xf32> to vector<8x56x56xf32>
      %swap3A_158 = arith.constant 0 : index
      %swap3A_159 = arith.constant 0 : index
      %swap3A_160 = arith.constant 112 : index
      %swap3A_161 = arith.constant 56 : index
      %swap3A_162 = vector.load %arg3[%swap3A_158, %swap3A_159, %swap3A_160, %swap3A_161] : memref<1x8x224x224xf32, #tpu.memory_space<vmem>>, vector<1x8x56x56xf32>
      %swap3A_163 = vector.shape_cast %swap3A_162 : vector<1x8x56x56xf32> to vector<8x56x56xf32>
      %swap3A_164 = vector.shape_cast %get3A_157 : vector<8x56x56xf32> to vector<1x8x56x56xf32>
      tpu.vector_store %arg3[%swap3A_158, %swap3A_159, %swap3A_160, %swap3A_161], %swap3A_164 {strides = array<i32>} : memref<1x8x224x224xf32, #tpu.memory_space<vmem>>, vector<1x8x56x56xf32>,
      %get3A_165 = arith.constant 0 : index
      %get3A_166 = arith.constant 0 : index
      %get3A_167 = arith.constant 112 : index
      %get3A_168 = arith.constant 0 : index
      %get3A_169 = vector.load %arg2[%get3A_165, %get3A_166, %get3A_167, %get3A_168] : memref<1x8x224x224xf32, #tpu.memory_space<vmem>>, vector<1x8x56x56xf32>
      %get3A_170 = vector.shape_cast %get3A_169 : vector<1x8x56x56xf32> to vector<8x56x56xf32>
      %swap3A_171 = arith.constant 0 : index
      %swap3A_172 = arith.constant 0 : index
      %swap3A_173 = arith.constant 112 : index
      %swap3A_174 = arith.constant 112 : index
      %swap3A_175 = vector.load %arg3[%swap3A_171, %swap3A_172, %swap3A_173, %swap3A_174] : memref<1x8x224x224xf32, #tpu.memory_space<vmem>>, vector<1x8x56x56xf32>
      %swap3A_176 = vector.shape_cast %swap3A_175 : vector<1x8x56x56xf32> to vector<8x56x56xf32>
      %swap3A_177 = vector.shape_cast %get3A_170 : vector<8x56x56xf32> to vector<1x8x56x56xf32>
      tpu.vector_store %arg3[%swap3A_171, %swap3A_172, %swap3A_173, %swap3A_174], %swap3A_177 {strides = array<i32>} : memref<1x8x224x224xf32, #tpu.memory_space<vmem>>, vector<1x8x56x56xf32>,
      %get3A_178 = arith.constant 0 : index
      %get3A_179 = arith.constant 0 : index
      %get3A_180 = arith.constant 112 : index
      %get3A_181 = arith.constant 168 : index
      %get3A_182 = vector.load %arg2[%get3A_178, %get3A_179, %get3A_180, %get3A_181] : memref<1x8x224x224xf32, #tpu.memory_space<vmem>>, vector<1x8x56x56xf32>
      %get3A_183 = vector.shape_cast %get3A_182 : vector<1x8x56x56xf32> to vector<8x56x56xf32>
      %swap3A_184 = arith.constant 0 : index
      %swap3A_185 = arith.constant 0 : index
      %swap3A_186 = arith.constant 112 : index
      %swap3A_187 = arith.constant 168 : index
      %swap3A_188 = vector.load %arg3[%swap3A_184, %swap3A_185, %swap3A_186, %swap3A_187] : memref<1x8x224x224xf32, #tpu.memory_space<vmem>>, vector<1x8x56x56xf32>
      %swap3A_189 = vector.shape_cast %swap3A_188 : vector<1x8x56x56xf32> to vector<8x56x56xf32>
      %swap3A_190 = vector.shape_cast %get3A_183 : vector<8x56x56xf32> to vector<1x8x56x56xf32>
      tpu.vector_store %arg3[%swap3A_184, %swap3A_185, %swap3A_186, %swap3A_187], %swap3A_190 {strides = array<i32>} : memref<1x8x224x224xf32, #tpu.memory_space<vmem>>, vector<1x8x56x56xf32>,
      %get3A_191 = arith.constant 0 : index
      %get3A_192 = arith.constant 0 : index
      %get3A_193 = arith.constant 168 : index
      %get3A_194 = arith.constant 168 : index
      %get3A_195 = vector.load %arg2[%get3A_191, %get3A_192, %get3A_193, %get3A_194] : memref<1x8x224x224xf32, #tpu.memory_space<vmem>>, vector<1x8x56x56xf32>
      %get3A_196 = vector.shape_cast %get3A_195 : vector<1x8x56x56xf32> to vector<8x56x56xf32>
      %swap3A_197 = arith.constant 0 : index
      %swap3A_198 = arith.constant 0 : index
      %swap3A_199 = arith.constant 168 : index
      %swap3A_200 = arith.constant 0 : index
      %swap3A_201 = vector.load %arg3[%swap3A_197, %swap3A_198, %swap3A_199, %swap3A_200] : memref<1x8x224x224xf32, #tpu.memory_space<vmem>>, vector<1x8x56x56xf32>
      %swap3A_202 = vector.shape_cast %swap3A_201 : vector<1x8x56x56xf32> to vector<8x56x56xf32>
      %swap3A_203 = vector.shape_cast %get3A_196 : vector<8x56x56xf32> to vector<1x8x56x56xf32>
      tpu.vector_store %arg3[%swap3A_197, %swap3A_198, %swap3A_199, %swap3A_200], %swap3A_203 {strides = array<i32>} : memref<1x8x224x224xf32, #tpu.memory_space<vmem>>, vector<1x8x56x56xf32>,
      %get3A_204 = arith.constant 0 : index
      %get3A_205 = arith.constant 0 : index
      %get3A_206 = arith.constant 56 : index
      %get3A_207 = arith.constant 0 : index
      %get3A_208 = vector.load %arg2[%get3A_204, %get3A_205, %get3A_206, %get3A_207] : memref<1x8x224x224xf32, #tpu.memory_space<vmem>>, vector<1x8x56x56xf32>
      %get3A_209 = vector.shape_cast %get3A_208 : vector<1x8x56x56xf32> to vector<8x56x56xf32>
      %swap3A_210 = arith.constant 0 : index
      %swap3A_211 = arith.constant 0 : index
      %swap3A_212 = arith.constant 168 : index
      %swap3A_213 = arith.constant 56 : index
      %swap3A_214 = vector.load %arg3[%swap3A_210, %swap3A_211, %swap3A_212, %swap3A_213] : memref<1x8x224x224xf32, #tpu.memory_space<vmem>>, vector<1x8x56x56xf32>
      %swap3A_215 = vector.shape_cast %swap3A_214 : vector<1x8x56x56xf32> to vector<8x56x56xf32>
      %swap3A_216 = vector.shape_cast %get3A_209 : vector<8x56x56xf32> to vector<1x8x56x56xf32>
      tpu.vector_store %arg3[%swap3A_210, %swap3A_211, %swap3A_212, %swap3A_213], %swap3A_216 {strides = array<i32>} : memref<1x8x224x224xf32, #tpu.memory_space<vmem>>, vector<1x8x56x56xf32>,
      %get3A_217 = arith.constant 0 : index
      %get3A_218 = arith.constant 0 : index
      %get3A_219 = arith.constant 56 : index
      %get3A_220 = arith.constant 168 : index
      %get3A_221 = vector.load %arg2[%get3A_217, %get3A_218, %get3A_219, %get3A_220] : memref<1x8x224x224xf32, #tpu.memory_space<vmem>>, vector<1x8x56x56xf32>
      %get3A_222 = vector.shape_cast %get3A_221 : vector<1x8x56x56xf32> to vector<8x56x56xf32>
      %swap3A_223 = arith.constant 0 : index
      %swap3A_224 = arith.constant 0 : index
      %swap3A_225 = arith.constant 168 : index
      %swap3A_226 = arith.constant 112 : index
      %swap3A_227 = vector.load %arg3[%swap3A_223, %swap3A_224, %swap3A_225, %swap3A_226] : memref<1x8x224x224xf32, #tpu.memory_space<vmem>>, vector<1x8x56x56xf32>
      %swap3A_228 = vector.shape_cast %swap3A_227 : vector<1x8x56x56xf32> to vector<8x56x56xf32>
      %swap3A_229 = vector.shape_cast %get3A_222 : vector<8x56x56xf32> to vector<1x8x56x56xf32>
      tpu.vector_store %arg3[%swap3A_223, %swap3A_224, %swap3A_225, %swap3A_226], %swap3A_229 {strides = array<i32>} : memref<1x8x224x224xf32, #tpu.memory_space<vmem>>, vector<1x8x56x56xf32>,
      %get3A_230 = arith.constant 0 : index
      %get3A_231 = arith.constant 0 : index
      %get3A_232 = arith.constant 112 : index
      %get3A_233 = arith.constant 112 : index
      %get3A_234 = vector.load %arg2[%get3A_230, %get3A_231, %get3A_232, %get3A_233] : memref<1x8x224x224xf32, #tpu.memory_space<vmem>>, vector<1x8x56x56xf32>
      %get3A_235 = vector.shape_cast %get3A_234 : vector<1x8x56x56xf32> to vector<8x56x56xf32>
      %swap3A_236 = arith.constant 0 : index
      %swap3A_237 = arith.constant 0 : index
      %swap3A_238 = arith.constant 168 : index
      %swap3A_239 = arith.constant 168 : index
      %swap3A_240 = vector.load %arg3[%swap3A_236, %swap3A_237, %swap3A_238, %swap3A_239] : memref<1x8x224x224xf32, #tpu.memory_space<vmem>>, vector<1x8x56x56xf32>
      %swap3A_241 = vector.shape_cast %swap3A_240 : vector<1x8x56x56xf32> to vector<8x56x56xf32>
      %swap3A_242 = vector.shape_cast %get3A_235 : vector<8x56x56xf32> to vector<1x8x56x56xf32>
      tpu.vector_store %arg3[%swap3A_236, %swap3A_237, %swap3A_238, %swap3A_239], %swap3A_242 {strides = array<i32>} : memref<1x8x224x224xf32, #tpu.memory_space<vmem>>, vector<1x8x56x56xf32>,
    } else {
    }
    %eq3A_2 = arith.constant 1 : i32
    %eq3A_3 = arith.cmpi eq, %arg0, %eq3A_2 : i32
    %convert_element_type3A_4 = arith.extui %eq3A_3 : i1 to i32
    %cond3A_5 = arith.constant 0 : i32
    %cond3A_6 = arith.cmpi ne, %convert_element_type3A_4, %cond3A_5 : i32
    scf.if %cond3A_6 {
      %get3A = arith.constant 0 : index
      %get3A_37 = arith.constant 0 : index
      %get3A_38 = arith.constant 56 : index
      %get3A_39 = arith.constant 0 : index
      %get3A_40 = vector.load %arg2[%get3A, %get3A_37, %get3A_38, %get3A_39] : memref<1x8x224x224xf32, #tpu.memory_space<vmem>>, vector<1x8x56x56xf32>
      %get3A_41 = vector.shape_cast %get3A_40 : vector<1x8x56x56xf32> to vector<8x56x56xf32>
      %swap3A = arith.constant 0 : index
      %swap3A_42 = arith.constant 0 : index
      %swap3A_43 = arith.constant 0 : index
      %swap3A_44 = arith.constant 0 : index
      %swap3A_45 = vector.load %arg3[%swap3A, %swap3A_42, %swap3A_43, %swap3A_44] : memref<1x8x224x224xf32, #tpu.memory_space<vmem>>, vector<1x8x56x56xf32>
      %swap3A_46 = vector.shape_cast %swap3A_45 : vector<1x8x56x56xf32> to vector<8x56x56xf32>
      %swap3A_47 = vector.shape_cast %get3A_41 : vector<8x56x56xf32> to vector<1x8x56x56xf32>
      tpu.vector_store %arg3[%swap3A, %swap3A_42, %swap3A_43, %swap3A_44], %swap3A_47 {strides = array<i32>} : memref<1x8x224x224xf32, #tpu.memory_space<vmem>>, vector<1x8x56x56xf32>,
      %get3A_48 = arith.constant 0 : index
      %get3A_49 = arith.constant 0 : index
      %get3A_50 = arith.constant 168 : index
      %get3A_51 = arith.constant 168 : index
      %get3A_52 = vector.load %arg2[%get3A_48, %get3A_49, %get3A_50, %get3A_51] : memref<1x8x224x224xf32, #tpu.memory_space<vmem>>, vector<1x8x56x56xf32>
      %get3A_53 = vector.shape_cast %get3A_52 : vector<1x8x56x56xf32> to vector<8x56x56xf32>
      %swap3A_54 = arith.constant 0 : index
      %swap3A_55 = arith.constant 0 : index
      %swap3A_56 = arith.constant 0 : index
      %swap3A_57 = arith.constant 56 : index
      %swap3A_58 = vector.load %arg3[%swap3A_54, %swap3A_55, %swap3A_56, %swap3A_57] : memref<1x8x224x224xf32, #tpu.memory_space<vmem>>, vector<1x8x56x56xf32>
      %swap3A_59 = vector.shape_cast %swap3A_58 : vector<1x8x56x56xf32> to vector<8x56x56xf32>
      %swap3A_60 = vector.shape_cast %get3A_53 : vector<8x56x56xf32> to vector<1x8x56x56xf32>
      tpu.vector_store %arg3[%swap3A_54, %swap3A_55, %swap3A_56, %swap3A_57], %swap3A_60 {strides = array<i32>} : memref<1x8x224x224xf32, #tpu.memory_space<vmem>>, vector<1x8x56x56xf32>,
      %get3A_61 = arith.constant 0 : index
      %get3A_62 = arith.constant 0 : index
      %get3A_63 = arith.constant 0 : index
      %get3A_64 = arith.constant 0 : index
      %get3A_65 = vector.load %arg2[%get3A_61, %get3A_62, %get3A_63, %get3A_64] : memref<1x8x224x224xf32, #tpu.memory_space<vmem>>, vector<1x8x56x56xf32>
      %get3A_66 = vector.shape_cast %get3A_65 : vector<1x8x56x56xf32> to vector<8x56x56xf32>
      %swap3A_67 = arith.constant 0 : index
      %swap3A_68 = arith.constant 0 : index
      %swap3A_69 = arith.constant 0 : index
      %swap3A_70 = arith.constant 112 : index
      %swap3A_71 = vector.load %arg3[%swap3A_67, %swap3A_68, %swap3A_69, %swap3A_70] : memref<1x8x224x224xf32, #tpu.memory_space<vmem>>, vector<1x8x56x56xf32>
      %swap3A_72 = vector.shape_cast %swap3A_71 : vector<1x8x56x56xf32> to vector<8x56x56xf32>
      %swap3A_73 = vector.shape_cast %get3A_66 : vector<8x56x56xf32> to vector<1x8x56x56xf32>
      tpu.vector_store %arg3[%swap3A_67, %swap3A_68, %swap3A_69, %swap3A_70], %swap3A_73 {strides = array<i32>} : memref<1x8x224x224xf32, #tpu.memory_space<vmem>>, vector<1x8x56x56xf32>,
      %get3A_74 = arith.constant 0 : index
      %get3A_75 = arith.constant 0 : index
      %get3A_76 = arith.constant 56 : index
      %get3A_77 = arith.constant 56 : index
      %get3A_78 = vector.load %arg2[%get3A_74, %get3A_75, %get3A_76, %get3A_77] : memref<1x8x224x224xf32, #tpu.memory_space<vmem>>, vector<1x8x56x56xf32>
      %get3A_79 = vector.shape_cast %get3A_78 : vector<1x8x56x56xf32> to vector<8x56x56xf32>
      %swap3A_80 = arith.constant 0 : index
      %swap3A_81 = arith.constant 0 : index
      %swap3A_82 = arith.constant 0 : index
      %swap3A_83 = arith.constant 168 : index
      %swap3A_84 = vector.load %arg3[%swap3A_80, %swap3A_81, %swap3A_82, %swap3A_83] : memref<1x8x224x224xf32, #tpu.memory_space<vmem>>, vector<1x8x56x56xf32>
      %swap3A_85 = vector.shape_cast %swap3A_84 : vector<1x8x56x56xf32> to vector<8x56x56xf32>
      %swap3A_86 = vector.shape_cast %get3A_79 : vector<8x56x56xf32> to vector<1x8x56x56xf32>
      tpu.vector_store %arg3[%swap3A_80, %swap3A_81, %swap3A_82, %swap3A_83], %swap3A_86 {strides = array<i32>} : memref<1x8x224x224xf32, #tpu.memory_space<vmem>>, vector<1x8x56x56xf32>,
      %get3A_87 = arith.constant 0 : index
      %get3A_88 = arith.constant 0 : index
      %get3A_89 = arith.constant 56 : index
      %get3A_90 = arith.constant 112 : index
      %get3A_91 = vector.load %arg2[%get3A_87, %get3A_88, %get3A_89, %get3A_90] : memref<1x8x224x224xf32, #tpu.memory_space<vmem>>, vector<1x8x56x56xf32>
      %get3A_92 = vector.shape_cast %get3A_91 : vector<1x8x56x56xf32> to vector<8x56x56xf32>
      %swap3A_93 = arith.constant 0 : index
      %swap3A_94 = arith.constant 0 : index
      %swap3A_95 = arith.constant 56 : index
      %swap3A_96 = arith.constant 0 : index
      %swap3A_97 = vector.load %arg3[%swap3A_93, %swap3A_94, %swap3A_95, %swap3A_96] : memref<1x8x224x224xf32, #tpu.memory_space<vmem>>, vector<1x8x56x56xf32>
      %swap3A_98 = vector.shape_cast %swap3A_97 : vector<1x8x56x56xf32> to vector<8x56x56xf32>
      %swap3A_99 = vector.shape_cast %get3A_92 : vector<8x56x56xf32> to vector<1x8x56x56xf32>
      tpu.vector_store %arg3[%swap3A_93, %swap3A_94, %swap3A_95, %swap3A_96], %swap3A_99 {strides = array<i32>} : memref<1x8x224x224xf32, #tpu.memory_space<vmem>>, vector<1x8x56x56xf32>,
      %get3A_100 = arith.constant 0 : index
      %get3A_101 = arith.constant 0 : index
      %get3A_102 = arith.constant 112 : index
      %get3A_103 = arith.constant 56 : index
      %get3A_104 = vector.load %arg2[%get3A_100, %get3A_101, %get3A_102, %get3A_103] : memref<1x8x224x224xf32, #tpu.memory_space<vmem>>, vector<1x8x56x56xf32>
      %get3A_105 = vector.shape_cast %get3A_104 : vector<1x8x56x56xf32> to vector<8x56x56xf32>
      %swap3A_106 = arith.constant 0 : index
      %swap3A_107 = arith.constant 0 : index
      %swap3A_108 = arith.constant 56 : index
      %swap3A_109 = arith.constant 56 : index
      %swap3A_110 = vector.load %arg3[%swap3A_106, %swap3A_107, %swap3A_108, %swap3A_109] : memref<1x8x224x224xf32, #tpu.memory_space<vmem>>, vector<1x8x56x56xf32>
      %swap3A_111 = vector.shape_cast %swap3A_110 : vector<1x8x56x56xf32> to vector<8x56x56xf32>
      %swap3A_112 = vector.shape_cast %get3A_105 : vector<8x56x56xf32> to vector<1x8x56x56xf32>
      tpu.vector_store %arg3[%swap3A_106, %swap3A_107, %swap3A_108, %swap3A_109], %swap3A_112 {strides = array<i32>} : memref<1x8x224x224xf32, #tpu.memory_space<vmem>>, vector<1x8x56x56xf32>,
      %get3A_113 = arith.constant 0 : index
      %get3A_114 = arith.constant 0 : index
      %get3A_115 = arith.constant 168 : index
      %get3A_116 = arith.constant 112 : index
      %get3A_117 = vector.load %arg2[%get3A_113, %get3A_114, %get3A_115, %get3A_116] : memref<1x8x224x224xf32, #tpu.memory_space<vmem>>, vector<1x8x56x56xf32>
      %get3A_118 = vector.shape_cast %get3A_117 : vector<1x8x56x56xf32> to vector<8x56x56xf32>
      %swap3A_119 = arith.constant 0 : index
      %swap3A_120 = arith.constant 0 : index
      %swap3A_121 = arith.constant 56 : index
      %swap3A_122 = arith.constant 112 : index
      %swap3A_123 = vector.load %arg3[%swap3A_119, %swap3A_120, %swap3A_121, %swap3A_122] : memref<1x8x224x224xf32, #tpu.memory_space<vmem>>, vector<1x8x56x56xf32>
      %swap3A_124 = vector.shape_cast %swap3A_123 : vector<1x8x56x56xf32> to vector<8x56x56xf32>
      %swap3A_125 = vector.shape_cast %get3A_118 : vector<8x56x56xf32> to vector<1x8x56x56xf32>
      tpu.vector_store %arg3[%swap3A_119, %swap3A_120, %swap3A_121, %swap3A_122], %swap3A_125 {strides = array<i32>} : memref<1x8x224x224xf32, #tpu.memory_space<vmem>>, vector<1x8x56x56xf32>,
      %get3A_126 = arith.constant 0 : index
      %get3A_127 = arith.constant 0 : index
      %get3A_128 = arith.constant 168 : index
      %get3A_129 = arith.constant 56 : index
      %get3A_130 = vector.load %arg2[%get3A_126, %get3A_127, %get3A_128, %get3A_129] : memref<1x8x224x224xf32, #tpu.memory_space<vmem>>, vector<1x8x56x56xf32>
      %get3A_131 = vector.shape_cast %get3A_130 : vector<1x8x56x56xf32> to vector<8x56x56xf32>
      %swap3A_132 = arith.constant 0 : index
      %swap3A_133 = arith.constant 0 : index
      %swap3A_134 = arith.constant 56 : index
      %swap3A_135 = arith.constant 168 : index
      %swap3A_136 = vector.load %arg3[%swap3A_132, %swap3A_133, %swap3A_134, %swap3A_135] : memref<1x8x224x224xf32, #tpu.memory_space<vmem>>, vector<1x8x56x56xf32>
      %swap3A_137 = vector.shape_cast %swap3A_136 : vector<1x8x56x56xf32> to vector<8x56x56xf32>
      %swap3A_138 = vector.shape_cast %get3A_131 : vector<8x56x56xf32> to vector<1x8x56x56xf32>
      tpu.vector_store %arg3[%swap3A_132, %swap3A_133, %swap3A_134, %swap3A_135], %swap3A_138 {strides = array<i32>} : memref<1x8x224x224xf32, #tpu.memory_space<vmem>>, vector<1x8x56x56xf32>,
      %get3A_139 = arith.constant 0 : index
      %get3A_140 = arith.constant 0 : index
      %get3A_141 = arith.constant 112 : index
      %get3A_142 = arith.constant 168 : index
      %get3A_143 = vector.load %arg2[%get3A_139, %get3A_140, %get3A_141, %get3A_142] : memref<1x8x224x224xf32, #tpu.memory_space<vmem>>, vector<1x8x56x56xf32>
      %get3A_144 = vector.shape_cast %get3A_143 : vector<1x8x56x56xf32> to vector<8x56x56xf32>
      %swap3A_145 = arith.constant 0 : index
      %swap3A_146 = arith.constant 0 : index
      %swap3A_147 = arith.constant 112 : index
      %swap3A_148 = arith.constant 0 : index
      %swap3A_149 = vector.load %arg3[%swap3A_145, %swap3A_146, %swap3A_147, %swap3A_148] : memref<1x8x224x224xf32, #tpu.memory_space<vmem>>, vector<1x8x56x56xf32>
      %swap3A_150 = vector.shape_cast %swap3A_149 : vector<1x8x56x56xf32> to vector<8x56x56xf32>
      %swap3A_151 = vector.shape_cast %get3A_144 : vector<8x56x56xf32> to vector<1x8x56x56xf32>
      tpu.vector_store %arg3[%swap3A_145, %swap3A_146, %swap3A_147, %swap3A_148], %swap3A_151 {strides = array<i32>} : memref<1x8x224x224xf32, #tpu.memory_space<vmem>>, vector<1x8x56x56xf32>,
      %get3A_152 = arith.constant 0 : index
      %get3A_153 = arith.constant 0 : index
      %get3A_154 = arith.constant 0 : index
      %get3A_155 = arith.constant 168 : index
      %get3A_156 = vector.load %arg2[%get3A_152, %get3A_153, %get3A_154, %get3A_155] : memref<1x8x224x224xf32, #tpu.memory_space<vmem>>, vector<1x8x56x56xf32>
      %get3A_157 = vector.shape_cast %get3A_156 : vector<1x8x56x56xf32> to vector<8x56x56xf32>
      %swap3A_158 = arith.constant 0 : index
      %swap3A_159 = arith.constant 0 : index
      %swap3A_160 = arith.constant 112 : index
      %swap3A_161 = arith.constant 56 : index
      %swap3A_162 = vector.load %arg3[%swap3A_158, %swap3A_159, %swap3A_160, %swap3A_161] : memref<1x8x224x224xf32, #tpu.memory_space<vmem>>, vector<1x8x56x56xf32>
      %swap3A_163 = vector.shape_cast %swap3A_162 : vector<1x8x56x56xf32> to vector<8x56x56xf32>
      %swap3A_164 = vector.shape_cast %get3A_157 : vector<8x56x56xf32> to vector<1x8x56x56xf32>
      tpu.vector_store %arg3[%swap3A_158, %swap3A_159, %swap3A_160, %swap3A_161], %swap3A_164 {strides = array<i32>} : memref<1x8x224x224xf32, #tpu.memory_space<vmem>>, vector<1x8x56x56xf32>,
      %get3A_165 = arith.constant 0 : index
      %get3A_166 = arith.constant 0 : index
      %get3A_167 = arith.constant 56 : index
      %get3A_168 = arith.constant 168 : index
      %get3A_169 = vector.load %arg2[%get3A_165, %get3A_166, %get3A_167, %get3A_168] : memref<1x8x224x224xf32, #tpu.memory_space<vmem>>, vector<1x8x56x56xf32>
      %get3A_170 = vector.shape_cast %get3A_169 : vector<1x8x56x56xf32> to vector<8x56x56xf32>
      %swap3A_171 = arith.constant 0 : index
      %swap3A_172 = arith.constant 0 : index
      %swap3A_173 = arith.constant 112 : index
      %swap3A_174 = arith.constant 112 : index
      %swap3A_175 = vector.load %arg3[%swap3A_171, %swap3A_172, %swap3A_173, %swap3A_174] : memref<1x8x224x224xf32, #tpu.memory_space<vmem>>, vector<1x8x56x56xf32>
      %swap3A_176 = vector.shape_cast %swap3A_175 : vector<1x8x56x56xf32> to vector<8x56x56xf32>
      %swap3A_177 = vector.shape_cast %get3A_170 : vector<8x56x56xf32> to vector<1x8x56x56xf32>
      tpu.vector_store %arg3[%swap3A_171, %swap3A_172, %swap3A_173, %swap3A_174], %swap3A_177 {strides = array<i32>} : memref<1x8x224x224xf32, #tpu.memory_space<vmem>>, vector<1x8x56x56xf32>,
      %get3A_178 = arith.constant 0 : index
      %get3A_179 = arith.constant 0 : index
      %get3A_180 = arith.constant 112 : index
      %get3A_181 = arith.constant 0 : index
      %get3A_182 = vector.load %arg2[%get3A_178, %get3A_179, %get3A_180, %get3A_181] : memref<1x8x224x224xf32, #tpu.memory_space<vmem>>, vector<1x8x56x56xf32>
      %get3A_183 = vector.shape_cast %get3A_182 : vector<1x8x56x56xf32> to vector<8x56x56xf32>
      %swap3A_184 = arith.constant 0 : index
      %swap3A_185 = arith.constant 0 : index
      %swap3A_186 = arith.constant 112 : index
      %swap3A_187 = arith.constant 168 : index
      %swap3A_188 = vector.load %arg3[%swap3A_184, %swap3A_185, %swap3A_186, %swap3A_187] : memref<1x8x224x224xf32, #tpu.memory_space<vmem>>, vector<1x8x56x56xf32>
      %swap3A_189 = vector.shape_cast %swap3A_188 : vector<1x8x56x56xf32> to vector<8x56x56xf32>
      %swap3A_190 = vector.shape_cast %get3A_183 : vector<8x56x56xf32> to vector<1x8x56x56xf32>
      tpu.vector_store %arg3[%swap3A_184, %swap3A_185, %swap3A_186, %swap3A_187], %swap3A_190 {strides = array<i32>} : memref<1x8x224x224xf32, #tpu.memory_space<vmem>>, vector<1x8x56x56xf32>,
      %get3A_191 = arith.constant 0 : index
      %get3A_192 = arith.constant 0 : index
      %get3A_193 = arith.constant 0 : index
      %get3A_194 = arith.constant 112 : index
      %get3A_195 = vector.load %arg2[%get3A_191, %get3A_192, %get3A_193, %get3A_194] : memref<1x8x224x224xf32, #tpu.memory_space<vmem>>, vector<1x8x56x56xf32>
      %get3A_196 = vector.shape_cast %get3A_195 : vector<1x8x56x56xf32> to vector<8x56x56xf32>
      %swap3A_197 = arith.constant 0 : index
      %swap3A_198 = arith.constant 0 : index
      %swap3A_199 = arith.constant 168 : index
      %swap3A_200 = arith.constant 0 : index
      %swap3A_201 = vector.load %arg3[%swap3A_197, %swap3A_198, %swap3A_199, %swap3A_200] : memref<1x8x224x224xf32, #tpu.memory_space<vmem>>, vector<1x8x56x56xf32>
      %swap3A_202 = vector.shape_cast %swap3A_201 : vector<1x8x56x56xf32> to vector<8x56x56xf32>
      %swap3A_203 = vector.shape_cast %get3A_196 : vector<8x56x56xf32> to vector<1x8x56x56xf32>
      tpu.vector_store %arg3[%swap3A_197, %swap3A_198, %swap3A_199, %swap3A_200], %swap3A_203 {strides = array<i32>} : memref<1x8x224x224xf32, #tpu.memory_space<vmem>>, vector<1x8x56x56xf32>,
      %get3A_204 = arith.constant 0 : index
      %get3A_205 = arith.constant 0 : index
      %get3A_206 = arith.constant 168 : index
      %get3A_207 = arith.constant 0 : index
      %get3A_208 = vector.load %arg2[%get3A_204, %get3A_205, %get3A_206, %get3A_207] : memref<1x8x224x224xf32, #tpu.memory_space<vmem>>, vector<1x8x56x56xf32>
      %get3A_209 = vector.shape_cast %get3A_208 : vector<1x8x56x56xf32> to vector<8x56x56xf32>
      %swap3A_210 = arith.constant 0 : index
      %swap3A_211 = arith.constant 0 : index
      %swap3A_212 = arith.constant 168 : index
      %swap3A_213 = arith.constant 56 : index
      %swap3A_214 = vector.load %arg3[%swap3A_210, %swap3A_211, %swap3A_212, %swap3A_213] : memref<1x8x224x224xf32, #tpu.memory_space<vmem>>, vector<1x8x56x56xf32>
      %swap3A_215 = vector.shape_cast %swap3A_214 : vector<1x8x56x56xf32> to vector<8x56x56xf32>
      %swap3A_216 = vector.shape_cast %get3A_209 : vector<8x56x56xf32> to vector<1x8x56x56xf32>
      tpu.vector_store %arg3[%swap3A_210, %swap3A_211, %swap3A_212, %swap3A_213], %swap3A_216 {strides = array<i32>} : memref<1x8x224x224xf32, #tpu.memory_space<vmem>>, vector<1x8x56x56xf32>,
      %get3A_217 = arith.constant 0 : index
      %get3A_218 = arith.constant 0 : index
      %get3A_219 = arith.constant 0 : index
      %get3A_220 = arith.constant 56 : index
      %get3A_221 = vector.load %arg2[%get3A_217, %get3A_218, %get3A_219, %get3A_220] : memref<1x8x224x224xf32, #tpu.memory_space<vmem>>, vector<1x8x56x56xf32>
      %get3A_222 = vector.shape_cast %get3A_221 : vector<1x8x56x56xf32> to vector<8x56x56xf32>
      %swap3A_223 = arith.constant 0 : index
      %swap3A_224 = arith.constant 0 : index
      %swap3A_225 = arith.constant 168 : index
      %swap3A_226 = arith.constant 112 : index
      %swap3A_227 = vector.load %arg3[%swap3A_223, %swap3A_224, %swap3A_225, %swap3A_226] : memref<1x8x224x224xf32, #tpu.memory_space<vmem>>, vector<1x8x56x56xf32>
      %swap3A_228 = vector.shape_cast %swap3A_227 : vector<1x8x56x56xf32> to vector<8x56x56xf32>
      %swap3A_229 = vector.shape_cast %get3A_222 : vector<8x56x56xf32> to vector<1x8x56x56xf32>
      tpu.vector_store %arg3[%swap3A_223, %swap3A_224, %swap3A_225, %swap3A_226], %swap3A_229 {strides = array<i32>} : memref<1x8x224x224xf32, #tpu.memory_space<vmem>>, vector<1x8x56x56xf32>,
      %get3A_230 = arith.constant 0 : index
      %get3A_231 = arith.constant 0 : index
      %get3A_232 = arith.constant 112 : index
      %get3A_233 = arith.constant 112 : index
      %get3A_234 = vector.load %arg2[%get3A_230, %get3A_231, %get3A_232, %get3A_233] : memref<1x8x224x224xf32, #tpu.memory_space<vmem>>, vector<1x8x56x56xf32>
      %get3A_235 = vector.shape_cast %get3A_234 : vector<1x8x56x56xf32> to vector<8x56x56xf32>
      %swap3A_236 = arith.constant 0 : index
      %swap3A_237 = arith.constant 0 : index
      %swap3A_238 = arith.constant 168 : index
      %swap3A_239 = arith.constant 168 : index
      %swap3A_240 = vector.load %arg3[%swap3A_236, %swap3A_237, %swap3A_238, %swap3A_239] : memref<1x8x224x224xf32, #tpu.memory_space<vmem>>, vector<1x8x56x56xf32>
      %swap3A_241 = vector.shape_cast %swap3A_240 : vector<1x8x56x56xf32> to vector<8x56x56xf32>
      %swap3A_242 = vector.shape_cast %get3A_235 : vector<8x56x56xf32> to vector<1x8x56x56xf32>
      tpu.vector_store %arg3[%swap3A_236, %swap3A_237, %swap3A_238, %swap3A_239], %swap3A_242 {strides = array<i32>} : memref<1x8x224x224xf32, #tpu.memory_space<vmem>>, vector<1x8x56x56xf32>,
    } else {
    }
    %eq3A_7 = arith.constant 2 : i32
    %eq3A_8 = arith.cmpi eq, %arg0, %eq3A_7 : i32
    %convert_element_type3A_9 = arith.extui %eq3A_8 : i1 to i32
    %cond3A_10 = arith.constant 0 : i32
    %cond3A_11 = arith.cmpi ne, %convert_element_type3A_9, %cond3A_10 : i32
    scf.if %cond3A_11 {
      %get3A = arith.constant 0 : index
      %get3A_37 = arith.constant 0 : index
      %get3A_38 = arith.constant 168 : index
      %get3A_39 = arith.constant 112 : index
      %get3A_40 = vector.load %arg2[%get3A, %get3A_37, %get3A_38, %get3A_39] : memref<1x8x224x224xf32, #tpu.memory_space<vmem>>, vector<1x8x56x56xf32>
      %get3A_41 = vector.shape_cast %get3A_40 : vector<1x8x56x56xf32> to vector<8x56x56xf32>
      %swap3A = arith.constant 0 : index
      %swap3A_42 = arith.constant 0 : index
      %swap3A_43 = arith.constant 0 : index
      %swap3A_44 = arith.constant 0 : index
      %swap3A_45 = vector.load %arg3[%swap3A, %swap3A_42, %swap3A_43, %swap3A_44] : memref<1x8x224x224xf32, #tpu.memory_space<vmem>>, vector<1x8x56x56xf32>
      %swap3A_46 = vector.shape_cast %swap3A_45 : vector<1x8x56x56xf32> to vector<8x56x56xf32>
      %swap3A_47 = vector.shape_cast %get3A_41 : vector<8x56x56xf32> to vector<1x8x56x56xf32>
      tpu.vector_store %arg3[%swap3A, %swap3A_42, %swap3A_43, %swap3A_44], %swap3A_47 {strides = array<i32>} : memref<1x8x224x224xf32, #tpu.memory_space<vmem>>, vector<1x8x56x56xf32>,
      %get3A_48 = arith.constant 0 : index
      %get3A_49 = arith.constant 0 : index
      %get3A_50 = arith.constant 112 : index
      %get3A_51 = arith.constant 112 : index
      %get3A_52 = vector.load %arg2[%get3A_48, %get3A_49, %get3A_50, %get3A_51] : memref<1x8x224x224xf32, #tpu.memory_space<vmem>>, vector<1x8x56x56xf32>
      %get3A_53 = vector.shape_cast %get3A_52 : vector<1x8x56x56xf32> to vector<8x56x56xf32>
      %swap3A_54 = arith.constant 0 : index
      %swap3A_55 = arith.constant 0 : index
      %swap3A_56 = arith.constant 0 : index
      %swap3A_57 = arith.constant 56 : index
      %swap3A_58 = vector.load %arg3[%swap3A_54, %swap3A_55, %swap3A_56, %swap3A_57] : memref<1x8x224x224xf32, #tpu.memory_space<vmem>>, vector<1x8x56x56xf32>
      %swap3A_59 = vector.shape_cast %swap3A_58 : vector<1x8x56x56xf32> to vector<8x56x56xf32>
      %swap3A_60 = vector.shape_cast %get3A_53 : vector<8x56x56xf32> to vector<1x8x56x56xf32>
      tpu.vector_store %arg3[%swap3A_54, %swap3A_55, %swap3A_56, %swap3A_57], %swap3A_60 {strides = array<i32>} : memref<1x8x224x224xf32, #tpu.memory_space<vmem>>, vector<1x8x56x56xf32>,
      %get3A_61 = arith.constant 0 : index
      %get3A_62 = arith.constant 0 : index
      %get3A_63 = arith.constant 168 : index
      %get3A_64 = arith.constant 56 : index
      %get3A_65 = vector.load %arg2[%get3A_61, %get3A_62, %get3A_63, %get3A_64] : memref<1x8x224x224xf32, #tpu.memory_space<vmem>>, vector<1x8x56x56xf32>
      %get3A_66 = vector.shape_cast %get3A_65 : vector<1x8x56x56xf32> to vector<8x56x56xf32>
      %swap3A_67 = arith.constant 0 : index
      %swap3A_68 = arith.constant 0 : index
      %swap3A_69 = arith.constant 0 : index
      %swap3A_70 = arith.constant 112 : index
      %swap3A_71 = vector.load %arg3[%swap3A_67, %swap3A_68, %swap3A_69, %swap3A_70] : memref<1x8x224x224xf32, #tpu.memory_space<vmem>>, vector<1x8x56x56xf32>
      %swap3A_72 = vector.shape_cast %swap3A_71 : vector<1x8x56x56xf32> to vector<8x56x56xf32>
      %swap3A_73 = vector.shape_cast %get3A_66 : vector<8x56x56xf32> to vector<1x8x56x56xf32>
      tpu.vector_store %arg3[%swap3A_67, %swap3A_68, %swap3A_69, %swap3A_70], %swap3A_73 {strides = array<i32>} : memref<1x8x224x224xf32, #tpu.memory_space<vmem>>, vector<1x8x56x56xf32>,
      %get3A_74 = arith.constant 0 : index
      %get3A_75 = arith.constant 0 : index
      %get3A_76 = arith.constant 168 : index
      %get3A_77 = arith.constant 0 : index
      %get3A_78 = vector.load %arg2[%get3A_74, %get3A_75, %get3A_76, %get3A_77] : memref<1x8x224x224xf32, #tpu.memory_space<vmem>>, vector<1x8x56x56xf32>
      %get3A_79 = vector.shape_cast %get3A_78 : vector<1x8x56x56xf32> to vector<8x56x56xf32>
      %swap3A_80 = arith.constant 0 : index
      %swap3A_81 = arith.constant 0 : index
      %swap3A_82 = arith.constant 0 : index
      %swap3A_83 = arith.constant 168 : index
      %swap3A_84 = vector.load %arg3[%swap3A_80, %swap3A_81, %swap3A_82, %swap3A_83] : memref<1x8x224x224xf32, #tpu.memory_space<vmem>>, vector<1x8x56x56xf32>
      %swap3A_85 = vector.shape_cast %swap3A_84 : vector<1x8x56x56xf32> to vector<8x56x56xf32>
      %swap3A_86 = vector.shape_cast %get3A_79 : vector<8x56x56xf32> to vector<1x8x56x56xf32>
      tpu.vector_store %arg3[%swap3A_80, %swap3A_81, %swap3A_82, %swap3A_83], %swap3A_86 {strides = array<i32>} : memref<1x8x224x224xf32, #tpu.memory_space<vmem>>, vector<1x8x56x56xf32>,
      %get3A_87 = arith.constant 0 : index
      %get3A_88 = arith.constant 0 : index
      %get3A_89 = arith.constant 0 : index
      %get3A_90 = arith.constant 168 : index
      %get3A_91 = vector.load %arg2[%get3A_87, %get3A_88, %get3A_89, %get3A_90] : memref<1x8x224x224xf32, #tpu.memory_space<vmem>>, vector<1x8x56x56xf32>
      %get3A_92 = vector.shape_cast %get3A_91 : vector<1x8x56x56xf32> to vector<8x56x56xf32>
      %swap3A_93 = arith.constant 0 : index
      %swap3A_94 = arith.constant 0 : index
      %swap3A_95 = arith.constant 56 : index
      %swap3A_96 = arith.constant 0 : index
      %swap3A_97 = vector.load %arg3[%swap3A_93, %swap3A_94, %swap3A_95, %swap3A_96] : memref<1x8x224x224xf32, #tpu.memory_space<vmem>>, vector<1x8x56x56xf32>
      %swap3A_98 = vector.shape_cast %swap3A_97 : vector<1x8x56x56xf32> to vector<8x56x56xf32>
      %swap3A_99 = vector.shape_cast %get3A_92 : vector<8x56x56xf32> to vector<1x8x56x56xf32>
      tpu.vector_store %arg3[%swap3A_93, %swap3A_94, %swap3A_95, %swap3A_96], %swap3A_99 {strides = array<i32>} : memref<1x8x224x224xf32, #tpu.memory_space<vmem>>, vector<1x8x56x56xf32>,
      %get3A_100 = arith.constant 0 : index
      %get3A_101 = arith.constant 0 : index
      %get3A_102 = arith.constant 0 : index
      %get3A_103 = arith.constant 0 : index
      %get3A_104 = vector.load %arg2[%get3A_100, %get3A_101, %get3A_102, %get3A_103] : memref<1x8x224x224xf32, #tpu.memory_space<vmem>>, vector<1x8x56x56xf32>
      %get3A_105 = vector.shape_cast %get3A_104 : vector<1x8x56x56xf32> to vector<8x56x56xf32>
      %swap3A_106 = arith.constant 0 : index
      %swap3A_107 = arith.constant 0 : index
      %swap3A_108 = arith.constant 56 : index
      %swap3A_109 = arith.constant 56 : index
      %swap3A_110 = vector.load %arg3[%swap3A_106, %swap3A_107, %swap3A_108, %swap3A_109] : memref<1x8x224x224xf32, #tpu.memory_space<vmem>>, vector<1x8x56x56xf32>
      %swap3A_111 = vector.shape_cast %swap3A_110 : vector<1x8x56x56xf32> to vector<8x56x56xf32>
      %swap3A_112 = vector.shape_cast %get3A_105 : vector<8x56x56xf32> to vector<1x8x56x56xf32>
      tpu.vector_store %arg3[%swap3A_106, %swap3A_107, %swap3A_108, %swap3A_109], %swap3A_112 {strides = array<i32>} : memref<1x8x224x224xf32, #tpu.memory_space<vmem>>, vector<1x8x56x56xf32>,
      %get3A_113 = arith.constant 0 : index
      %get3A_114 = arith.constant 0 : index
      %get3A_115 = arith.constant 56 : index
      %get3A_116 = arith.constant 112 : index
      %get3A_117 = vector.load %arg2[%get3A_113, %get3A_114, %get3A_115, %get3A_116] : memref<1x8x224x224xf32, #tpu.memory_space<vmem>>, vector<1x8x56x56xf32>
      %get3A_118 = vector.shape_cast %get3A_117 : vector<1x8x56x56xf32> to vector<8x56x56xf32>
      %swap3A_119 = arith.constant 0 : index
      %swap3A_120 = arith.constant 0 : index
      %swap3A_121 = arith.constant 56 : index
      %swap3A_122 = arith.constant 112 : index
      %swap3A_123 = vector.load %arg3[%swap3A_119, %swap3A_120, %swap3A_121, %swap3A_122] : memref<1x8x224x224xf32, #tpu.memory_space<vmem>>, vector<1x8x56x56xf32>
      %swap3A_124 = vector.shape_cast %swap3A_123 : vector<1x8x56x56xf32> to vector<8x56x56xf32>
      %swap3A_125 = vector.shape_cast %get3A_118 : vector<8x56x56xf32> to vector<1x8x56x56xf32>
      tpu.vector_store %arg3[%swap3A_119, %swap3A_120, %swap3A_121, %swap3A_122], %swap3A_125 {strides = array<i32>} : memref<1x8x224x224xf32, #tpu.memory_space<vmem>>, vector<1x8x56x56xf32>,
      %get3A_126 = arith.constant 0 : index
      %get3A_127 = arith.constant 0 : index
      %get3A_128 = arith.constant 0 : index
      %get3A_129 = arith.constant 112 : index
      %get3A_130 = vector.load %arg2[%get3A_126, %get3A_127, %get3A_128, %get3A_129] : memref<1x8x224x224xf32, #tpu.memory_space<vmem>>, vector<1x8x56x56xf32>
      %get3A_131 = vector.shape_cast %get3A_130 : vector<1x8x56x56xf32> to vector<8x56x56xf32>
      %swap3A_132 = arith.constant 0 : index
      %swap3A_133 = arith.constant 0 : index
      %swap3A_134 = arith.constant 56 : index
      %swap3A_135 = arith.constant 168 : index
      %swap3A_136 = vector.load %arg3[%swap3A_132, %swap3A_133, %swap3A_134, %swap3A_135] : memref<1x8x224x224xf32, #tpu.memory_space<vmem>>, vector<1x8x56x56xf32>
      %swap3A_137 = vector.shape_cast %swap3A_136 : vector<1x8x56x56xf32> to vector<8x56x56xf32>
      %swap3A_138 = vector.shape_cast %get3A_131 : vector<8x56x56xf32> to vector<1x8x56x56xf32>
      tpu.vector_store %arg3[%swap3A_132, %swap3A_133, %swap3A_134, %swap3A_135], %swap3A_138 {strides = array<i32>} : memref<1x8x224x224xf32, #tpu.memory_space<vmem>>, vector<1x8x56x56xf32>,
      %get3A_139 = arith.constant 0 : index
      %get3A_140 = arith.constant 0 : index
      %get3A_141 = arith.constant 112 : index
      %get3A_142 = arith.constant 168 : index
      %get3A_143 = vector.load %arg2[%get3A_139, %get3A_140, %get3A_141, %get3A_142] : memref<1x8x224x224xf32, #tpu.memory_space<vmem>>, vector<1x8x56x56xf32>
      %get3A_144 = vector.shape_cast %get3A_143 : vector<1x8x56x56xf32> to vector<8x56x56xf32>
      %swap3A_145 = arith.constant 0 : index
      %swap3A_146 = arith.constant 0 : index
      %swap3A_147 = arith.constant 112 : index
      %swap3A_148 = arith.constant 0 : index
      %swap3A_149 = vector.load %arg3[%swap3A_145, %swap3A_146, %swap3A_147, %swap3A_148] : memref<1x8x224x224xf32, #tpu.memory_space<vmem>>, vector<1x8x56x56xf32>
      %swap3A_150 = vector.shape_cast %swap3A_149 : vector<1x8x56x56xf32> to vector<8x56x56xf32>
      %swap3A_151 = vector.shape_cast %get3A_144 : vector<8x56x56xf32> to vector<1x8x56x56xf32>
      tpu.vector_store %arg3[%swap3A_145, %swap3A_146, %swap3A_147, %swap3A_148], %swap3A_151 {strides = array<i32>} : memref<1x8x224x224xf32, #tpu.memory_space<vmem>>, vector<1x8x56x56xf32>,
      %get3A_152 = arith.constant 0 : index
      %get3A_153 = arith.constant 0 : index
      %get3A_154 = arith.constant 112 : index
      %get3A_155 = arith.constant 0 : index
      %get3A_156 = vector.load %arg2[%get3A_152, %get3A_153, %get3A_154, %get3A_155] : memref<1x8x224x224xf32, #tpu.memory_space<vmem>>, vector<1x8x56x56xf32>
      %get3A_157 = vector.shape_cast %get3A_156 : vector<1x8x56x56xf32> to vector<8x56x56xf32>
      %swap3A_158 = arith.constant 0 : index
      %swap3A_159 = arith.constant 0 : index
      %swap3A_160 = arith.constant 112 : index
      %swap3A_161 = arith.constant 56 : index
      %swap3A_162 = vector.load %arg3[%swap3A_158, %swap3A_159, %swap3A_160, %swap3A_161] : memref<1x8x224x224xf32, #tpu.memory_space<vmem>>, vector<1x8x56x56xf32>
      %swap3A_163 = vector.shape_cast %swap3A_162 : vector<1x8x56x56xf32> to vector<8x56x56xf32>
      %swap3A_164 = vector.shape_cast %get3A_157 : vector<8x56x56xf32> to vector<1x8x56x56xf32>
      tpu.vector_store %arg3[%swap3A_158, %swap3A_159, %swap3A_160, %swap3A_161], %swap3A_164 {strides = array<i32>} : memref<1x8x224x224xf32, #tpu.memory_space<vmem>>, vector<1x8x56x56xf32>,
      %get3A_165 = arith.constant 0 : index
      %get3A_166 = arith.constant 0 : index
      %get3A_167 = arith.constant 56 : index
      %get3A_168 = arith.constant 0 : index
      %get3A_169 = vector.load %arg2[%get3A_165, %get3A_166, %get3A_167, %get3A_168] : memref<1x8x224x224xf32, #tpu.memory_space<vmem>>, vector<1x8x56x56xf32>
      %get3A_170 = vector.shape_cast %get3A_169 : vector<1x8x56x56xf32> to vector<8x56x56xf32>
      %swap3A_171 = arith.constant 0 : index
      %swap3A_172 = arith.constant 0 : index
      %swap3A_173 = arith.constant 112 : index
      %swap3A_174 = arith.constant 112 : index
      %swap3A_175 = vector.load %arg3[%swap3A_171, %swap3A_172, %swap3A_173, %swap3A_174] : memref<1x8x224x224xf32, #tpu.memory_space<vmem>>, vector<1x8x56x56xf32>
      %swap3A_176 = vector.shape_cast %swap3A_175 : vector<1x8x56x56xf32> to vector<8x56x56xf32>
      %swap3A_177 = vector.shape_cast %get3A_170 : vector<8x56x56xf32> to vector<1x8x56x56xf32>
      tpu.vector_store %arg3[%swap3A_171, %swap3A_172, %swap3A_173, %swap3A_174], %swap3A_177 {strides = array<i32>} : memref<1x8x224x224xf32, #tpu.memory_space<vmem>>, vector<1x8x56x56xf32>,
      %get3A_178 = arith.constant 0 : index
      %get3A_179 = arith.constant 0 : index
      %get3A_180 = arith.constant 56 : index
      %get3A_181 = arith.constant 168 : index
      %get3A_182 = vector.load %arg2[%get3A_178, %get3A_179, %get3A_180, %get3A_181] : memref<1x8x224x224xf32, #tpu.memory_space<vmem>>, vector<1x8x56x56xf32>
      %get3A_183 = vector.shape_cast %get3A_182 : vector<1x8x56x56xf32> to vector<8x56x56xf32>
      %swap3A_184 = arith.constant 0 : index
      %swap3A_185 = arith.constant 0 : index
      %swap3A_186 = arith.constant 112 : index
      %swap3A_187 = arith.constant 168 : index
      %swap3A_188 = vector.load %arg3[%swap3A_184, %swap3A_185, %swap3A_186, %swap3A_187] : memref<1x8x224x224xf32, #tpu.memory_space<vmem>>, vector<1x8x56x56xf32>
      %swap3A_189 = vector.shape_cast %swap3A_188 : vector<1x8x56x56xf32> to vector<8x56x56xf32>
      %swap3A_190 = vector.shape_cast %get3A_183 : vector<8x56x56xf32> to vector<1x8x56x56xf32>
      tpu.vector_store %arg3[%swap3A_184, %swap3A_185, %swap3A_186, %swap3A_187], %swap3A_190 {strides = array<i32>} : memref<1x8x224x224xf32, #tpu.memory_space<vmem>>, vector<1x8x56x56xf32>,
      %get3A_191 = arith.constant 0 : index
      %get3A_192 = arith.constant 0 : index
      %get3A_193 = arith.constant 112 : index
      %get3A_194 = arith.constant 56 : index
      %get3A_195 = vector.load %arg2[%get3A_191, %get3A_192, %get3A_193, %get3A_194] : memref<1x8x224x224xf32, #tpu.memory_space<vmem>>, vector<1x8x56x56xf32>
      %get3A_196 = vector.shape_cast %get3A_195 : vector<1x8x56x56xf32> to vector<8x56x56xf32>
      %swap3A_197 = arith.constant 0 : index
      %swap3A_198 = arith.constant 0 : index
      %swap3A_199 = arith.constant 168 : index
      %swap3A_200 = arith.constant 0 : index
      %swap3A_201 = vector.load %arg3[%swap3A_197, %swap3A_198, %swap3A_199, %swap3A_200] : memref<1x8x224x224xf32, #tpu.memory_space<vmem>>, vector<1x8x56x56xf32>
      %swap3A_202 = vector.shape_cast %swap3A_201 : vector<1x8x56x56xf32> to vector<8x56x56xf32>
      %swap3A_203 = vector.shape_cast %get3A_196 : vector<8x56x56xf32> to vector<1x8x56x56xf32>
      tpu.vector_store %arg3[%swap3A_197, %swap3A_198, %swap3A_199, %swap3A_200], %swap3A_203 {strides = array<i32>} : memref<1x8x224x224xf32, #tpu.memory_space<vmem>>, vector<1x8x56x56xf32>,
      %get3A_204 = arith.constant 0 : index
      %get3A_205 = arith.constant 0 : index
      %get3A_206 = arith.constant 0 : index
      %get3A_207 = arith.constant 56 : index
      %get3A_208 = vector.load %arg2[%get3A_204, %get3A_205, %get3A_206, %get3A_207] : memref<1x8x224x224xf32, #tpu.memory_space<vmem>>, vector<1x8x56x56xf32>
      %get3A_209 = vector.shape_cast %get3A_208 : vector<1x8x56x56xf32> to vector<8x56x56xf32>
      %swap3A_210 = arith.constant 0 : index
      %swap3A_211 = arith.constant 0 : index
      %swap3A_212 = arith.constant 168 : index
      %swap3A_213 = arith.constant 56 : index
      %swap3A_214 = vector.load %arg3[%swap3A_210, %swap3A_211, %swap3A_212, %swap3A_213] : memref<1x8x224x224xf32, #tpu.memory_space<vmem>>, vector<1x8x56x56xf32>
      %swap3A_215 = vector.shape_cast %swap3A_214 : vector<1x8x56x56xf32> to vector<8x56x56xf32>
      %swap3A_216 = vector.shape_cast %get3A_209 : vector<8x56x56xf32> to vector<1x8x56x56xf32>
      tpu.vector_store %arg3[%swap3A_210, %swap3A_211, %swap3A_212, %swap3A_213], %swap3A_216 {strides = array<i32>} : memref<1x8x224x224xf32, #tpu.memory_space<vmem>>, vector<1x8x56x56xf32>,
      %get3A_217 = arith.constant 0 : index
      %get3A_218 = arith.constant 0 : index
      %get3A_219 = arith.constant 56 : index
      %get3A_220 = arith.constant 56 : index
      %get3A_221 = vector.load %arg2[%get3A_217, %get3A_218, %get3A_219, %get3A_220] : memref<1x8x224x224xf32, #tpu.memory_space<vmem>>, vector<1x8x56x56xf32>
      %get3A_222 = vector.shape_cast %get3A_221 : vector<1x8x56x56xf32> to vector<8x56x56xf32>
      %swap3A_223 = arith.constant 0 : index
      %swap3A_224 = arith.constant 0 : index
      %swap3A_225 = arith.constant 168 : index
      %swap3A_226 = arith.constant 112 : index
      %swap3A_227 = vector.load %arg3[%swap3A_223, %swap3A_224, %swap3A_225, %swap3A_226] : memref<1x8x224x224xf32, #tpu.memory_space<vmem>>, vector<1x8x56x56xf32>
      %swap3A_228 = vector.shape_cast %swap3A_227 : vector<1x8x56x56xf32> to vector<8x56x56xf32>
      %swap3A_229 = vector.shape_cast %get3A_222 : vector<8x56x56xf32> to vector<1x8x56x56xf32>
      tpu.vector_store %arg3[%swap3A_223, %swap3A_224, %swap3A_225, %swap3A_226], %swap3A_229 {strides = array<i32>} : memref<1x8x224x224xf32, #tpu.memory_space<vmem>>, vector<1x8x56x56xf32>,
      %get3A_230 = arith.constant 0 : index
      %get3A_231 = arith.constant 0 : index
      %get3A_232 = arith.constant 168 : index
      %get3A_233 = arith.constant 168 : index
      %get3A_234 = vector.load %arg2[%get3A_230, %get3A_231, %get3A_232, %get3A_233] : memref<1x8x224x224xf32, #tpu.memory_space<vmem>>, vector<1x8x56x56xf32>
      %get3A_235 = vector.shape_cast %get3A_234 : vector<1x8x56x56xf32> to vector<8x56x56xf32>
      %swap3A_236 = arith.constant 0 : index
      %swap3A_237 = arith.constant 0 : index
      %swap3A_238 = arith.constant 168 : index
      %swap3A_239 = arith.constant 168 : index
      %swap3A_240 = vector.load %arg3[%swap3A_236, %swap3A_237, %swap3A_238, %swap3A_239] : memref<1x8x224x224xf32, #tpu.memory_space<vmem>>, vector<1x8x56x56xf32>
      %swap3A_241 = vector.shape_cast %swap3A_240 : vector<1x8x56x56xf32> to vector<8x56x56xf32>
      %swap3A_242 = vector.shape_cast %get3A_235 : vector<8x56x56xf32> to vector<1x8x56x56xf32>
      tpu.vector_store %arg3[%swap3A_236, %swap3A_237, %swap3A_238, %swap3A_239], %swap3A_242 {strides = array<i32>} : memref<1x8x224x224xf32, #tpu.memory_space<vmem>>, vector<1x8x56x56xf32>,
    } else {
    }
    %eq3A_12 = arith.constant 3 : i32
    %eq3A_13 = arith.cmpi eq, %arg0, %eq3A_12 : i32
    %convert_element_type3A_14 = arith.extui %eq3A_13 : i1 to i32
    %cond3A_15 = arith.constant 0 : i32
    %cond3A_16 = arith.cmpi ne, %convert_element_type3A_14, %cond3A_15 : i32
    scf.if %cond3A_16 {
      %get3A = arith.constant 0 : index
      %get3A_37 = arith.constant 0 : index
      %get3A_38 = arith.constant 168 : index
      %get3A_39 = arith.constant 168 : index
      %get3A_40 = vector.load %arg2[%get3A, %get3A_37, %get3A_38, %get3A_39] : memref<1x8x224x224xf32, #tpu.memory_space<vmem>>, vector<1x8x56x56xf32>
      %get3A_41 = vector.shape_cast %get3A_40 : vector<1x8x56x56xf32> to vector<8x56x56xf32>
      %swap3A = arith.constant 0 : index
      %swap3A_42 = arith.constant 0 : index
      %swap3A_43 = arith.constant 0 : index
      %swap3A_44 = arith.constant 0 : index
      %swap3A_45 = vector.load %arg3[%swap3A, %swap3A_42, %swap3A_43, %swap3A_44] : memref<1x8x224x224xf32, #tpu.memory_space<vmem>>, vector<1x8x56x56xf32>
      %swap3A_46 = vector.shape_cast %swap3A_45 : vector<1x8x56x56xf32> to vector<8x56x56xf32>
      %swap3A_47 = vector.shape_cast %get3A_41 : vector<8x56x56xf32> to vector<1x8x56x56xf32>
      tpu.vector_store %arg3[%swap3A, %swap3A_42, %swap3A_43, %swap3A_44], %swap3A_47 {strides = array<i32>} : memref<1x8x224x224xf32, #tpu.memory_space<vmem>>, vector<1x8x56x56xf32>,
      %get3A_48 = arith.constant 0 : index
      %get3A_49 = arith.constant 0 : index
      %get3A_50 = arith.constant 0 : index
      %get3A_51 = arith.constant 112 : index
      %get3A_52 = vector.load %arg2[%get3A_48, %get3A_49, %get3A_50, %get3A_51] : memref<1x8x224x224xf32, #tpu.memory_space<vmem>>, vector<1x8x56x56xf32>
      %get3A_53 = vector.shape_cast %get3A_52 : vector<1x8x56x56xf32> to vector<8x56x56xf32>
      %swap3A_54 = arith.constant 0 : index
      %swap3A_55 = arith.constant 0 : index
      %swap3A_56 = arith.constant 0 : index
      %swap3A_57 = arith.constant 56 : index
      %swap3A_58 = vector.load %arg3[%swap3A_54, %swap3A_55, %swap3A_56, %swap3A_57] : memref<1x8x224x224xf32, #tpu.memory_space<vmem>>, vector<1x8x56x56xf32>
      %swap3A_59 = vector.shape_cast %swap3A_58 : vector<1x8x56x56xf32> to vector<8x56x56xf32>
      %swap3A_60 = vector.shape_cast %get3A_53 : vector<8x56x56xf32> to vector<1x8x56x56xf32>
      tpu.vector_store %arg3[%swap3A_54, %swap3A_55, %swap3A_56, %swap3A_57], %swap3A_60 {strides = array<i32>} : memref<1x8x224x224xf32, #tpu.memory_space<vmem>>, vector<1x8x56x56xf32>,
      %get3A_61 = arith.constant 0 : index
      %get3A_62 = arith.constant 0 : index
      %get3A_63 = arith.constant 112 : index
      %get3A_64 = arith.constant 112 : index
      %get3A_65 = vector.load %arg2[%get3A_61, %get3A_62, %get3A_63, %get3A_64] : memref<1x8x224x224xf32, #tpu.memory_space<vmem>>, vector<1x8x56x56xf32>
      %get3A_66 = vector.shape_cast %get3A_65 : vector<1x8x56x56xf32> to vector<8x56x56xf32>
      %swap3A_67 = arith.constant 0 : index
      %swap3A_68 = arith.constant 0 : index
      %swap3A_69 = arith.constant 0 : index
      %swap3A_70 = arith.constant 112 : index
      %swap3A_71 = vector.load %arg3[%swap3A_67, %swap3A_68, %swap3A_69, %swap3A_70] : memref<1x8x224x224xf32, #tpu.memory_space<vmem>>, vector<1x8x56x56xf32>
      %swap3A_72 = vector.shape_cast %swap3A_71 : vector<1x8x56x56xf32> to vector<8x56x56xf32>
      %swap3A_73 = vector.shape_cast %get3A_66 : vector<8x56x56xf32> to vector<1x8x56x56xf32>
      tpu.vector_store %arg3[%swap3A_67, %swap3A_68, %swap3A_69, %swap3A_70], %swap3A_73 {strides = array<i32>} : memref<1x8x224x224xf32, #tpu.memory_space<vmem>>, vector<1x8x56x56xf32>,
      %get3A_74 = arith.constant 0 : index
      %get3A_75 = arith.constant 0 : index
      %get3A_76 = arith.constant 112 : index
      %get3A_77 = arith.constant 168 : index
      %get3A_78 = vector.load %arg2[%get3A_74, %get3A_75, %get3A_76, %get3A_77] : memref<1x8x224x224xf32, #tpu.memory_space<vmem>>, vector<1x8x56x56xf32>
      %get3A_79 = vector.shape_cast %get3A_78 : vector<1x8x56x56xf32> to vector<8x56x56xf32>
      %swap3A_80 = arith.constant 0 : index
      %swap3A_81 = arith.constant 0 : index
      %swap3A_82 = arith.constant 0 : index
      %swap3A_83 = arith.constant 168 : index
      %swap3A_84 = vector.load %arg3[%swap3A_80, %swap3A_81, %swap3A_82, %swap3A_83] : memref<1x8x224x224xf32, #tpu.memory_space<vmem>>, vector<1x8x56x56xf32>
      %swap3A_85 = vector.shape_cast %swap3A_84 : vector<1x8x56x56xf32> to vector<8x56x56xf32>
      %swap3A_86 = vector.shape_cast %get3A_79 : vector<8x56x56xf32> to vector<1x8x56x56xf32>
      tpu.vector_store %arg3[%swap3A_80, %swap3A_81, %swap3A_82, %swap3A_83], %swap3A_86 {strides = array<i32>} : memref<1x8x224x224xf32, #tpu.memory_space<vmem>>, vector<1x8x56x56xf32>,
      %get3A_87 = arith.constant 0 : index
      %get3A_88 = arith.constant 0 : index
      %get3A_89 = arith.constant 168 : index
      %get3A_90 = arith.constant 56 : index
      %get3A_91 = vector.load %arg2[%get3A_87, %get3A_88, %get3A_89, %get3A_90] : memref<1x8x224x224xf32, #tpu.memory_space<vmem>>, vector<1x8x56x56xf32>
      %get3A_92 = vector.shape_cast %get3A_91 : vector<1x8x56x56xf32> to vector<8x56x56xf32>
      %swap3A_93 = arith.constant 0 : index
      %swap3A_94 = arith.constant 0 : index
      %swap3A_95 = arith.constant 56 : index
      %swap3A_96 = arith.constant 0 : index
      %swap3A_97 = vector.load %arg3[%swap3A_93, %swap3A_94, %swap3A_95, %swap3A_96] : memref<1x8x224x224xf32, #tpu.memory_space<vmem>>, vector<1x8x56x56xf32>
      %swap3A_98 = vector.shape_cast %swap3A_97 : vector<1x8x56x56xf32> to vector<8x56x56xf32>
      %swap3A_99 = vector.shape_cast %get3A_92 : vector<8x56x56xf32> to vector<1x8x56x56xf32>
      tpu.vector_store %arg3[%swap3A_93, %swap3A_94, %swap3A_95, %swap3A_96], %swap3A_99 {strides = array<i32>} : memref<1x8x224x224xf32, #tpu.memory_space<vmem>>, vector<1x8x56x56xf32>,
      %get3A_100 = arith.constant 0 : index
      %get3A_101 = arith.constant 0 : index
      %get3A_102 = arith.constant 0 : index
      %get3A_103 = arith.constant 168 : index
      %get3A_104 = vector.load %arg2[%get3A_100, %get3A_101, %get3A_102, %get3A_103] : memref<1x8x224x224xf32, #tpu.memory_space<vmem>>, vector<1x8x56x56xf32>
      %get3A_105 = vector.shape_cast %get3A_104 : vector<1x8x56x56xf32> to vector<8x56x56xf32>
      %swap3A_106 = arith.constant 0 : index
      %swap3A_107 = arith.constant 0 : index
      %swap3A_108 = arith.constant 56 : index
      %swap3A_109 = arith.constant 56 : index
      %swap3A_110 = vector.load %arg3[%swap3A_106, %swap3A_107, %swap3A_108, %swap3A_109] : memref<1x8x224x224xf32, #tpu.memory_space<vmem>>, vector<1x8x56x56xf32>
      %swap3A_111 = vector.shape_cast %swap3A_110 : vector<1x8x56x56xf32> to vector<8x56x56xf32>
      %swap3A_112 = vector.shape_cast %get3A_105 : vector<8x56x56xf32> to vector<1x8x56x56xf32>
      tpu.vector_store %arg3[%swap3A_106, %swap3A_107, %swap3A_108, %swap3A_109], %swap3A_112 {strides = array<i32>} : memref<1x8x224x224xf32, #tpu.memory_space<vmem>>, vector<1x8x56x56xf32>,
      %get3A_113 = arith.constant 0 : index
      %get3A_114 = arith.constant 0 : index
      %get3A_115 = arith.constant 56 : index
      %get3A_116 = arith.constant 0 : index
      %get3A_117 = vector.load %arg2[%get3A_113, %get3A_114, %get3A_115, %get3A_116] : memref<1x8x224x224xf32, #tpu.memory_space<vmem>>, vector<1x8x56x56xf32>
      %get3A_118 = vector.shape_cast %get3A_117 : vector<1x8x56x56xf32> to vector<8x56x56xf32>
      %swap3A_119 = arith.constant 0 : index
      %swap3A_120 = arith.constant 0 : index
      %swap3A_121 = arith.constant 56 : index
      %swap3A_122 = arith.constant 112 : index
      %swap3A_123 = vector.load %arg3[%swap3A_119, %swap3A_120, %swap3A_121, %swap3A_122] : memref<1x8x224x224xf32, #tpu.memory_space<vmem>>, vector<1x8x56x56xf32>
      %swap3A_124 = vector.shape_cast %swap3A_123 : vector<1x8x56x56xf32> to vector<8x56x56xf32>
      %swap3A_125 = vector.shape_cast %get3A_118 : vector<8x56x56xf32> to vector<1x8x56x56xf32>
      tpu.vector_store %arg3[%swap3A_119, %swap3A_120, %swap3A_121, %swap3A_122], %swap3A_125 {strides = array<i32>} : memref<1x8x224x224xf32, #tpu.memory_space<vmem>>, vector<1x8x56x56xf32>,
      %get3A_126 = arith.constant 0 : index
      %get3A_127 = arith.constant 0 : index
      %get3A_128 = arith.constant 168 : index
      %get3A_129 = arith.constant 0 : index
      %get3A_130 = vector.load %arg2[%get3A_126, %get3A_127, %get3A_128, %get3A_129] : memref<1x8x224x224xf32, #tpu.memory_space<vmem>>, vector<1x8x56x56xf32>
      %get3A_131 = vector.shape_cast %get3A_130 : vector<1x8x56x56xf32> to vector<8x56x56xf32>
      %swap3A_132 = arith.constant 0 : index
      %swap3A_133 = arith.constant 0 : index
      %swap3A_134 = arith.constant 56 : index
      %swap3A_135 = arith.constant 168 : index
      %swap3A_136 = vector.load %arg3[%swap3A_132, %swap3A_133, %swap3A_134, %swap3A_135] : memref<1x8x224x224xf32, #tpu.memory_space<vmem>>, vector<1x8x56x56xf32>
      %swap3A_137 = vector.shape_cast %swap3A_136 : vector<1x8x56x56xf32> to vector<8x56x56xf32>
      %swap3A_138 = vector.shape_cast %get3A_131 : vector<8x56x56xf32> to vector<1x8x56x56xf32>
      tpu.vector_store %arg3[%swap3A_132, %swap3A_133, %swap3A_134, %swap3A_135], %swap3A_138 {strides = array<i32>} : memref<1x8x224x224xf32, #tpu.memory_space<vmem>>, vector<1x8x56x56xf32>,
      %get3A_139 = arith.constant 0 : index
      %get3A_140 = arith.constant 0 : index
      %get3A_141 = arith.constant 0 : index
      %get3A_142 = arith.constant 56 : index
      %get3A_143 = vector.load %arg2[%get3A_139, %get3A_140, %get3A_141, %get3A_142] : memref<1x8x224x224xf32, #tpu.memory_space<vmem>>, vector<1x8x56x56xf32>
      %get3A_144 = vector.shape_cast %get3A_143 : vector<1x8x56x56xf32> to vector<8x56x56xf32>
      %swap3A_145 = arith.constant 0 : index
      %swap3A_146 = arith.constant 0 : index
      %swap3A_147 = arith.constant 112 : index
      %swap3A_148 = arith.constant 0 : index
      %swap3A_149 = vector.load %arg3[%swap3A_145, %swap3A_146, %swap3A_147, %swap3A_148] : memref<1x8x224x224xf32, #tpu.memory_space<vmem>>, vector<1x8x56x56xf32>
      %swap3A_150 = vector.shape_cast %swap3A_149 : vector<1x8x56x56xf32> to vector<8x56x56xf32>
      %swap3A_151 = vector.shape_cast %get3A_144 : vector<8x56x56xf32> to vector<1x8x56x56xf32>
      tpu.vector_store %arg3[%swap3A_145, %swap3A_146, %swap3A_147, %swap3A_148], %swap3A_151 {strides = array<i32>} : memref<1x8x224x224xf32, #tpu.memory_space<vmem>>, vector<1x8x56x56xf32>,
      %get3A_152 = arith.constant 0 : index
      %get3A_153 = arith.constant 0 : index
      %get3A_154 = arith.constant 56 : index
      %get3A_155 = arith.constant 112 : index
      %get3A_156 = vector.load %arg2[%get3A_152, %get3A_153, %get3A_154, %get3A_155] : memref<1x8x224x224xf32, #tpu.memory_space<vmem>>, vector<1x8x56x56xf32>
      %get3A_157 = vector.shape_cast %get3A_156 : vector<1x8x56x56xf32> to vector<8x56x56xf32>
      %swap3A_158 = arith.constant 0 : index
      %swap3A_159 = arith.constant 0 : index
      %swap3A_160 = arith.constant 112 : index
      %swap3A_161 = arith.constant 56 : index
      %swap3A_162 = vector.load %arg3[%swap3A_158, %swap3A_159, %swap3A_160, %swap3A_161] : memref<1x8x224x224xf32, #tpu.memory_space<vmem>>, vector<1x8x56x56xf32>
      %swap3A_163 = vector.shape_cast %swap3A_162 : vector<1x8x56x56xf32> to vector<8x56x56xf32>
      %swap3A_164 = vector.shape_cast %get3A_157 : vector<8x56x56xf32> to vector<1x8x56x56xf32>
      tpu.vector_store %arg3[%swap3A_158, %swap3A_159, %swap3A_160, %swap3A_161], %swap3A_164 {strides = array<i32>} : memref<1x8x224x224xf32, #tpu.memory_space<vmem>>, vector<1x8x56x56xf32>,
      %get3A_165 = arith.constant 0 : index
      %get3A_166 = arith.constant 0 : index
      %get3A_167 = arith.constant 168 : index
      %get3A_168 = arith.constant 112 : index
      %get3A_169 = vector.load %arg2[%get3A_165, %get3A_166, %get3A_167, %get3A_168] : memref<1x8x224x224xf32, #tpu.memory_space<vmem>>, vector<1x8x56x56xf32>
      %get3A_170 = vector.shape_cast %get3A_169 : vector<1x8x56x56xf32> to vector<8x56x56xf32>
      %swap3A_171 = arith.constant 0 : index
      %swap3A_172 = arith.constant 0 : index
      %swap3A_173 = arith.constant 112 : index
      %swap3A_174 = arith.constant 112 : index
      %swap3A_175 = vector.load %arg3[%swap3A_171, %swap3A_172, %swap3A_173, %swap3A_174] : memref<1x8x224x224xf32, #tpu.memory_space<vmem>>, vector<1x8x56x56xf32>
      %swap3A_176 = vector.shape_cast %swap3A_175 : vector<1x8x56x56xf32> to vector<8x56x56xf32>
      %swap3A_177 = vector.shape_cast %get3A_170 : vector<8x56x56xf32> to vector<1x8x56x56xf32>
      tpu.vector_store %arg3[%swap3A_171, %swap3A_172, %swap3A_173, %swap3A_174], %swap3A_177 {strides = array<i32>} : memref<1x8x224x224xf32, #tpu.memory_space<vmem>>, vector<1x8x56x56xf32>,
      %get3A_178 = arith.constant 0 : index
      %get3A_179 = arith.constant 0 : index
      %get3A_180 = arith.constant 0 : index
      %get3A_181 = arith.constant 0 : index
      %get3A_182 = vector.load %arg2[%get3A_178, %get3A_179, %get3A_180, %get3A_181] : memref<1x8x224x224xf32, #tpu.memory_space<vmem>>, vector<1x8x56x56xf32>
      %get3A_183 = vector.shape_cast %get3A_182 : vector<1x8x56x56xf32> to vector<8x56x56xf32>
      %swap3A_184 = arith.constant 0 : index
      %swap3A_185 = arith.constant 0 : index
      %swap3A_186 = arith.constant 112 : index
      %swap3A_187 = arith.constant 168 : index
      %swap3A_188 = vector.load %arg3[%swap3A_184, %swap3A_185, %swap3A_186, %swap3A_187] : memref<1x8x224x224xf32, #tpu.memory_space<vmem>>, vector<1x8x56x56xf32>
      %swap3A_189 = vector.shape_cast %swap3A_188 : vector<1x8x56x56xf32> to vector<8x56x56xf32>
      %swap3A_190 = vector.shape_cast %get3A_183 : vector<8x56x56xf32> to vector<1x8x56x56xf32>
      tpu.vector_store %arg3[%swap3A_184, %swap3A_185, %swap3A_186, %swap3A_187], %swap3A_190 {strides = array<i32>} : memref<1x8x224x224xf32, #tpu.memory_space<vmem>>, vector<1x8x56x56xf32>,
      %get3A_191 = arith.constant 0 : index
      %get3A_192 = arith.constant 0 : index
      %get3A_193 = arith.constant 112 : index
      %get3A_194 = arith.constant 56 : index
      %get3A_195 = vector.load %arg2[%get3A_191, %get3A_192, %get3A_193, %get3A_194] : memref<1x8x224x224xf32, #tpu.memory_space<vmem>>, vector<1x8x56x56xf32>
      %get3A_196 = vector.shape_cast %get3A_195 : vector<1x8x56x56xf32> to vector<8x56x56xf32>
      %swap3A_197 = arith.constant 0 : index
      %swap3A_198 = arith.constant 0 : index
      %swap3A_199 = arith.constant 168 : index
      %swap3A_200 = arith.constant 0 : index
      %swap3A_201 = vector.load %arg3[%swap3A_197, %swap3A_198, %swap3A_199, %swap3A_200] : memref<1x8x224x224xf32, #tpu.memory_space<vmem>>, vector<1x8x56x56xf32>
      %swap3A_202 = vector.shape_cast %swap3A_201 : vector<1x8x56x56xf32> to vector<8x56x56xf32>
      %swap3A_203 = vector.shape_cast %get3A_196 : vector<8x56x56xf32> to vector<1x8x56x56xf32>
      tpu.vector_store %arg3[%swap3A_197, %swap3A_198, %swap3A_199, %swap3A_200], %swap3A_203 {strides = array<i32>} : memref<1x8x224x224xf32, #tpu.memory_space<vmem>>, vector<1x8x56x56xf32>,
      %get3A_204 = arith.constant 0 : index
      %get3A_205 = arith.constant 0 : index
      %get3A_206 = arith.constant 56 : index
      %get3A_207 = arith.constant 56 : index
      %get3A_208 = vector.load %arg2[%get3A_204, %get3A_205, %get3A_206, %get3A_207] : memref<1x8x224x224xf32, #tpu.memory_space<vmem>>, vector<1x8x56x56xf32>
      %get3A_209 = vector.shape_cast %get3A_208 : vector<1x8x56x56xf32> to vector<8x56x56xf32>
      %swap3A_210 = arith.constant 0 : index
      %swap3A_211 = arith.constant 0 : index
      %swap3A_212 = arith.constant 168 : index
      %swap3A_213 = arith.constant 56 : index
      %swap3A_214 = vector.load %arg3[%swap3A_210, %swap3A_211, %swap3A_212, %swap3A_213] : memref<1x8x224x224xf32, #tpu.memory_space<vmem>>, vector<1x8x56x56xf32>
      %swap3A_215 = vector.shape_cast %swap3A_214 : vector<1x8x56x56xf32> to vector<8x56x56xf32>
      %swap3A_216 = vector.shape_cast %get3A_209 : vector<8x56x56xf32> to vector<1x8x56x56xf32>
      tpu.vector_store %arg3[%swap3A_210, %swap3A_211, %swap3A_212, %swap3A_213], %swap3A_216 {strides = array<i32>} : memref<1x8x224x224xf32, #tpu.memory_space<vmem>>, vector<1x8x56x56xf32>,
      %get3A_217 = arith.constant 0 : index
      %get3A_218 = arith.constant 0 : index
      %get3A_219 = arith.constant 112 : index
      %get3A_220 = arith.constant 0 : index
      %get3A_221 = vector.load %arg2[%get3A_217, %get3A_218, %get3A_219, %get3A_220] : memref<1x8x224x224xf32, #tpu.memory_space<vmem>>, vector<1x8x56x56xf32>
      %get3A_222 = vector.shape_cast %get3A_221 : vector<1x8x56x56xf32> to vector<8x56x56xf32>
      %swap3A_223 = arith.constant 0 : index
      %swap3A_224 = arith.constant 0 : index
      %swap3A_225 = arith.constant 168 : index
      %swap3A_226 = arith.constant 112 : index
      %swap3A_227 = vector.load %arg3[%swap3A_223, %swap3A_224, %swap3A_225, %swap3A_226] : memref<1x8x224x224xf32, #tpu.memory_space<vmem>>, vector<1x8x56x56xf32>
      %swap3A_228 = vector.shape_cast %swap3A_227 : vector<1x8x56x56xf32> to vector<8x56x56xf32>
      %swap3A_229 = vector.shape_cast %get3A_222 : vector<8x56x56xf32> to vector<1x8x56x56xf32>
      tpu.vector_store %arg3[%swap3A_223, %swap3A_224, %swap3A_225, %swap3A_226], %swap3A_229 {strides = array<i32>} : memref<1x8x224x224xf32, #tpu.memory_space<vmem>>, vector<1x8x56x56xf32>,
      %get3A_230 = arith.constant 0 : index
      %get3A_231 = arith.constant 0 : index
      %get3A_232 = arith.constant 56 : index
      %get3A_233 = arith.constant 168 : index
      %get3A_234 = vector.load %arg2[%get3A_230, %get3A_231, %get3A_232, %get3A_233] : memref<1x8x224x224xf32, #tpu.memory_space<vmem>>, vector<1x8x56x56xf32>
      %get3A_235 = vector.shape_cast %get3A_234 : vector<1x8x56x56xf32> to vector<8x56x56xf32>
      %swap3A_236 = arith.constant 0 : index
      %swap3A_237 = arith.constant 0 : index
      %swap3A_238 = arith.constant 168 : index
      %swap3A_239 = arith.constant 168 : index
      %swap3A_240 = vector.load %arg3[%swap3A_236, %swap3A_237, %swap3A_238, %swap3A_239] : memref<1x8x224x224xf32, #tpu.memory_space<vmem>>, vector<1x8x56x56xf32>
      %swap3A_241 = vector.shape_cast %swap3A_240 : vector<1x8x56x56xf32> to vector<8x56x56xf32>
      %swap3A_242 = vector.shape_cast %get3A_235 : vector<8x56x56xf32> to vector<1x8x56x56xf32>
      tpu.vector_store %arg3[%swap3A_236, %swap3A_237, %swap3A_238, %swap3A_239], %swap3A_242 {strides = array<i32>} : memref<1x8x224x224xf32, #tpu.memory_space<vmem>>, vector<1x8x56x56xf32>,
    } else {
    }
    %eq3A_17 = arith.constant 4 : i32
    %eq3A_18 = arith.cmpi eq, %arg0, %eq3A_17 : i32
    %convert_element_type3A_19 = arith.extui %eq3A_18 : i1 to i32
    %cond3A_20 = arith.constant 0 : i32
    %cond3A_21 = arith.cmpi ne, %convert_element_type3A_19, %cond3A_20 : i32
    scf.if %cond3A_21 {
      %get3A = arith.constant 0 : index
      %get3A_37 = arith.constant 0 : index
      %get3A_38 = arith.constant 0 : index
      %get3A_39 = arith.constant 0 : index
      %get3A_40 = vector.load %arg2[%get3A, %get3A_37, %get3A_38, %get3A_39] : memref<1x8x224x224xf32, #tpu.memory_space<vmem>>, vector<1x8x56x56xf32>
      %get3A_41 = vector.shape_cast %get3A_40 : vector<1x8x56x56xf32> to vector<8x56x56xf32>
      %swap3A = arith.constant 0 : index
      %swap3A_42 = arith.constant 0 : index
      %swap3A_43 = arith.constant 0 : index
      %swap3A_44 = arith.constant 0 : index
      %swap3A_45 = vector.load %arg3[%swap3A, %swap3A_42, %swap3A_43, %swap3A_44] : memref<1x8x224x224xf32, #tpu.memory_space<vmem>>, vector<1x8x56x56xf32>
      %swap3A_46 = vector.shape_cast %swap3A_45 : vector<1x8x56x56xf32> to vector<8x56x56xf32>
      %swap3A_47 = vector.shape_cast %get3A_41 : vector<8x56x56xf32> to vector<1x8x56x56xf32>
      tpu.vector_store %arg3[%swap3A, %swap3A_42, %swap3A_43, %swap3A_44], %swap3A_47 {strides = array<i32>} : memref<1x8x224x224xf32, #tpu.memory_space<vmem>>, vector<1x8x56x56xf32>,
      %get3A_48 = arith.constant 0 : index
      %get3A_49 = arith.constant 0 : index
      %get3A_50 = arith.constant 112 : index
      %get3A_51 = arith.constant 112 : index
      %get3A_52 = vector.load %arg2[%get3A_48, %get3A_49, %get3A_50, %get3A_51] : memref<1x8x224x224xf32, #tpu.memory_space<vmem>>, vector<1x8x56x56xf32>
      %get3A_53 = vector.shape_cast %get3A_52 : vector<1x8x56x56xf32> to vector<8x56x56xf32>
      %swap3A_54 = arith.constant 0 : index
      %swap3A_55 = arith.constant 0 : index
      %swap3A_56 = arith.constant 0 : index
      %swap3A_57 = arith.constant 56 : index
      %swap3A_58 = vector.load %arg3[%swap3A_54, %swap3A_55, %swap3A_56, %swap3A_57] : memref<1x8x224x224xf32, #tpu.memory_space<vmem>>, vector<1x8x56x56xf32>
      %swap3A_59 = vector.shape_cast %swap3A_58 : vector<1x8x56x56xf32> to vector<8x56x56xf32>
      %swap3A_60 = vector.shape_cast %get3A_53 : vector<8x56x56xf32> to vector<1x8x56x56xf32>
      tpu.vector_store %arg3[%swap3A_54, %swap3A_55, %swap3A_56, %swap3A_57], %swap3A_60 {strides = array<i32>} : memref<1x8x224x224xf32, #tpu.memory_space<vmem>>, vector<1x8x56x56xf32>,
      %get3A_61 = arith.constant 0 : index
      %get3A_62 = arith.constant 0 : index
      %get3A_63 = arith.constant 0 : index
      %get3A_64 = arith.constant 168 : index
      %get3A_65 = vector.load %arg2[%get3A_61, %get3A_62, %get3A_63, %get3A_64] : memref<1x8x224x224xf32, #tpu.memory_space<vmem>>, vector<1x8x56x56xf32>
      %get3A_66 = vector.shape_cast %get3A_65 : vector<1x8x56x56xf32> to vector<8x56x56xf32>
      %swap3A_67 = arith.constant 0 : index
      %swap3A_68 = arith.constant 0 : index
      %swap3A_69 = arith.constant 0 : index
      %swap3A_70 = arith.constant 112 : index
      %swap3A_71 = vector.load %arg3[%swap3A_67, %swap3A_68, %swap3A_69, %swap3A_70] : memref<1x8x224x224xf32, #tpu.memory_space<vmem>>, vector<1x8x56x56xf32>
      %swap3A_72 = vector.shape_cast %swap3A_71 : vector<1x8x56x56xf32> to vector<8x56x56xf32>
      %swap3A_73 = vector.shape_cast %get3A_66 : vector<8x56x56xf32> to vector<1x8x56x56xf32>
      tpu.vector_store %arg3[%swap3A_67, %swap3A_68, %swap3A_69, %swap3A_70], %swap3A_73 {strides = array<i32>} : memref<1x8x224x224xf32, #tpu.memory_space<vmem>>, vector<1x8x56x56xf32>,
      %get3A_74 = arith.constant 0 : index
      %get3A_75 = arith.constant 0 : index
      %get3A_76 = arith.constant 56 : index
      %get3A_77 = arith.constant 56 : index
      %get3A_78 = vector.load %arg2[%get3A_74, %get3A_75, %get3A_76, %get3A_77] : memref<1x8x224x224xf32, #tpu.memory_space<vmem>>, vector<1x8x56x56xf32>
      %get3A_79 = vector.shape_cast %get3A_78 : vector<1x8x56x56xf32> to vector<8x56x56xf32>
      %swap3A_80 = arith.constant 0 : index
      %swap3A_81 = arith.constant 0 : index
      %swap3A_82 = arith.constant 0 : index
      %swap3A_83 = arith.constant 168 : index
      %swap3A_84 = vector.load %arg3[%swap3A_80, %swap3A_81, %swap3A_82, %swap3A_83] : memref<1x8x224x224xf32, #tpu.memory_space<vmem>>, vector<1x8x56x56xf32>
      %swap3A_85 = vector.shape_cast %swap3A_84 : vector<1x8x56x56xf32> to vector<8x56x56xf32>
      %swap3A_86 = vector.shape_cast %get3A_79 : vector<8x56x56xf32> to vector<1x8x56x56xf32>
      tpu.vector_store %arg3[%swap3A_80, %swap3A_81, %swap3A_82, %swap3A_83], %swap3A_86 {strides = array<i32>} : memref<1x8x224x224xf32, #tpu.memory_space<vmem>>, vector<1x8x56x56xf32>,
      %get3A_87 = arith.constant 0 : index
      %get3A_88 = arith.constant 0 : index
      %get3A_89 = arith.constant 168 : index
      %get3A_90 = arith.constant 168 : index
      %get3A_91 = vector.load %arg2[%get3A_87, %get3A_88, %get3A_89, %get3A_90] : memref<1x8x224x224xf32, #tpu.memory_space<vmem>>, vector<1x8x56x56xf32>
      %get3A_92 = vector.shape_cast %get3A_91 : vector<1x8x56x56xf32> to vector<8x56x56xf32>
      %swap3A_93 = arith.constant 0 : index
      %swap3A_94 = arith.constant 0 : index
      %swap3A_95 = arith.constant 56 : index
      %swap3A_96 = arith.constant 0 : index
      %swap3A_97 = vector.load %arg3[%swap3A_93, %swap3A_94, %swap3A_95, %swap3A_96] : memref<1x8x224x224xf32, #tpu.memory_space<vmem>>, vector<1x8x56x56xf32>
      %swap3A_98 = vector.shape_cast %swap3A_97 : vector<1x8x56x56xf32> to vector<8x56x56xf32>
      %swap3A_99 = vector.shape_cast %get3A_92 : vector<8x56x56xf32> to vector<1x8x56x56xf32>
      tpu.vector_store %arg3[%swap3A_93, %swap3A_94, %swap3A_95, %swap3A_96], %swap3A_99 {strides = array<i32>} : memref<1x8x224x224xf32, #tpu.memory_space<vmem>>, vector<1x8x56x56xf32>,
      %get3A_100 = arith.constant 0 : index
      %get3A_101 = arith.constant 0 : index
      %get3A_102 = arith.constant 56 : index
      %get3A_103 = arith.constant 0 : index
      %get3A_104 = vector.load %arg2[%get3A_100, %get3A_101, %get3A_102, %get3A_103] : memref<1x8x224x224xf32, #tpu.memory_space<vmem>>, vector<1x8x56x56xf32>
      %get3A_105 = vector.shape_cast %get3A_104 : vector<1x8x56x56xf32> to vector<8x56x56xf32>
      %swap3A_106 = arith.constant 0 : index
      %swap3A_107 = arith.constant 0 : index
      %swap3A_108 = arith.constant 56 : index
      %swap3A_109 = arith.constant 56 : index
      %swap3A_110 = vector.load %arg3[%swap3A_106, %swap3A_107, %swap3A_108, %swap3A_109] : memref<1x8x224x224xf32, #tpu.memory_space<vmem>>, vector<1x8x56x56xf32>
      %swap3A_111 = vector.shape_cast %swap3A_110 : vector<1x8x56x56xf32> to vector<8x56x56xf32>
      %swap3A_112 = vector.shape_cast %get3A_105 : vector<8x56x56xf32> to vector<1x8x56x56xf32>
      tpu.vector_store %arg3[%swap3A_106, %swap3A_107, %swap3A_108, %swap3A_109], %swap3A_112 {strides = array<i32>} : memref<1x8x224x224xf32, #tpu.memory_space<vmem>>, vector<1x8x56x56xf32>,
      %get3A_113 = arith.constant 0 : index
      %get3A_114 = arith.constant 0 : index
      %get3A_115 = arith.constant 0 : index
      %get3A_116 = arith.constant 56 : index
      %get3A_117 = vector.load %arg2[%get3A_113, %get3A_114, %get3A_115, %get3A_116] : memref<1x8x224x224xf32, #tpu.memory_space<vmem>>, vector<1x8x56x56xf32>
      %get3A_118 = vector.shape_cast %get3A_117 : vector<1x8x56x56xf32> to vector<8x56x56xf32>
      %swap3A_119 = arith.constant 0 : index
      %swap3A_120 = arith.constant 0 : index
      %swap3A_121 = arith.constant 56 : index
      %swap3A_122 = arith.constant 112 : index
      %swap3A_123 = vector.load %arg3[%swap3A_119, %swap3A_120, %swap3A_121, %swap3A_122] : memref<1x8x224x224xf32, #tpu.memory_space<vmem>>, vector<1x8x56x56xf32>
      %swap3A_124 = vector.shape_cast %swap3A_123 : vector<1x8x56x56xf32> to vector<8x56x56xf32>
      %swap3A_125 = vector.shape_cast %get3A_118 : vector<8x56x56xf32> to vector<1x8x56x56xf32>
      tpu.vector_store %arg3[%swap3A_119, %swap3A_120, %swap3A_121, %swap3A_122], %swap3A_125 {strides = array<i32>} : memref<1x8x224x224xf32, #tpu.memory_space<vmem>>, vector<1x8x56x56xf32>,
      %get3A_126 = arith.constant 0 : index
      %get3A_127 = arith.constant 0 : index
      %get3A_128 = arith.constant 112 : index
      %get3A_129 = arith.constant 0 : index
      %get3A_130 = vector.load %arg2[%get3A_126, %get3A_127, %get3A_128, %get3A_129] : memref<1x8x224x224xf32, #tpu.memory_space<vmem>>, vector<1x8x56x56xf32>
      %get3A_131 = vector.shape_cast %get3A_130 : vector<1x8x56x56xf32> to vector<8x56x56xf32>
      %swap3A_132 = arith.constant 0 : index
      %swap3A_133 = arith.constant 0 : index
      %swap3A_134 = arith.constant 56 : index
      %swap3A_135 = arith.constant 168 : index
      %swap3A_136 = vector.load %arg3[%swap3A_132, %swap3A_133, %swap3A_134, %swap3A_135] : memref<1x8x224x224xf32, #tpu.memory_space<vmem>>, vector<1x8x56x56xf32>
      %swap3A_137 = vector.shape_cast %swap3A_136 : vector<1x8x56x56xf32> to vector<8x56x56xf32>
      %swap3A_138 = vector.shape_cast %get3A_131 : vector<8x56x56xf32> to vector<1x8x56x56xf32>
      tpu.vector_store %arg3[%swap3A_132, %swap3A_133, %swap3A_134, %swap3A_135], %swap3A_138 {strides = array<i32>} : memref<1x8x224x224xf32, #tpu.memory_space<vmem>>, vector<1x8x56x56xf32>,
      %get3A_139 = arith.constant 0 : index
      %get3A_140 = arith.constant 0 : index
      %get3A_141 = arith.constant 112 : index
      %get3A_142 = arith.constant 168 : index
      %get3A_143 = vector.load %arg2[%get3A_139, %get3A_140, %get3A_141, %get3A_142] : memref<1x8x224x224xf32, #tpu.memory_space<vmem>>, vector<1x8x56x56xf32>
      %get3A_144 = vector.shape_cast %get3A_143 : vector<1x8x56x56xf32> to vector<8x56x56xf32>
      %swap3A_145 = arith.constant 0 : index
      %swap3A_146 = arith.constant 0 : index
      %swap3A_147 = arith.constant 112 : index
      %swap3A_148 = arith.constant 0 : index
      %swap3A_149 = vector.load %arg3[%swap3A_145, %swap3A_146, %swap3A_147, %swap3A_148] : memref<1x8x224x224xf32, #tpu.memory_space<vmem>>, vector<1x8x56x56xf32>
      %swap3A_150 = vector.shape_cast %swap3A_149 : vector<1x8x56x56xf32> to vector<8x56x56xf32>
      %swap3A_151 = vector.shape_cast %get3A_144 : vector<8x56x56xf32> to vector<1x8x56x56xf32>
      tpu.vector_store %arg3[%swap3A_145, %swap3A_146, %swap3A_147, %swap3A_148], %swap3A_151 {strides = array<i32>} : memref<1x8x224x224xf32, #tpu.memory_space<vmem>>, vector<1x8x56x56xf32>,
      %get3A_152 = arith.constant 0 : index
      %get3A_153 = arith.constant 0 : index
      %get3A_154 = arith.constant 168 : index
      %get3A_155 = arith.constant 112 : index
      %get3A_156 = vector.load %arg2[%get3A_152, %get3A_153, %get3A_154, %get3A_155] : memref<1x8x224x224xf32, #tpu.memory_space<vmem>>, vector<1x8x56x56xf32>
      %get3A_157 = vector.shape_cast %get3A_156 : vector<1x8x56x56xf32> to vector<8x56x56xf32>
      %swap3A_158 = arith.constant 0 : index
      %swap3A_159 = arith.constant 0 : index
      %swap3A_160 = arith.constant 112 : index
      %swap3A_161 = arith.constant 56 : index
      %swap3A_162 = vector.load %arg3[%swap3A_158, %swap3A_159, %swap3A_160, %swap3A_161] : memref<1x8x224x224xf32, #tpu.memory_space<vmem>>, vector<1x8x56x56xf32>
      %swap3A_163 = vector.shape_cast %swap3A_162 : vector<1x8x56x56xf32> to vector<8x56x56xf32>
      %swap3A_164 = vector.shape_cast %get3A_157 : vector<8x56x56xf32> to vector<1x8x56x56xf32>
      tpu.vector_store %arg3[%swap3A_158, %swap3A_159, %swap3A_160, %swap3A_161], %swap3A_164 {strides = array<i32>} : memref<1x8x224x224xf32, #tpu.memory_space<vmem>>, vector<1x8x56x56xf32>,
      %get3A_165 = arith.constant 0 : index
      %get3A_166 = arith.constant 0 : index
      %get3A_167 = arith.constant 168 : index
      %get3A_168 = arith.constant 56 : index
      %get3A_169 = vector.load %arg2[%get3A_165, %get3A_166, %get3A_167, %get3A_168] : memref<1x8x224x224xf32, #tpu.memory_space<vmem>>, vector<1x8x56x56xf32>
      %get3A_170 = vector.shape_cast %get3A_169 : vector<1x8x56x56xf32> to vector<8x56x56xf32>
      %swap3A_171 = arith.constant 0 : index
      %swap3A_172 = arith.constant 0 : index
      %swap3A_173 = arith.constant 112 : index
      %swap3A_174 = arith.constant 112 : index
      %swap3A_175 = vector.load %arg3[%swap3A_171, %swap3A_172, %swap3A_173, %swap3A_174] : memref<1x8x224x224xf32, #tpu.memory_space<vmem>>, vector<1x8x56x56xf32>
      %swap3A_176 = vector.shape_cast %swap3A_175 : vector<1x8x56x56xf32> to vector<8x56x56xf32>
      %swap3A_177 = vector.shape_cast %get3A_170 : vector<8x56x56xf32> to vector<1x8x56x56xf32>
      tpu.vector_store %arg3[%swap3A_171, %swap3A_172, %swap3A_173, %swap3A_174], %swap3A_177 {strides = array<i32>} : memref<1x8x224x224xf32, #tpu.memory_space<vmem>>, vector<1x8x56x56xf32>,
      %get3A_178 = arith.constant 0 : index
      %get3A_179 = arith.constant 0 : index
      %get3A_180 = arith.constant 56 : index
      %get3A_181 = arith.constant 112 : index
      %get3A_182 = vector.load %arg2[%get3A_178, %get3A_179, %get3A_180, %get3A_181] : memref<1x8x224x224xf32, #tpu.memory_space<vmem>>, vector<1x8x56x56xf32>
      %get3A_183 = vector.shape_cast %get3A_182 : vector<1x8x56x56xf32> to vector<8x56x56xf32>
      %swap3A_184 = arith.constant 0 : index
      %swap3A_185 = arith.constant 0 : index
      %swap3A_186 = arith.constant 112 : index
      %swap3A_187 = arith.constant 168 : index
      %swap3A_188 = vector.load %arg3[%swap3A_184, %swap3A_185, %swap3A_186, %swap3A_187] : memref<1x8x224x224xf32, #tpu.memory_space<vmem>>, vector<1x8x56x56xf32>
      %swap3A_189 = vector.shape_cast %swap3A_188 : vector<1x8x56x56xf32> to vector<8x56x56xf32>
      %swap3A_190 = vector.shape_cast %get3A_183 : vector<8x56x56xf32> to vector<1x8x56x56xf32>
      tpu.vector_store %arg3[%swap3A_184, %swap3A_185, %swap3A_186, %swap3A_187], %swap3A_190 {strides = array<i32>} : memref<1x8x224x224xf32, #tpu.memory_space<vmem>>, vector<1x8x56x56xf32>,
      %get3A_191 = arith.constant 0 : index
      %get3A_192 = arith.constant 0 : index
      %get3A_193 = arith.constant 112 : index
      %get3A_194 = arith.constant 56 : index
      %get3A_195 = vector.load %arg2[%get3A_191, %get3A_192, %get3A_193, %get3A_194] : memref<1x8x224x224xf32, #tpu.memory_space<vmem>>, vector<1x8x56x56xf32>
      %get3A_196 = vector.shape_cast %get3A_195 : vector<1x8x56x56xf32> to vector<8x56x56xf32>
      %swap3A_197 = arith.constant 0 : index
      %swap3A_198 = arith.constant 0 : index
      %swap3A_199 = arith.constant 168 : index
      %swap3A_200 = arith.constant 0 : index
      %swap3A_201 = vector.load %arg3[%swap3A_197, %swap3A_198, %swap3A_199, %swap3A_200] : memref<1x8x224x224xf32, #tpu.memory_space<vmem>>, vector<1x8x56x56xf32>
      %swap3A_202 = vector.shape_cast %swap3A_201 : vector<1x8x56x56xf32> to vector<8x56x56xf32>
      %swap3A_203 = vector.shape_cast %get3A_196 : vector<8x56x56xf32> to vector<1x8x56x56xf32>
      tpu.vector_store %arg3[%swap3A_197, %swap3A_198, %swap3A_199, %swap3A_200], %swap3A_203 {strides = array<i32>} : memref<1x8x224x224xf32, #tpu.memory_space<vmem>>, vector<1x8x56x56xf32>,
      %get3A_204 = arith.constant 0 : index
      %get3A_205 = arith.constant 0 : index
      %get3A_206 = arith.constant 168 : index
      %get3A_207 = arith.constant 0 : index
      %get3A_208 = vector.load %arg2[%get3A_204, %get3A_205, %get3A_206, %get3A_207] : memref<1x8x224x224xf32, #tpu.memory_space<vmem>>, vector<1x8x56x56xf32>
      %get3A_209 = vector.shape_cast %get3A_208 : vector<1x8x56x56xf32> to vector<8x56x56xf32>
      %swap3A_210 = arith.constant 0 : index
      %swap3A_211 = arith.constant 0 : index
      %swap3A_212 = arith.constant 168 : index
      %swap3A_213 = arith.constant 56 : index
      %swap3A_214 = vector.load %arg3[%swap3A_210, %swap3A_211, %swap3A_212, %swap3A_213] : memref<1x8x224x224xf32, #tpu.memory_space<vmem>>, vector<1x8x56x56xf32>
      %swap3A_215 = vector.shape_cast %swap3A_214 : vector<1x8x56x56xf32> to vector<8x56x56xf32>
      %swap3A_216 = vector.shape_cast %get3A_209 : vector<8x56x56xf32> to vector<1x8x56x56xf32>
      tpu.vector_store %arg3[%swap3A_210, %swap3A_211, %swap3A_212, %swap3A_213], %swap3A_216 {strides = array<i32>} : memref<1x8x224x224xf32, #tpu.memory_space<vmem>>, vector<1x8x56x56xf32>,
      %get3A_217 = arith.constant 0 : index
      %get3A_218 = arith.constant 0 : index
      %get3A_219 = arith.constant 56 : index
      %get3A_220 = arith.constant 168 : index
      %get3A_221 = vector.load %arg2[%get3A_217, %get3A_218, %get3A_219, %get3A_220] : memref<1x8x224x224xf32, #tpu.memory_space<vmem>>, vector<1x8x56x56xf32>
      %get3A_222 = vector.shape_cast %get3A_221 : vector<1x8x56x56xf32> to vector<8x56x56xf32>
      %swap3A_223 = arith.constant 0 : index
      %swap3A_224 = arith.constant 0 : index
      %swap3A_225 = arith.constant 168 : index
      %swap3A_226 = arith.constant 112 : index
      %swap3A_227 = vector.load %arg3[%swap3A_223, %swap3A_224, %swap3A_225, %swap3A_226] : memref<1x8x224x224xf32, #tpu.memory_space<vmem>>, vector<1x8x56x56xf32>
      %swap3A_228 = vector.shape_cast %swap3A_227 : vector<1x8x56x56xf32> to vector<8x56x56xf32>
      %swap3A_229 = vector.shape_cast %get3A_222 : vector<8x56x56xf32> to vector<1x8x56x56xf32>
      tpu.vector_store %arg3[%swap3A_223, %swap3A_224, %swap3A_225, %swap3A_226], %swap3A_229 {strides = array<i32>} : memref<1x8x224x224xf32, #tpu.memory_space<vmem>>, vector<1x8x56x56xf32>,
      %get3A_230 = arith.constant 0 : index
      %get3A_231 = arith.constant 0 : index
      %get3A_232 = arith.constant 0 : index
      %get3A_233 = arith.constant 112 : index
      %get3A_234 = vector.load %arg2[%get3A_230, %get3A_231, %get3A_232, %get3A_233] : memref<1x8x224x224xf32, #tpu.memory_space<vmem>>, vector<1x8x56x56xf32>
      %get3A_235 = vector.shape_cast %get3A_234 : vector<1x8x56x56xf32> to vector<8x56x56xf32>
      %swap3A_236 = arith.constant 0 : index
      %swap3A_237 = arith.constant 0 : index
      %swap3A_238 = arith.constant 168 : index
      %swap3A_239 = arith.constant 168 : index
      %swap3A_240 = vector.load %arg3[%swap3A_236, %swap3A_237, %swap3A_238, %swap3A_239] : memref<1x8x224x224xf32, #tpu.memory_space<vmem>>, vector<1x8x56x56xf32>
      %swap3A_241 = vector.shape_cast %swap3A_240 : vector<1x8x56x56xf32> to vector<8x56x56xf32>
      %swap3A_242 = vector.shape_cast %get3A_235 : vector<8x56x56xf32> to vector<1x8x56x56xf32>
      tpu.vector_store %arg3[%swap3A_236, %swap3A_237, %swap3A_238, %swap3A_239], %swap3A_242 {strides = array<i32>} : memref<1x8x224x224xf32, #tpu.memory_space<vmem>>, vector<1x8x56x56xf32>,
    } else {
    }
    %eq3A_22 = arith.constant 5 : i32
    %eq3A_23 = arith.cmpi eq, %arg0, %eq3A_22 : i32
    %convert_element_type3A_24 = arith.extui %eq3A_23 : i1 to i32
    %cond3A_25 = arith.constant 0 : i32
    %cond3A_26 = arith.cmpi ne, %convert_element_type3A_24, %cond3A_25 : i32
    scf.if %cond3A_26 {
      %get3A = arith.constant 0 : index
      %get3A_37 = arith.constant 0 : index
      %get3A_38 = arith.constant 168 : index
      %get3A_39 = arith.constant 168 : index
      %get3A_40 = vector.load %arg2[%get3A, %get3A_37, %get3A_38, %get3A_39] : memref<1x8x224x224xf32, #tpu.memory_space<vmem>>, vector<1x8x56x56xf32>
      %get3A_41 = vector.shape_cast %get3A_40 : vector<1x8x56x56xf32> to vector<8x56x56xf32>
      %swap3A = arith.constant 0 : index
      %swap3A_42 = arith.constant 0 : index
      %swap3A_43 = arith.constant 0 : index
      %swap3A_44 = arith.constant 0 : index
      %swap3A_45 = vector.load %arg3[%swap3A, %swap3A_42, %swap3A_43, %swap3A_44] : memref<1x8x224x224xf32, #tpu.memory_space<vmem>>, vector<1x8x56x56xf32>
      %swap3A_46 = vector.shape_cast %swap3A_45 : vector<1x8x56x56xf32> to vector<8x56x56xf32>
      %swap3A_47 = vector.shape_cast %get3A_41 : vector<8x56x56xf32> to vector<1x8x56x56xf32>
      tpu.vector_store %arg3[%swap3A, %swap3A_42, %swap3A_43, %swap3A_44], %swap3A_47 {strides = array<i32>} : memref<1x8x224x224xf32, #tpu.memory_space<vmem>>, vector<1x8x56x56xf32>,
      %get3A_48 = arith.constant 0 : index
      %get3A_49 = arith.constant 0 : index
      %get3A_50 = arith.constant 0 : index
      %get3A_51 = arith.constant 0 : index
      %get3A_52 = vector.load %arg2[%get3A_48, %get3A_49, %get3A_50, %get3A_51] : memref<1x8x224x224xf32, #tpu.memory_space<vmem>>, vector<1x8x56x56xf32>
      %get3A_53 = vector.shape_cast %get3A_52 : vector<1x8x56x56xf32> to vector<8x56x56xf32>
      %swap3A_54 = arith.constant 0 : index
      %swap3A_55 = arith.constant 0 : index
      %swap3A_56 = arith.constant 0 : index
      %swap3A_57 = arith.constant 56 : index
      %swap3A_58 = vector.load %arg3[%swap3A_54, %swap3A_55, %swap3A_56, %swap3A_57] : memref<1x8x224x224xf32, #tpu.memory_space<vmem>>, vector<1x8x56x56xf32>
      %swap3A_59 = vector.shape_cast %swap3A_58 : vector<1x8x56x56xf32> to vector<8x56x56xf32>
      %swap3A_60 = vector.shape_cast %get3A_53 : vector<8x56x56xf32> to vector<1x8x56x56xf32>
      tpu.vector_store %arg3[%swap3A_54, %swap3A_55, %swap3A_56, %swap3A_57], %swap3A_60 {strides = array<i32>} : memref<1x8x224x224xf32, #tpu.memory_space<vmem>>, vector<1x8x56x56xf32>,
      %get3A_61 = arith.constant 0 : index
      %get3A_62 = arith.constant 0 : index
      %get3A_63 = arith.constant 0 : index
      %get3A_64 = arith.constant 56 : index
      %get3A_65 = vector.load %arg2[%get3A_61, %get3A_62, %get3A_63, %get3A_64] : memref<1x8x224x224xf32, #tpu.memory_space<vmem>>, vector<1x8x56x56xf32>
      %get3A_66 = vector.shape_cast %get3A_65 : vector<1x8x56x56xf32> to vector<8x56x56xf32>
      %swap3A_67 = arith.constant 0 : index
      %swap3A_68 = arith.constant 0 : index
      %swap3A_69 = arith.constant 0 : index
      %swap3A_70 = arith.constant 112 : index
      %swap3A_71 = vector.load %arg3[%swap3A_67, %swap3A_68, %swap3A_69, %swap3A_70] : memref<1x8x224x224xf32, #tpu.memory_space<vmem>>, vector<1x8x56x56xf32>
      %swap3A_72 = vector.shape_cast %swap3A_71 : vector<1x8x56x56xf32> to vector<8x56x56xf32>
      %swap3A_73 = vector.shape_cast %get3A_66 : vector<8x56x56xf32> to vector<1x8x56x56xf32>
      tpu.vector_store %arg3[%swap3A_67, %swap3A_68, %swap3A_69, %swap3A_70], %swap3A_73 {strides = array<i32>} : memref<1x8x224x224xf32, #tpu.memory_space<vmem>>, vector<1x8x56x56xf32>,
      %get3A_74 = arith.constant 0 : index
      %get3A_75 = arith.constant 0 : index
      %get3A_76 = arith.constant 168 : index
      %get3A_77 = arith.constant 56 : index
      %get3A_78 = vector.load %arg2[%get3A_74, %get3A_75, %get3A_76, %get3A_77] : memref<1x8x224x224xf32, #tpu.memory_space<vmem>>, vector<1x8x56x56xf32>
      %get3A_79 = vector.shape_cast %get3A_78 : vector<1x8x56x56xf32> to vector<8x56x56xf32>
      %swap3A_80 = arith.constant 0 : index
      %swap3A_81 = arith.constant 0 : index
      %swap3A_82 = arith.constant 0 : index
      %swap3A_83 = arith.constant 168 : index
      %swap3A_84 = vector.load %arg3[%swap3A_80, %swap3A_81, %swap3A_82, %swap3A_83] : memref<1x8x224x224xf32, #tpu.memory_space<vmem>>, vector<1x8x56x56xf32>
      %swap3A_85 = vector.shape_cast %swap3A_84 : vector<1x8x56x56xf32> to vector<8x56x56xf32>
      %swap3A_86 = vector.shape_cast %get3A_79 : vector<8x56x56xf32> to vector<1x8x56x56xf32>
      tpu.vector_store %arg3[%swap3A_80, %swap3A_81, %swap3A_82, %swap3A_83], %swap3A_86 {strides = array<i32>} : memref<1x8x224x224xf32, #tpu.memory_space<vmem>>, vector<1x8x56x56xf32>,
      %get3A_87 = arith.constant 0 : index
      %get3A_88 = arith.constant 0 : index
      %get3A_89 = arith.constant 112 : index
      %get3A_90 = arith.constant 56 : index
      %get3A_91 = vector.load %arg2[%get3A_87, %get3A_88, %get3A_89, %get3A_90] : memref<1x8x224x224xf32, #tpu.memory_space<vmem>>, vector<1x8x56x56xf32>
      %get3A_92 = vector.shape_cast %get3A_91 : vector<1x8x56x56xf32> to vector<8x56x56xf32>
      %swap3A_93 = arith.constant 0 : index
      %swap3A_94 = arith.constant 0 : index
      %swap3A_95 = arith.constant 56 : index
      %swap3A_96 = arith.constant 0 : index
      %swap3A_97 = vector.load %arg3[%swap3A_93, %swap3A_94, %swap3A_95, %swap3A_96] : memref<1x8x224x224xf32, #tpu.memory_space<vmem>>, vector<1x8x56x56xf32>
      %swap3A_98 = vector.shape_cast %swap3A_97 : vector<1x8x56x56xf32> to vector<8x56x56xf32>
      %swap3A_99 = vector.shape_cast %get3A_92 : vector<8x56x56xf32> to vector<1x8x56x56xf32>
      tpu.vector_store %arg3[%swap3A_93, %swap3A_94, %swap3A_95, %swap3A_96], %swap3A_99 {strides = array<i32>} : memref<1x8x224x224xf32, #tpu.memory_space<vmem>>, vector<1x8x56x56xf32>,
      %get3A_100 = arith.constant 0 : index
      %get3A_101 = arith.constant 0 : index
      %get3A_102 = arith.constant 168 : index
      %get3A_103 = arith.constant 0 : index
      %get3A_104 = vector.load %arg2[%get3A_100, %get3A_101, %get3A_102, %get3A_103] : memref<1x8x224x224xf32, #tpu.memory_space<vmem>>, vector<1x8x56x56xf32>
      %get3A_105 = vector.shape_cast %get3A_104 : vector<1x8x56x56xf32> to vector<8x56x56xf32>
      %swap3A_106 = arith.constant 0 : index
      %swap3A_107 = arith.constant 0 : index
      %swap3A_108 = arith.constant 56 : index
      %swap3A_109 = arith.constant 56 : index
      %swap3A_110 = vector.load %arg3[%swap3A_106, %swap3A_107, %swap3A_108, %swap3A_109] : memref<1x8x224x224xf32, #tpu.memory_space<vmem>>, vector<1x8x56x56xf32>
      %swap3A_111 = vector.shape_cast %swap3A_110 : vector<1x8x56x56xf32> to vector<8x56x56xf32>
      %swap3A_112 = vector.shape_cast %get3A_105 : vector<8x56x56xf32> to vector<1x8x56x56xf32>
      tpu.vector_store %arg3[%swap3A_106, %swap3A_107, %swap3A_108, %swap3A_109], %swap3A_112 {strides = array<i32>} : memref<1x8x224x224xf32, #tpu.memory_space<vmem>>, vector<1x8x56x56xf32>,
      %get3A_113 = arith.constant 0 : index
      %get3A_114 = arith.constant 0 : index
      %get3A_115 = arith.constant 56 : index
      %get3A_116 = arith.constant 168 : index
      %get3A_117 = vector.load %arg2[%get3A_113, %get3A_114, %get3A_115, %get3A_116] : memref<1x8x224x224xf32, #tpu.memory_space<vmem>>, vector<1x8x56x56xf32>
      %get3A_118 = vector.shape_cast %get3A_117 : vector<1x8x56x56xf32> to vector<8x56x56xf32>
      %swap3A_119 = arith.constant 0 : index
      %swap3A_120 = arith.constant 0 : index
      %swap3A_121 = arith.constant 56 : index
      %swap3A_122 = arith.constant 112 : index
      %swap3A_123 = vector.load %arg3[%swap3A_119, %swap3A_120, %swap3A_121, %swap3A_122] : memref<1x8x224x224xf32, #tpu.memory_space<vmem>>, vector<1x8x56x56xf32>
      %swap3A_124 = vector.shape_cast %swap3A_123 : vector<1x8x56x56xf32> to vector<8x56x56xf32>
      %swap3A_125 = vector.shape_cast %get3A_118 : vector<8x56x56xf32> to vector<1x8x56x56xf32>
      tpu.vector_store %arg3[%swap3A_119, %swap3A_120, %swap3A_121, %swap3A_122], %swap3A_125 {strides = array<i32>} : memref<1x8x224x224xf32, #tpu.memory_space<vmem>>, vector<1x8x56x56xf32>,
      %get3A_126 = arith.constant 0 : index
      %get3A_127 = arith.constant 0 : index
      %get3A_128 = arith.constant 56 : index
      %get3A_129 = arith.constant 56 : index
      %get3A_130 = vector.load %arg2[%get3A_126, %get3A_127, %get3A_128, %get3A_129] : memref<1x8x224x224xf32, #tpu.memory_space<vmem>>, vector<1x8x56x56xf32>
      %get3A_131 = vector.shape_cast %get3A_130 : vector<1x8x56x56xf32> to vector<8x56x56xf32>
      %swap3A_132 = arith.constant 0 : index
      %swap3A_133 = arith.constant 0 : index
      %swap3A_134 = arith.constant 56 : index
      %swap3A_135 = arith.constant 168 : index
      %swap3A_136 = vector.load %arg3[%swap3A_132, %swap3A_133, %swap3A_134, %swap3A_135] : memref<1x8x224x224xf32, #tpu.memory_space<vmem>>, vector<1x8x56x56xf32>
      %swap3A_137 = vector.shape_cast %swap3A_136 : vector<1x8x56x56xf32> to vector<8x56x56xf32>
      %swap3A_138 = vector.shape_cast %get3A_131 : vector<8x56x56xf32> to vector<1x8x56x56xf32>
      tpu.vector_store %arg3[%swap3A_132, %swap3A_133, %swap3A_134, %swap3A_135], %swap3A_138 {strides = array<i32>} : memref<1x8x224x224xf32, #tpu.memory_space<vmem>>, vector<1x8x56x56xf32>,
      %get3A_139 = arith.constant 0 : index
      %get3A_140 = arith.constant 0 : index
      %get3A_141 = arith.constant 56 : index
      %get3A_142 = arith.constant 112 : index
      %get3A_143 = vector.load %arg2[%get3A_139, %get3A_140, %get3A_141, %get3A_142] : memref<1x8x224x224xf32, #tpu.memory_space<vmem>>, vector<1x8x56x56xf32>
      %get3A_144 = vector.shape_cast %get3A_143 : vector<1x8x56x56xf32> to vector<8x56x56xf32>
      %swap3A_145 = arith.constant 0 : index
      %swap3A_146 = arith.constant 0 : index
      %swap3A_147 = arith.constant 112 : index
      %swap3A_148 = arith.constant 0 : index
      %swap3A_149 = vector.load %arg3[%swap3A_145, %swap3A_146, %swap3A_147, %swap3A_148] : memref<1x8x224x224xf32, #tpu.memory_space<vmem>>, vector<1x8x56x56xf32>
      %swap3A_150 = vector.shape_cast %swap3A_149 : vector<1x8x56x56xf32> to vector<8x56x56xf32>
      %swap3A_151 = vector.shape_cast %get3A_144 : vector<8x56x56xf32> to vector<1x8x56x56xf32>
      tpu.vector_store %arg3[%swap3A_145, %swap3A_146, %swap3A_147, %swap3A_148], %swap3A_151 {strides = array<i32>} : memref<1x8x224x224xf32, #tpu.memory_space<vmem>>, vector<1x8x56x56xf32>,
      %get3A_152 = arith.constant 0 : index
      %get3A_153 = arith.constant 0 : index
      %get3A_154 = arith.constant 112 : index
      %get3A_155 = arith.constant 168 : index
      %get3A_156 = vector.load %arg2[%get3A_152, %get3A_153, %get3A_154, %get3A_155] : memref<1x8x224x224xf32, #tpu.memory_space<vmem>>, vector<1x8x56x56xf32>
      %get3A_157 = vector.shape_cast %get3A_156 : vector<1x8x56x56xf32> to vector<8x56x56xf32>
      %swap3A_158 = arith.constant 0 : index
      %swap3A_159 = arith.constant 0 : index
      %swap3A_160 = arith.constant 112 : index
      %swap3A_161 = arith.constant 56 : index
      %swap3A_162 = vector.load %arg3[%swap3A_158, %swap3A_159, %swap3A_160, %swap3A_161] : memref<1x8x224x224xf32, #tpu.memory_space<vmem>>, vector<1x8x56x56xf32>
      %swap3A_163 = vector.shape_cast %swap3A_162 : vector<1x8x56x56xf32> to vector<8x56x56xf32>
      %swap3A_164 = vector.shape_cast %get3A_157 : vector<8x56x56xf32> to vector<1x8x56x56xf32>
      tpu.vector_store %arg3[%swap3A_158, %swap3A_159, %swap3A_160, %swap3A_161], %swap3A_164 {strides = array<i32>} : memref<1x8x224x224xf32, #tpu.memory_space<vmem>>, vector<1x8x56x56xf32>,
      %get3A_165 = arith.constant 0 : index
      %get3A_166 = arith.constant 0 : index
      %get3A_167 = arith.constant 112 : index
      %get3A_168 = arith.constant 112 : index
      %get3A_169 = vector.load %arg2[%get3A_165, %get3A_166, %get3A_167, %get3A_168] : memref<1x8x224x224xf32, #tpu.memory_space<vmem>>, vector<1x8x56x56xf32>
      %get3A_170 = vector.shape_cast %get3A_169 : vector<1x8x56x56xf32> to vector<8x56x56xf32>
      %swap3A_171 = arith.constant 0 : index
      %swap3A_172 = arith.constant 0 : index
      %swap3A_173 = arith.constant 112 : index
      %swap3A_174 = arith.constant 112 : index
      %swap3A_175 = vector.load %arg3[%swap3A_171, %swap3A_172, %swap3A_173, %swap3A_174] : memref<1x8x224x224xf32, #tpu.memory_space<vmem>>, vector<1x8x56x56xf32>
      %swap3A_176 = vector.shape_cast %swap3A_175 : vector<1x8x56x56xf32> to vector<8x56x56xf32>
      %swap3A_177 = vector.shape_cast %get3A_170 : vector<8x56x56xf32> to vector<1x8x56x56xf32>
      tpu.vector_store %arg3[%swap3A_171, %swap3A_172, %swap3A_173, %swap3A_174], %swap3A_177 {strides = array<i32>} : memref<1x8x224x224xf32, #tpu.memory_space<vmem>>, vector<1x8x56x56xf32>,
      %get3A_178 = arith.constant 0 : index
      %get3A_179 = arith.constant 0 : index
      %get3A_180 = arith.constant 112 : index
      %get3A_181 = arith.constant 0 : index
      %get3A_182 = vector.load %arg2[%get3A_178, %get3A_179, %get3A_180, %get3A_181] : memref<1x8x224x224xf32, #tpu.memory_space<vmem>>, vector<1x8x56x56xf32>
      %get3A_183 = vector.shape_cast %get3A_182 : vector<1x8x56x56xf32> to vector<8x56x56xf32>
      %swap3A_184 = arith.constant 0 : index
      %swap3A_185 = arith.constant 0 : index
      %swap3A_186 = arith.constant 112 : index
      %swap3A_187 = arith.constant 168 : index
      %swap3A_188 = vector.load %arg3[%swap3A_184, %swap3A_185, %swap3A_186, %swap3A_187] : memref<1x8x224x224xf32, #tpu.memory_space<vmem>>, vector<1x8x56x56xf32>
      %swap3A_189 = vector.shape_cast %swap3A_188 : vector<1x8x56x56xf32> to vector<8x56x56xf32>
      %swap3A_190 = vector.shape_cast %get3A_183 : vector<8x56x56xf32> to vector<1x8x56x56xf32>
      tpu.vector_store %arg3[%swap3A_184, %swap3A_185, %swap3A_186, %swap3A_187], %swap3A_190 {strides = array<i32>} : memref<1x8x224x224xf32, #tpu.memory_space<vmem>>, vector<1x8x56x56xf32>,
      %get3A_191 = arith.constant 0 : index
      %get3A_192 = arith.constant 0 : index
      %get3A_193 = arith.constant 0 : index
      %get3A_194 = arith.constant 112 : index
      %get3A_195 = vector.load %arg2[%get3A_191, %get3A_192, %get3A_193, %get3A_194] : memref<1x8x224x224xf32, #tpu.memory_space<vmem>>, vector<1x8x56x56xf32>
      %get3A_196 = vector.shape_cast %get3A_195 : vector<1x8x56x56xf32> to vector<8x56x56xf32>
      %swap3A_197 = arith.constant 0 : index
      %swap3A_198 = arith.constant 0 : index
      %swap3A_199 = arith.constant 168 : index
      %swap3A_200 = arith.constant 0 : index
      %swap3A_201 = vector.load %arg3[%swap3A_197, %swap3A_198, %swap3A_199, %swap3A_200] : memref<1x8x224x224xf32, #tpu.memory_space<vmem>>, vector<1x8x56x56xf32>
      %swap3A_202 = vector.shape_cast %swap3A_201 : vector<1x8x56x56xf32> to vector<8x56x56xf32>
      %swap3A_203 = vector.shape_cast %get3A_196 : vector<8x56x56xf32> to vector<1x8x56x56xf32>
      tpu.vector_store %arg3[%swap3A_197, %swap3A_198, %swap3A_199, %swap3A_200], %swap3A_203 {strides = array<i32>} : memref<1x8x224x224xf32, #tpu.memory_space<vmem>>, vector<1x8x56x56xf32>,
      %get3A_204 = arith.constant 0 : index
      %get3A_205 = arith.constant 0 : index
      %get3A_206 = arith.constant 56 : index
      %get3A_207 = arith.constant 0 : index
      %get3A_208 = vector.load %arg2[%get3A_204, %get3A_205, %get3A_206, %get3A_207] : memref<1x8x224x224xf32, #tpu.memory_space<vmem>>, vector<1x8x56x56xf32>
      %get3A_209 = vector.shape_cast %get3A_208 : vector<1x8x56x56xf32> to vector<8x56x56xf32>
      %swap3A_210 = arith.constant 0 : index
      %swap3A_211 = arith.constant 0 : index
      %swap3A_212 = arith.constant 168 : index
      %swap3A_213 = arith.constant 56 : index
      %swap3A_214 = vector.load %arg3[%swap3A_210, %swap3A_211, %swap3A_212, %swap3A_213] : memref<1x8x224x224xf32, #tpu.memory_space<vmem>>, vector<1x8x56x56xf32>
      %swap3A_215 = vector.shape_cast %swap3A_214 : vector<1x8x56x56xf32> to vector<8x56x56xf32>
      %swap3A_216 = vector.shape_cast %get3A_209 : vector<8x56x56xf32> to vector<1x8x56x56xf32>
      tpu.vector_store %arg3[%swap3A_210, %swap3A_211, %swap3A_212, %swap3A_213], %swap3A_216 {strides = array<i32>} : memref<1x8x224x224xf32, #tpu.memory_space<vmem>>, vector<1x8x56x56xf32>,
      %get3A_217 = arith.constant 0 : index
      %get3A_218 = arith.constant 0 : index
      %get3A_219 = arith.constant 168 : index
      %get3A_220 = arith.constant 112 : index
      %get3A_221 = vector.load %arg2[%get3A_217, %get3A_218, %get3A_219, %get3A_220] : memref<1x8x224x224xf32, #tpu.memory_space<vmem>>, vector<1x8x56x56xf32>
      %get3A_222 = vector.shape_cast %get3A_221 : vector<1x8x56x56xf32> to vector<8x56x56xf32>
      %swap3A_223 = arith.constant 0 : index
      %swap3A_224 = arith.constant 0 : index
      %swap3A_225 = arith.constant 168 : index
      %swap3A_226 = arith.constant 112 : index
      %swap3A_227 = vector.load %arg3[%swap3A_223, %swap3A_224, %swap3A_225, %swap3A_226] : memref<1x8x224x224xf32, #tpu.memory_space<vmem>>, vector<1x8x56x56xf32>
      %swap3A_228 = vector.shape_cast %swap3A_227 : vector<1x8x56x56xf32> to vector<8x56x56xf32>
      %swap3A_229 = vector.shape_cast %get3A_222 : vector<8x56x56xf32> to vector<1x8x56x56xf32>
      tpu.vector_store %arg3[%swap3A_223, %swap3A_224, %swap3A_225, %swap3A_226], %swap3A_229 {strides = array<i32>} : memref<1x8x224x224xf32, #tpu.memory_space<vmem>>, vector<1x8x56x56xf32>,
      %get3A_230 = arith.constant 0 : index
      %get3A_231 = arith.constant 0 : index
      %get3A_232 = arith.constant 0 : index
      %get3A_233 = arith.constant 168 : index
      %get3A_234 = vector.load %arg2[%get3A_230, %get3A_231, %get3A_232, %get3A_233] : memref<1x8x224x224xf32, #tpu.memory_space<vmem>>, vector<1x8x56x56xf32>
      %get3A_235 = vector.shape_cast %get3A_234 : vector<1x8x56x56xf32> to vector<8x56x56xf32>
      %swap3A_236 = arith.constant 0 : index
      %swap3A_237 = arith.constant 0 : index
      %swap3A_238 = arith.constant 168 : index
      %swap3A_239 = arith.constant 168 : index
      %swap3A_240 = vector.load %arg3[%swap3A_236, %swap3A_237, %swap3A_238, %swap3A_239] : memref<1x8x224x224xf32, #tpu.memory_space<vmem>>, vector<1x8x56x56xf32>
      %swap3A_241 = vector.shape_cast %swap3A_240 : vector<1x8x56x56xf32> to vector<8x56x56xf32>
      %swap3A_242 = vector.shape_cast %get3A_235 : vector<8x56x56xf32> to vector<1x8x56x56xf32>
      tpu.vector_store %arg3[%swap3A_236, %swap3A_237, %swap3A_238, %swap3A_239], %swap3A_242 {strides = array<i32>} : memref<1x8x224x224xf32, #tpu.memory_space<vmem>>, vector<1x8x56x56xf32>,
    } else {
    }
    %eq3A_27 = arith.constant 6 : i32
    %eq3A_28 = arith.cmpi eq, %arg0, %eq3A_27 : i32
    %convert_element_type3A_29 = arith.extui %eq3A_28 : i1 to i32
    %cond3A_30 = arith.constant 0 : i32
    %cond3A_31 = arith.cmpi ne, %convert_element_type3A_29, %cond3A_30 : i32
    scf.if %cond3A_31 {
      %get3A = arith.constant 0 : index
      %get3A_37 = arith.constant 0 : index
      %get3A_38 = arith.constant 56 : index
      %get3A_39 = arith.constant 168 : index
      %get3A_40 = vector.load %arg2[%get3A, %get3A_37, %get3A_38, %get3A_39] : memref<1x8x224x224xf32, #tpu.memory_space<vmem>>, vector<1x8x56x56xf32>
      %get3A_41 = vector.shape_cast %get3A_40 : vector<1x8x56x56xf32> to vector<8x56x56xf32>
      %swap3A = arith.constant 0 : index
      %swap3A_42 = arith.constant 0 : index
      %swap3A_43 = arith.constant 0 : index
      %swap3A_44 = arith.constant 0 : index
      %swap3A_45 = vector.load %arg3[%swap3A, %swap3A_42, %swap3A_43, %swap3A_44] : memref<1x8x224x224xf32, #tpu.memory_space<vmem>>, vector<1x8x56x56xf32>
      %swap3A_46 = vector.shape_cast %swap3A_45 : vector<1x8x56x56xf32> to vector<8x56x56xf32>
      %swap3A_47 = vector.shape_cast %get3A_41 : vector<8x56x56xf32> to vector<1x8x56x56xf32>
      tpu.vector_store %arg3[%swap3A, %swap3A_42, %swap3A_43, %swap3A_44], %swap3A_47 {strides = array<i32>} : memref<1x8x224x224xf32, #tpu.memory_space<vmem>>, vector<1x8x56x56xf32>,
      %get3A_48 = arith.constant 0 : index
      %get3A_49 = arith.constant 0 : index
      %get3A_50 = arith.constant 56 : index
      %get3A_51 = arith.constant 112 : index
      %get3A_52 = vector.load %arg2[%get3A_48, %get3A_49, %get3A_50, %get3A_51] : memref<1x8x224x224xf32, #tpu.memory_space<vmem>>, vector<1x8x56x56xf32>
      %get3A_53 = vector.shape_cast %get3A_52 : vector<1x8x56x56xf32> to vector<8x56x56xf32>
      %swap3A_54 = arith.constant 0 : index
      %swap3A_55 = arith.constant 0 : index
      %swap3A_56 = arith.constant 0 : index
      %swap3A_57 = arith.constant 56 : index
      %swap3A_58 = vector.load %arg3[%swap3A_54, %swap3A_55, %swap3A_56, %swap3A_57] : memref<1x8x224x224xf32, #tpu.memory_space<vmem>>, vector<1x8x56x56xf32>
      %swap3A_59 = vector.shape_cast %swap3A_58 : vector<1x8x56x56xf32> to vector<8x56x56xf32>
      %swap3A_60 = vector.shape_cast %get3A_53 : vector<8x56x56xf32> to vector<1x8x56x56xf32>
      tpu.vector_store %arg3[%swap3A_54, %swap3A_55, %swap3A_56, %swap3A_57], %swap3A_60 {strides = array<i32>} : memref<1x8x224x224xf32, #tpu.memory_space<vmem>>, vector<1x8x56x56xf32>,
      %get3A_61 = arith.constant 0 : index
      %get3A_62 = arith.constant 0 : index
      %get3A_63 = arith.constant 0 : index
      %get3A_64 = arith.constant 0 : index
      %get3A_65 = vector.load %arg2[%get3A_61, %get3A_62, %get3A_63, %get3A_64] : memref<1x8x224x224xf32, #tpu.memory_space<vmem>>, vector<1x8x56x56xf32>
      %get3A_66 = vector.shape_cast %get3A_65 : vector<1x8x56x56xf32> to vector<8x56x56xf32>
      %swap3A_67 = arith.constant 0 : index
      %swap3A_68 = arith.constant 0 : index
      %swap3A_69 = arith.constant 0 : index
      %swap3A_70 = arith.constant 112 : index
      %swap3A_71 = vector.load %arg3[%swap3A_67, %swap3A_68, %swap3A_69, %swap3A_70] : memref<1x8x224x224xf32, #tpu.memory_space<vmem>>, vector<1x8x56x56xf32>
      %swap3A_72 = vector.shape_cast %swap3A_71 : vector<1x8x56x56xf32> to vector<8x56x56xf32>
      %swap3A_73 = vector.shape_cast %get3A_66 : vector<8x56x56xf32> to vector<1x8x56x56xf32>
      tpu.vector_store %arg3[%swap3A_67, %swap3A_68, %swap3A_69, %swap3A_70], %swap3A_73 {strides = array<i32>} : memref<1x8x224x224xf32, #tpu.memory_space<vmem>>, vector<1x8x56x56xf32>,
      %get3A_74 = arith.constant 0 : index
      %get3A_75 = arith.constant 0 : index
      %get3A_76 = arith.constant 168 : index
      %get3A_77 = arith.constant 0 : index
      %get3A_78 = vector.load %arg2[%get3A_74, %get3A_75, %get3A_76, %get3A_77] : memref<1x8x224x224xf32, #tpu.memory_space<vmem>>, vector<1x8x56x56xf32>
      %get3A_79 = vector.shape_cast %get3A_78 : vector<1x8x56x56xf32> to vector<8x56x56xf32>
      %swap3A_80 = arith.constant 0 : index
      %swap3A_81 = arith.constant 0 : index
      %swap3A_82 = arith.constant 0 : index
      %swap3A_83 = arith.constant 168 : index
      %swap3A_84 = vector.load %arg3[%swap3A_80, %swap3A_81, %swap3A_82, %swap3A_83] : memref<1x8x224x224xf32, #tpu.memory_space<vmem>>, vector<1x8x56x56xf32>
      %swap3A_85 = vector.shape_cast %swap3A_84 : vector<1x8x56x56xf32> to vector<8x56x56xf32>
      %swap3A_86 = vector.shape_cast %get3A_79 : vector<8x56x56xf32> to vector<1x8x56x56xf32>
      tpu.vector_store %arg3[%swap3A_80, %swap3A_81, %swap3A_82, %swap3A_83], %swap3A_86 {strides = array<i32>} : memref<1x8x224x224xf32, #tpu.memory_space<vmem>>, vector<1x8x56x56xf32>,
      %get3A_87 = arith.constant 0 : index
      %get3A_88 = arith.constant 0 : index
      %get3A_89 = arith.constant 168 : index
      %get3A_90 = arith.constant 56 : index
      %get3A_91 = vector.load %arg2[%get3A_87, %get3A_88, %get3A_89, %get3A_90] : memref<1x8x224x224xf32, #tpu.memory_space<vmem>>, vector<1x8x56x56xf32>
      %get3A_92 = vector.shape_cast %get3A_91 : vector<1x8x56x56xf32> to vector<8x56x56xf32>
      %swap3A_93 = arith.constant 0 : index
      %swap3A_94 = arith.constant 0 : index
      %swap3A_95 = arith.constant 56 : index
      %swap3A_96 = arith.constant 0 : index
      %swap3A_97 = vector.load %arg3[%swap3A_93, %swap3A_94, %swap3A_95, %swap3A_96] : memref<1x8x224x224xf32, #tpu.memory_space<vmem>>, vector<1x8x56x56xf32>
      %swap3A_98 = vector.shape_cast %swap3A_97 : vector<1x8x56x56xf32> to vector<8x56x56xf32>
      %swap3A_99 = vector.shape_cast %get3A_92 : vector<8x56x56xf32> to vector<1x8x56x56xf32>
      tpu.vector_store %arg3[%swap3A_93, %swap3A_94, %swap3A_95, %swap3A_96], %swap3A_99 {strides = array<i32>} : memref<1x8x224x224xf32, #tpu.memory_space<vmem>>, vector<1x8x56x56xf32>,
      %get3A_100 = arith.constant 0 : index
      %get3A_101 = arith.constant 0 : index
      %get3A_102 = arith.constant 112 : index
      %get3A_103 = arith.constant 56 : index
      %get3A_104 = vector.load %arg2[%get3A_100, %get3A_101, %get3A_102, %get3A_103] : memref<1x8x224x224xf32, #tpu.memory_space<vmem>>, vector<1x8x56x56xf32>
      %get3A_105 = vector.shape_cast %get3A_104 : vector<1x8x56x56xf32> to vector<8x56x56xf32>
      %swap3A_106 = arith.constant 0 : index
      %swap3A_107 = arith.constant 0 : index
      %swap3A_108 = arith.constant 56 : index
      %swap3A_109 = arith.constant 56 : index
      %swap3A_110 = vector.load %arg3[%swap3A_106, %swap3A_107, %swap3A_108, %swap3A_109] : memref<1x8x224x224xf32, #tpu.memory_space<vmem>>, vector<1x8x56x56xf32>
      %swap3A_111 = vector.shape_cast %swap3A_110 : vector<1x8x56x56xf32> to vector<8x56x56xf32>
      %swap3A_112 = vector.shape_cast %get3A_105 : vector<8x56x56xf32> to vector<1x8x56x56xf32>
      tpu.vector_store %arg3[%swap3A_106, %swap3A_107, %swap3A_108, %swap3A_109], %swap3A_112 {strides = array<i32>} : memref<1x8x224x224xf32, #tpu.memory_space<vmem>>, vector<1x8x56x56xf32>,
      %get3A_113 = arith.constant 0 : index
      %get3A_114 = arith.constant 0 : index
      %get3A_115 = arith.constant 56 : index
      %get3A_116 = arith.constant 0 : index
      %get3A_117 = vector.load %arg2[%get3A_113, %get3A_114, %get3A_115, %get3A_116] : memref<1x8x224x224xf32, #tpu.memory_space<vmem>>, vector<1x8x56x56xf32>
      %get3A_118 = vector.shape_cast %get3A_117 : vector<1x8x56x56xf32> to vector<8x56x56xf32>
      %swap3A_119 = arith.constant 0 : index
      %swap3A_120 = arith.constant 0 : index
      %swap3A_121 = arith.constant 56 : index
      %swap3A_122 = arith.constant 112 : index
      %swap3A_123 = vector.load %arg3[%swap3A_119, %swap3A_120, %swap3A_121, %swap3A_122] : memref<1x8x224x224xf32, #tpu.memory_space<vmem>>, vector<1x8x56x56xf32>
      %swap3A_124 = vector.shape_cast %swap3A_123 : vector<1x8x56x56xf32> to vector<8x56x56xf32>
      %swap3A_125 = vector.shape_cast %get3A_118 : vector<8x56x56xf32> to vector<1x8x56x56xf32>
      tpu.vector_store %arg3[%swap3A_119, %swap3A_120, %swap3A_121, %swap3A_122], %swap3A_125 {strides = array<i32>} : memref<1x8x224x224xf32, #tpu.memory_space<vmem>>, vector<1x8x56x56xf32>,
      %get3A_126 = arith.constant 0 : index
      %get3A_127 = arith.constant 0 : index
      %get3A_128 = arith.constant 112 : index
      %get3A_129 = arith.constant 112 : index
      %get3A_130 = vector.load %arg2[%get3A_126, %get3A_127, %get3A_128, %get3A_129] : memref<1x8x224x224xf32, #tpu.memory_space<vmem>>, vector<1x8x56x56xf32>
      %get3A_131 = vector.shape_cast %get3A_130 : vector<1x8x56x56xf32> to vector<8x56x56xf32>
      %swap3A_132 = arith.constant 0 : index
      %swap3A_133 = arith.constant 0 : index
      %swap3A_134 = arith.constant 56 : index
      %swap3A_135 = arith.constant 168 : index
      %swap3A_136 = vector.load %arg3[%swap3A_132, %swap3A_133, %swap3A_134, %swap3A_135] : memref<1x8x224x224xf32, #tpu.memory_space<vmem>>, vector<1x8x56x56xf32>
      %swap3A_137 = vector.shape_cast %swap3A_136 : vector<1x8x56x56xf32> to vector<8x56x56xf32>
      %swap3A_138 = vector.shape_cast %get3A_131 : vector<8x56x56xf32> to vector<1x8x56x56xf32>
      tpu.vector_store %arg3[%swap3A_132, %swap3A_133, %swap3A_134, %swap3A_135], %swap3A_138 {strides = array<i32>} : memref<1x8x224x224xf32, #tpu.memory_space<vmem>>, vector<1x8x56x56xf32>,
      %get3A_139 = arith.constant 0 : index
      %get3A_140 = arith.constant 0 : index
      %get3A_141 = arith.constant 168 : index
      %get3A_142 = arith.constant 168 : index
      %get3A_143 = vector.load %arg2[%get3A_139, %get3A_140, %get3A_141, %get3A_142] : memref<1x8x224x224xf32, #tpu.memory_space<vmem>>, vector<1x8x56x56xf32>
      %get3A_144 = vector.shape_cast %get3A_143 : vector<1x8x56x56xf32> to vector<8x56x56xf32>
      %swap3A_145 = arith.constant 0 : index
      %swap3A_146 = arith.constant 0 : index
      %swap3A_147 = arith.constant 112 : index
      %swap3A_148 = arith.constant 0 : index
      %swap3A_149 = vector.load %arg3[%swap3A_145, %swap3A_146, %swap3A_147, %swap3A_148] : memref<1x8x224x224xf32, #tpu.memory_space<vmem>>, vector<1x8x56x56xf32>
      %swap3A_150 = vector.shape_cast %swap3A_149 : vector<1x8x56x56xf32> to vector<8x56x56xf32>
      %swap3A_151 = vector.shape_cast %get3A_144 : vector<8x56x56xf32> to vector<1x8x56x56xf32>
      tpu.vector_store %arg3[%swap3A_145, %swap3A_146, %swap3A_147, %swap3A_148], %swap3A_151 {strides = array<i32>} : memref<1x8x224x224xf32, #tpu.memory_space<vmem>>, vector<1x8x56x56xf32>,
      %get3A_152 = arith.constant 0 : index
      %get3A_153 = arith.constant 0 : index
      %get3A_154 = arith.constant 112 : index
      %get3A_155 = arith.constant 0 : index
      %get3A_156 = vector.load %arg2[%get3A_152, %get3A_153, %get3A_154, %get3A_155] : memref<1x8x224x224xf32, #tpu.memory_space<vmem>>, vector<1x8x56x56xf32>
      %get3A_157 = vector.shape_cast %get3A_156 : vector<1x8x56x56xf32> to vector<8x56x56xf32>
      %swap3A_158 = arith.constant 0 : index
      %swap3A_159 = arith.constant 0 : index
      %swap3A_160 = arith.constant 112 : index
      %swap3A_161 = arith.constant 56 : index
      %swap3A_162 = vector.load %arg3[%swap3A_158, %swap3A_159, %swap3A_160, %swap3A_161] : memref<1x8x224x224xf32, #tpu.memory_space<vmem>>, vector<1x8x56x56xf32>
      %swap3A_163 = vector.shape_cast %swap3A_162 : vector<1x8x56x56xf32> to vector<8x56x56xf32>
      %swap3A_164 = vector.shape_cast %get3A_157 : vector<8x56x56xf32> to vector<1x8x56x56xf32>
      tpu.vector_store %arg3[%swap3A_158, %swap3A_159, %swap3A_160, %swap3A_161], %swap3A_164 {strides = array<i32>} : memref<1x8x224x224xf32, #tpu.memory_space<vmem>>, vector<1x8x56x56xf32>,
      %get3A_165 = arith.constant 0 : index
      %get3A_166 = arith.constant 0 : index
      %get3A_167 = arith.constant 112 : index
      %get3A_168 = arith.constant 168 : index
      %get3A_169 = vector.load %arg2[%get3A_165, %get3A_166, %get3A_167, %get3A_168] : memref<1x8x224x224xf32, #tpu.memory_space<vmem>>, vector<1x8x56x56xf32>
      %get3A_170 = vector.shape_cast %get3A_169 : vector<1x8x56x56xf32> to vector<8x56x56xf32>
      %swap3A_171 = arith.constant 0 : index
      %swap3A_172 = arith.constant 0 : index
      %swap3A_173 = arith.constant 112 : index
      %swap3A_174 = arith.constant 112 : index
      %swap3A_175 = vector.load %arg3[%swap3A_171, %swap3A_172, %swap3A_173, %swap3A_174] : memref<1x8x224x224xf32, #tpu.memory_space<vmem>>, vector<1x8x56x56xf32>
      %swap3A_176 = vector.shape_cast %swap3A_175 : vector<1x8x56x56xf32> to vector<8x56x56xf32>
      %swap3A_177 = vector.shape_cast %get3A_170 : vector<8x56x56xf32> to vector<1x8x56x56xf32>
      tpu.vector_store %arg3[%swap3A_171, %swap3A_172, %swap3A_173, %swap3A_174], %swap3A_177 {strides = array<i32>} : memref<1x8x224x224xf32, #tpu.memory_space<vmem>>, vector<1x8x56x56xf32>,
      %get3A_178 = arith.constant 0 : index
      %get3A_179 = arith.constant 0 : index
      %get3A_180 = arith.constant 0 : index
      %get3A_181 = arith.constant 112 : index
      %get3A_182 = vector.load %arg2[%get3A_178, %get3A_179, %get3A_180, %get3A_181] : memref<1x8x224x224xf32, #tpu.memory_space<vmem>>, vector<1x8x56x56xf32>
      %get3A_183 = vector.shape_cast %get3A_182 : vector<1x8x56x56xf32> to vector<8x56x56xf32>
      %swap3A_184 = arith.constant 0 : index
      %swap3A_185 = arith.constant 0 : index
      %swap3A_186 = arith.constant 112 : index
      %swap3A_187 = arith.constant 168 : index
      %swap3A_188 = vector.load %arg3[%swap3A_184, %swap3A_185, %swap3A_186, %swap3A_187] : memref<1x8x224x224xf32, #tpu.memory_space<vmem>>, vector<1x8x56x56xf32>
      %swap3A_189 = vector.shape_cast %swap3A_188 : vector<1x8x56x56xf32> to vector<8x56x56xf32>
      %swap3A_190 = vector.shape_cast %get3A_183 : vector<8x56x56xf32> to vector<1x8x56x56xf32>
      tpu.vector_store %arg3[%swap3A_184, %swap3A_185, %swap3A_186, %swap3A_187], %swap3A_190 {strides = array<i32>} : memref<1x8x224x224xf32, #tpu.memory_space<vmem>>, vector<1x8x56x56xf32>,
      %get3A_191 = arith.constant 0 : index
      %get3A_192 = arith.constant 0 : index
      %get3A_193 = arith.constant 0 : index
      %get3A_194 = arith.constant 168 : index
      %get3A_195 = vector.load %arg2[%get3A_191, %get3A_192, %get3A_193, %get3A_194] : memref<1x8x224x224xf32, #tpu.memory_space<vmem>>, vector<1x8x56x56xf32>
      %get3A_196 = vector.shape_cast %get3A_195 : vector<1x8x56x56xf32> to vector<8x56x56xf32>
      %swap3A_197 = arith.constant 0 : index
      %swap3A_198 = arith.constant 0 : index
      %swap3A_199 = arith.constant 168 : index
      %swap3A_200 = arith.constant 0 : index
      %swap3A_201 = vector.load %arg3[%swap3A_197, %swap3A_198, %swap3A_199, %swap3A_200] : memref<1x8x224x224xf32, #tpu.memory_space<vmem>>, vector<1x8x56x56xf32>
      %swap3A_202 = vector.shape_cast %swap3A_201 : vector<1x8x56x56xf32> to vector<8x56x56xf32>
      %swap3A_203 = vector.shape_cast %get3A_196 : vector<8x56x56xf32> to vector<1x8x56x56xf32>
      tpu.vector_store %arg3[%swap3A_197, %swap3A_198, %swap3A_199, %swap3A_200], %swap3A_203 {strides = array<i32>} : memref<1x8x224x224xf32, #tpu.memory_space<vmem>>, vector<1x8x56x56xf32>,
      %get3A_204 = arith.constant 0 : index
      %get3A_205 = arith.constant 0 : index
      %get3A_206 = arith.constant 0 : index
      %get3A_207 = arith.constant 56 : index
      %get3A_208 = vector.load %arg2[%get3A_204, %get3A_205, %get3A_206, %get3A_207] : memref<1x8x224x224xf32, #tpu.memory_space<vmem>>, vector<1x8x56x56xf32>
      %get3A_209 = vector.shape_cast %get3A_208 : vector<1x8x56x56xf32> to vector<8x56x56xf32>
      %swap3A_210 = arith.constant 0 : index
      %swap3A_211 = arith.constant 0 : index
      %swap3A_212 = arith.constant 168 : index
      %swap3A_213 = arith.constant 56 : index
      %swap3A_214 = vector.load %arg3[%swap3A_210, %swap3A_211, %swap3A_212, %swap3A_213] : memref<1x8x224x224xf32, #tpu.memory_space<vmem>>, vector<1x8x56x56xf32>
      %swap3A_215 = vector.shape_cast %swap3A_214 : vector<1x8x56x56xf32> to vector<8x56x56xf32>
      %swap3A_216 = vector.shape_cast %get3A_209 : vector<8x56x56xf32> to vector<1x8x56x56xf32>
      tpu.vector_store %arg3[%swap3A_210, %swap3A_211, %swap3A_212, %swap3A_213], %swap3A_216 {strides = array<i32>} : memref<1x8x224x224xf32, #tpu.memory_space<vmem>>, vector<1x8x56x56xf32>,
      %get3A_217 = arith.constant 0 : index
      %get3A_218 = arith.constant 0 : index
      %get3A_219 = arith.constant 168 : index
      %get3A_220 = arith.constant 112 : index
      %get3A_221 = vector.load %arg2[%get3A_217, %get3A_218, %get3A_219, %get3A_220] : memref<1x8x224x224xf32, #tpu.memory_space<vmem>>, vector<1x8x56x56xf32>
      %get3A_222 = vector.shape_cast %get3A_221 : vector<1x8x56x56xf32> to vector<8x56x56xf32>
      %swap3A_223 = arith.constant 0 : index
      %swap3A_224 = arith.constant 0 : index
      %swap3A_225 = arith.constant 168 : index
      %swap3A_226 = arith.constant 112 : index
      %swap3A_227 = vector.load %arg3[%swap3A_223, %swap3A_224, %swap3A_225, %swap3A_226] : memref<1x8x224x224xf32, #tpu.memory_space<vmem>>, vector<1x8x56x56xf32>
      %swap3A_228 = vector.shape_cast %swap3A_227 : vector<1x8x56x56xf32> to vector<8x56x56xf32>
      %swap3A_229 = vector.shape_cast %get3A_222 : vector<8x56x56xf32> to vector<1x8x56x56xf32>
      tpu.vector_store %arg3[%swap3A_223, %swap3A_224, %swap3A_225, %swap3A_226], %swap3A_229 {strides = array<i32>} : memref<1x8x224x224xf32, #tpu.memory_space<vmem>>, vector<1x8x56x56xf32>,
      %get3A_230 = arith.constant 0 : index
      %get3A_231 = arith.constant 0 : index
      %get3A_232 = arith.constant 56 : index
      %get3A_233 = arith.constant 56 : index
      %get3A_234 = vector.load %arg2[%get3A_230, %get3A_231, %get3A_232, %get3A_233] : memref<1x8x224x224xf32, #tpu.memory_space<vmem>>, vector<1x8x56x56xf32>
      %get3A_235 = vector.shape_cast %get3A_234 : vector<1x8x56x56xf32> to vector<8x56x56xf32>
      %swap3A_236 = arith.constant 0 : index
      %swap3A_237 = arith.constant 0 : index
      %swap3A_238 = arith.constant 168 : index
      %swap3A_239 = arith.constant 168 : index
      %swap3A_240 = vector.load %arg3[%swap3A_236, %swap3A_237, %swap3A_238, %swap3A_239] : memref<1x8x224x224xf32, #tpu.memory_space<vmem>>, vector<1x8x56x56xf32>
      %swap3A_241 = vector.shape_cast %swap3A_240 : vector<1x8x56x56xf32> to vector<8x56x56xf32>
      %swap3A_242 = vector.shape_cast %get3A_235 : vector<8x56x56xf32> to vector<1x8x56x56xf32>
      tpu.vector_store %arg3[%swap3A_236, %swap3A_237, %swap3A_238, %swap3A_239], %swap3A_242 {strides = array<i32>} : memref<1x8x224x224xf32, #tpu.memory_space<vmem>>, vector<1x8x56x56xf32>,
    } else {
    }
    %eq3A_32 = arith.constant 7 : i32
    %eq3A_33 = arith.cmpi eq, %arg0, %eq3A_32 : i32
    %convert_element_type3A_34 = arith.extui %eq3A_33 : i1 to i32
    %cond3A_35 = arith.constant 0 : i32
    %cond3A_36 = arith.cmpi ne, %convert_element_type3A_34, %cond3A_35 : i32
    scf.if %cond3A_36 {
      %get3A = arith.constant 0 : index
      %get3A_37 = arith.constant 0 : index
      %get3A_38 = arith.constant 168 : index
      %get3A_39 = arith.constant 56 : index
      %get3A_40 = vector.load %arg2[%get3A, %get3A_37, %get3A_38, %get3A_39] : memref<1x8x224x224xf32, #tpu.memory_space<vmem>>, vector<1x8x56x56xf32>
      %get3A_41 = vector.shape_cast %get3A_40 : vector<1x8x56x56xf32> to vector<8x56x56xf32>
      %swap3A = arith.constant 0 : index
      %swap3A_42 = arith.constant 0 : index
      %swap3A_43 = arith.constant 0 : index
      %swap3A_44 = arith.constant 0 : index
      %swap3A_45 = vector.load %arg3[%swap3A, %swap3A_42, %swap3A_43, %swap3A_44] : memref<1x8x224x224xf32, #tpu.memory_space<vmem>>, vector<1x8x56x56xf32>
      %swap3A_46 = vector.shape_cast %swap3A_45 : vector<1x8x56x56xf32> to vector<8x56x56xf32>
      %swap3A_47 = vector.shape_cast %get3A_41 : vector<8x56x56xf32> to vector<1x8x56x56xf32>
      tpu.vector_store %arg3[%swap3A, %swap3A_42, %swap3A_43, %swap3A_44], %swap3A_47 {strides = array<i32>} : memref<1x8x224x224xf32, #tpu.memory_space<vmem>>, vector<1x8x56x56xf32>,
      %get3A_48 = arith.constant 0 : index
      %get3A_49 = arith.constant 0 : index
      %get3A_50 = arith.constant 168 : index
      %get3A_51 = arith.constant 0 : index
      %get3A_52 = vector.load %arg2[%get3A_48, %get3A_49, %get3A_50, %get3A_51] : memref<1x8x224x224xf32, #tpu.memory_space<vmem>>, vector<1x8x56x56xf32>
      %get3A_53 = vector.shape_cast %get3A_52 : vector<1x8x56x56xf32> to vector<8x56x56xf32>
      %swap3A_54 = arith.constant 0 : index
      %swap3A_55 = arith.constant 0 : index
      %swap3A_56 = arith.constant 0 : index
      %swap3A_57 = arith.constant 56 : index
      %swap3A_58 = vector.load %arg3[%swap3A_54, %swap3A_55, %swap3A_56, %swap3A_57] : memref<1x8x224x224xf32, #tpu.memory_space<vmem>>, vector<1x8x56x56xf32>
      %swap3A_59 = vector.shape_cast %swap3A_58 : vector<1x8x56x56xf32> to vector<8x56x56xf32>
      %swap3A_60 = vector.shape_cast %get3A_53 : vector<8x56x56xf32> to vector<1x8x56x56xf32>
      tpu.vector_store %arg3[%swap3A_54, %swap3A_55, %swap3A_56, %swap3A_57], %swap3A_60 {strides = array<i32>} : memref<1x8x224x224xf32, #tpu.memory_space<vmem>>, vector<1x8x56x56xf32>,
      %get3A_61 = arith.constant 0 : index
      %get3A_62 = arith.constant 0 : index
      %get3A_63 = arith.constant 112 : index
      %get3A_64 = arith.constant 168 : index
      %get3A_65 = vector.load %arg2[%get3A_61, %get3A_62, %get3A_63, %get3A_64] : memref<1x8x224x224xf32, #tpu.memory_space<vmem>>, vector<1x8x56x56xf32>
      %get3A_66 = vector.shape_cast %get3A_65 : vector<1x8x56x56xf32> to vector<8x56x56xf32>
      %swap3A_67 = arith.constant 0 : index
      %swap3A_68 = arith.constant 0 : index
      %swap3A_69 = arith.constant 0 : index
      %swap3A_70 = arith.constant 112 : index
      %swap3A_71 = vector.load %arg3[%swap3A_67, %swap3A_68, %swap3A_69, %swap3A_70] : memref<1x8x224x224xf32, #tpu.memory_space<vmem>>, vector<1x8x56x56xf32>
      %swap3A_72 = vector.shape_cast %swap3A_71 : vector<1x8x56x56xf32> to vector<8x56x56xf32>
      %swap3A_73 = vector.shape_cast %get3A_66 : vector<8x56x56xf32> to vector<1x8x56x56xf32>
      tpu.vector_store %arg3[%swap3A_67, %swap3A_68, %swap3A_69, %swap3A_70], %swap3A_73 {strides = array<i32>} : memref<1x8x224x224xf32, #tpu.memory_space<vmem>>, vector<1x8x56x56xf32>,
      %get3A_74 = arith.constant 0 : index
      %get3A_75 = arith.constant 0 : index
      %get3A_76 = arith.constant 56 : index
      %get3A_77 = arith.constant 112 : index
      %get3A_78 = vector.load %arg2[%get3A_74, %get3A_75, %get3A_76, %get3A_77] : memref<1x8x224x224xf32, #tpu.memory_space<vmem>>, vector<1x8x56x56xf32>
      %get3A_79 = vector.shape_cast %get3A_78 : vector<1x8x56x56xf32> to vector<8x56x56xf32>
      %swap3A_80 = arith.constant 0 : index
      %swap3A_81 = arith.constant 0 : index
      %swap3A_82 = arith.constant 0 : index
      %swap3A_83 = arith.constant 168 : index
      %swap3A_84 = vector.load %arg3[%swap3A_80, %swap3A_81, %swap3A_82, %swap3A_83] : memref<1x8x224x224xf32, #tpu.memory_space<vmem>>, vector<1x8x56x56xf32>
      %swap3A_85 = vector.shape_cast %swap3A_84 : vector<1x8x56x56xf32> to vector<8x56x56xf32>
      %swap3A_86 = vector.shape_cast %get3A_79 : vector<8x56x56xf32> to vector<1x8x56x56xf32>
      tpu.vector_store %arg3[%swap3A_80, %swap3A_81, %swap3A_82, %swap3A_83], %swap3A_86 {strides = array<i32>} : memref<1x8x224x224xf32, #tpu.memory_space<vmem>>, vector<1x8x56x56xf32>,
      %get3A_87 = arith.constant 0 : index
      %get3A_88 = arith.constant 0 : index
      %get3A_89 = arith.constant 112 : index
      %get3A_90 = arith.constant 112 : index
      %get3A_91 = vector.load %arg2[%get3A_87, %get3A_88, %get3A_89, %get3A_90] : memref<1x8x224x224xf32, #tpu.memory_space<vmem>>, vector<1x8x56x56xf32>
      %get3A_92 = vector.shape_cast %get3A_91 : vector<1x8x56x56xf32> to vector<8x56x56xf32>
      %swap3A_93 = arith.constant 0 : index
      %swap3A_94 = arith.constant 0 : index
      %swap3A_95 = arith.constant 56 : index
      %swap3A_96 = arith.constant 0 : index
      %swap3A_97 = vector.load %arg3[%swap3A_93, %swap3A_94, %swap3A_95, %swap3A_96] : memref<1x8x224x224xf32, #tpu.memory_space<vmem>>, vector<1x8x56x56xf32>
      %swap3A_98 = vector.shape_cast %swap3A_97 : vector<1x8x56x56xf32> to vector<8x56x56xf32>
      %swap3A_99 = vector.shape_cast %get3A_92 : vector<8x56x56xf32> to vector<1x8x56x56xf32>
      tpu.vector_store %arg3[%swap3A_93, %swap3A_94, %swap3A_95, %swap3A_96], %swap3A_99 {strides = array<i32>} : memref<1x8x224x224xf32, #tpu.memory_space<vmem>>, vector<1x8x56x56xf32>,
      %get3A_100 = arith.constant 0 : index
      %get3A_101 = arith.constant 0 : index
      %get3A_102 = arith.constant 168 : index
      %get3A_103 = arith.constant 168 : index
      %get3A_104 = vector.load %arg2[%get3A_100, %get3A_101, %get3A_102, %get3A_103] : memref<1x8x224x224xf32, #tpu.memory_space<vmem>>, vector<1x8x56x56xf32>
      %get3A_105 = vector.shape_cast %get3A_104 : vector<1x8x56x56xf32> to vector<8x56x56xf32>
      %swap3A_106 = arith.constant 0 : index
      %swap3A_107 = arith.constant 0 : index
      %swap3A_108 = arith.constant 56 : index
      %swap3A_109 = arith.constant 56 : index
      %swap3A_110 = vector.load %arg3[%swap3A_106, %swap3A_107, %swap3A_108, %swap3A_109] : memref<1x8x224x224xf32, #tpu.memory_space<vmem>>, vector<1x8x56x56xf32>
      %swap3A_111 = vector.shape_cast %swap3A_110 : vector<1x8x56x56xf32> to vector<8x56x56xf32>
      %swap3A_112 = vector.shape_cast %get3A_105 : vector<8x56x56xf32> to vector<1x8x56x56xf32>
      tpu.vector_store %arg3[%swap3A_106, %swap3A_107, %swap3A_108, %swap3A_109], %swap3A_112 {strides = array<i32>} : memref<1x8x224x224xf32, #tpu.memory_space<vmem>>, vector<1x8x56x56xf32>,
      %get3A_113 = arith.constant 0 : index
      %get3A_114 = arith.constant 0 : index
      %get3A_115 = arith.constant 0 : index
      %get3A_116 = arith.constant 56 : index
      %get3A_117 = vector.load %arg2[%get3A_113, %get3A_114, %get3A_115, %get3A_116] : memref<1x8x224x224xf32, #tpu.memory_space<vmem>>, vector<1x8x56x56xf32>
      %get3A_118 = vector.shape_cast %get3A_117 : vector<1x8x56x56xf32> to vector<8x56x56xf32>
      %swap3A_119 = arith.constant 0 : index
      %swap3A_120 = arith.constant 0 : index
      %swap3A_121 = arith.constant 56 : index
      %swap3A_122 = arith.constant 112 : index
      %swap3A_123 = vector.load %arg3[%swap3A_119, %swap3A_120, %swap3A_121, %swap3A_122] : memref<1x8x224x224xf32, #tpu.memory_space<vmem>>, vector<1x8x56x56xf32>
      %swap3A_124 = vector.shape_cast %swap3A_123 : vector<1x8x56x56xf32> to vector<8x56x56xf32>
      %swap3A_125 = vector.shape_cast %get3A_118 : vector<8x56x56xf32> to vector<1x8x56x56xf32>
      tpu.vector_store %arg3[%swap3A_119, %swap3A_120, %swap3A_121, %swap3A_122], %swap3A_125 {strides = array<i32>} : memref<1x8x224x224xf32, #tpu.memory_space<vmem>>, vector<1x8x56x56xf32>,
      %get3A_126 = arith.constant 0 : index
      %get3A_127 = arith.constant 0 : index
      %get3A_128 = arith.constant 56 : index
      %get3A_129 = arith.constant 0 : index
      %get3A_130 = vector.load %arg2[%get3A_126, %get3A_127, %get3A_128, %get3A_129] : memref<1x8x224x224xf32, #tpu.memory_space<vmem>>, vector<1x8x56x56xf32>
      %get3A_131 = vector.shape_cast %get3A_130 : vector<1x8x56x56xf32> to vector<8x56x56xf32>
      %swap3A_132 = arith.constant 0 : index
      %swap3A_133 = arith.constant 0 : index
      %swap3A_134 = arith.constant 56 : index
      %swap3A_135 = arith.constant 168 : index
      %swap3A_136 = vector.load %arg3[%swap3A_132, %swap3A_133, %swap3A_134, %swap3A_135] : memref<1x8x224x224xf32, #tpu.memory_space<vmem>>, vector<1x8x56x56xf32>
      %swap3A_137 = vector.shape_cast %swap3A_136 : vector<1x8x56x56xf32> to vector<8x56x56xf32>
      %swap3A_138 = vector.shape_cast %get3A_131 : vector<8x56x56xf32> to vector<1x8x56x56xf32>
      tpu.vector_store %arg3[%swap3A_132, %swap3A_133, %swap3A_134, %swap3A_135], %swap3A_138 {strides = array<i32>} : memref<1x8x224x224xf32, #tpu.memory_space<vmem>>, vector<1x8x56x56xf32>,
      %get3A_139 = arith.constant 0 : index
      %get3A_140 = arith.constant 0 : index
      %get3A_141 = arith.constant 0 : index
      %get3A_142 = arith.constant 112 : index
      %get3A_143 = vector.load %arg2[%get3A_139, %get3A_140, %get3A_141, %get3A_142] : memref<1x8x224x224xf32, #tpu.memory_space<vmem>>, vector<1x8x56x56xf32>
      %get3A_144 = vector.shape_cast %get3A_143 : vector<1x8x56x56xf32> to vector<8x56x56xf32>
      %swap3A_145 = arith.constant 0 : index
      %swap3A_146 = arith.constant 0 : index
      %swap3A_147 = arith.constant 112 : index
      %swap3A_148 = arith.constant 0 : index
      %swap3A_149 = vector.load %arg3[%swap3A_145, %swap3A_146, %swap3A_147, %swap3A_148] : memref<1x8x224x224xf32, #tpu.memory_space<vmem>>, vector<1x8x56x56xf32>
      %swap3A_150 = vector.shape_cast %swap3A_149 : vector<1x8x56x56xf32> to vector<8x56x56xf32>
      %swap3A_151 = vector.shape_cast %get3A_144 : vector<8x56x56xf32> to vector<1x8x56x56xf32>
      tpu.vector_store %arg3[%swap3A_145, %swap3A_146, %swap3A_147, %swap3A_148], %swap3A_151 {strides = array<i32>} : memref<1x8x224x224xf32, #tpu.memory_space<vmem>>, vector<1x8x56x56xf32>,
      %get3A_152 = arith.constant 0 : index
      %get3A_153 = arith.constant 0 : index
      %get3A_154 = arith.constant 56 : index
      %get3A_155 = arith.constant 56 : index
      %get3A_156 = vector.load %arg2[%get3A_152, %get3A_153, %get3A_154, %get3A_155] : memref<1x8x224x224xf32, #tpu.memory_space<vmem>>, vector<1x8x56x56xf32>
      %get3A_157 = vector.shape_cast %get3A_156 : vector<1x8x56x56xf32> to vector<8x56x56xf32>
      %swap3A_158 = arith.constant 0 : index
      %swap3A_159 = arith.constant 0 : index
      %swap3A_160 = arith.constant 112 : index
      %swap3A_161 = arith.constant 56 : index
      %swap3A_162 = vector.load %arg3[%swap3A_158, %swap3A_159, %swap3A_160, %swap3A_161] : memref<1x8x224x224xf32, #tpu.memory_space<vmem>>, vector<1x8x56x56xf32>
      %swap3A_163 = vector.shape_cast %swap3A_162 : vector<1x8x56x56xf32> to vector<8x56x56xf32>
      %swap3A_164 = vector.shape_cast %get3A_157 : vector<8x56x56xf32> to vector<1x8x56x56xf32>
      tpu.vector_store %arg3[%swap3A_158, %swap3A_159, %swap3A_160, %swap3A_161], %swap3A_164 {strides = array<i32>} : memref<1x8x224x224xf32, #tpu.memory_space<vmem>>, vector<1x8x56x56xf32>,
      %get3A_165 = arith.constant 0 : index
      %get3A_166 = arith.constant 0 : index
      %get3A_167 = arith.constant 0 : index
      %get3A_168 = arith.constant 0 : index
      %get3A_169 = vector.load %arg2[%get3A_165, %get3A_166, %get3A_167, %get3A_168] : memref<1x8x224x224xf32, #tpu.memory_space<vmem>>, vector<1x8x56x56xf32>
      %get3A_170 = vector.shape_cast %get3A_169 : vector<1x8x56x56xf32> to vector<8x56x56xf32>
      %swap3A_171 = arith.constant 0 : index
      %swap3A_172 = arith.constant 0 : index
      %swap3A_173 = arith.constant 112 : index
      %swap3A_174 = arith.constant 112 : index
      %swap3A_175 = vector.load %arg3[%swap3A_171, %swap3A_172, %swap3A_173, %swap3A_174] : memref<1x8x224x224xf32, #tpu.memory_space<vmem>>, vector<1x8x56x56xf32>
      %swap3A_176 = vector.shape_cast %swap3A_175 : vector<1x8x56x56xf32> to vector<8x56x56xf32>
      %swap3A_177 = vector.shape_cast %get3A_170 : vector<8x56x56xf32> to vector<1x8x56x56xf32>
      tpu.vector_store %arg3[%swap3A_171, %swap3A_172, %swap3A_173, %swap3A_174], %swap3A_177 {strides = array<i32>} : memref<1x8x224x224xf32, #tpu.memory_space<vmem>>, vector<1x8x56x56xf32>,
      %get3A_178 = arith.constant 0 : index
      %get3A_179 = arith.constant 0 : index
      %get3A_180 = arith.constant 112 : index
      %get3A_181 = arith.constant 56 : index
      %get3A_182 = vector.load %arg2[%get3A_178, %get3A_179, %get3A_180, %get3A_181] : memref<1x8x224x224xf32, #tpu.memory_space<vmem>>, vector<1x8x56x56xf32>
      %get3A_183 = vector.shape_cast %get3A_182 : vector<1x8x56x56xf32> to vector<8x56x56xf32>
      %swap3A_184 = arith.constant 0 : index
      %swap3A_185 = arith.constant 0 : index
      %swap3A_186 = arith.constant 112 : index
      %swap3A_187 = arith.constant 168 : index
      %swap3A_188 = vector.load %arg3[%swap3A_184, %swap3A_185, %swap3A_186, %swap3A_187] : memref<1x8x224x224xf32, #tpu.memory_space<vmem>>, vector<1x8x56x56xf32>
      %swap3A_189 = vector.shape_cast %swap3A_188 : vector<1x8x56x56xf32> to vector<8x56x56xf32>
      %swap3A_190 = vector.shape_cast %get3A_183 : vector<8x56x56xf32> to vector<1x8x56x56xf32>
      tpu.vector_store %arg3[%swap3A_184, %swap3A_185, %swap3A_186, %swap3A_187], %swap3A_190 {strides = array<i32>} : memref<1x8x224x224xf32, #tpu.memory_space<vmem>>, vector<1x8x56x56xf32>,
      %get3A_191 = arith.constant 0 : index
      %get3A_192 = arith.constant 0 : index
      %get3A_193 = arith.constant 0 : index
      %get3A_194 = arith.constant 168 : index
      %get3A_195 = vector.load %arg2[%get3A_191, %get3A_192, %get3A_193, %get3A_194] : memref<1x8x224x224xf32, #tpu.memory_space<vmem>>, vector<1x8x56x56xf32>
      %get3A_196 = vector.shape_cast %get3A_195 : vector<1x8x56x56xf32> to vector<8x56x56xf32>
      %swap3A_197 = arith.constant 0 : index
      %swap3A_198 = arith.constant 0 : index
      %swap3A_199 = arith.constant 168 : index
      %swap3A_200 = arith.constant 0 : index
      %swap3A_201 = vector.load %arg3[%swap3A_197, %swap3A_198, %swap3A_199, %swap3A_200] : memref<1x8x224x224xf32, #tpu.memory_space<vmem>>, vector<1x8x56x56xf32>
      %swap3A_202 = vector.shape_cast %swap3A_201 : vector<1x8x56x56xf32> to vector<8x56x56xf32>
      %swap3A_203 = vector.shape_cast %get3A_196 : vector<8x56x56xf32> to vector<1x8x56x56xf32>
      tpu.vector_store %arg3[%swap3A_197, %swap3A_198, %swap3A_199, %swap3A_200], %swap3A_203 {strides = array<i32>} : memref<1x8x224x224xf32, #tpu.memory_space<vmem>>, vector<1x8x56x56xf32>,
      %get3A_204 = arith.constant 0 : index
      %get3A_205 = arith.constant 0 : index
      %get3A_206 = arith.constant 112 : index
      %get3A_207 = arith.constant 0 : index
      %get3A_208 = vector.load %arg2[%get3A_204, %get3A_205, %get3A_206, %get3A_207] : memref<1x8x224x224xf32, #tpu.memory_space<vmem>>, vector<1x8x56x56xf32>
      %get3A_209 = vector.shape_cast %get3A_208 : vector<1x8x56x56xf32> to vector<8x56x56xf32>
      %swap3A_210 = arith.constant 0 : index
      %swap3A_211 = arith.constant 0 : index
      %swap3A_212 = arith.constant 168 : index
      %swap3A_213 = arith.constant 56 : index
      %swap3A_214 = vector.load %arg3[%swap3A_210, %swap3A_211, %swap3A_212, %swap3A_213] : memref<1x8x224x224xf32, #tpu.memory_space<vmem>>, vector<1x8x56x56xf32>
      %swap3A_215 = vector.shape_cast %swap3A_214 : vector<1x8x56x56xf32> to vector<8x56x56xf32>
      %swap3A_216 = vector.shape_cast %get3A_209 : vector<8x56x56xf32> to vector<1x8x56x56xf32>
      tpu.vector_store %arg3[%swap3A_210, %swap3A_211, %swap3A_212, %swap3A_213], %swap3A_216 {strides = array<i32>} : memref<1x8x224x224xf32, #tpu.memory_space<vmem>>, vector<1x8x56x56xf32>,
      %get3A_217 = arith.constant 0 : index
      %get3A_218 = arith.constant 0 : index
      %get3A_219 = arith.constant 168 : index
      %get3A_220 = arith.constant 112 : index
      %get3A_221 = vector.load %arg2[%get3A_217, %get3A_218, %get3A_219, %get3A_220] : memref<1x8x224x224xf32, #tpu.memory_space<vmem>>, vector<1x8x56x56xf32>
      %get3A_222 = vector.shape_cast %get3A_221 : vector<1x8x56x56xf32> to vector<8x56x56xf32>
      %swap3A_223 = arith.constant 0 : index
      %swap3A_224 = arith.constant 0 : index
      %swap3A_225 = arith.constant 168 : index
      %swap3A_226 = arith.constant 112 : index
      %swap3A_227 = vector.load %arg3[%swap3A_223, %swap3A_224, %swap3A_225, %swap3A_226] : memref<1x8x224x224xf32, #tpu.memory_space<vmem>>, vector<1x8x56x56xf32>
      %swap3A_228 = vector.shape_cast %swap3A_227 : vector<1x8x56x56xf32> to vector<8x56x56xf32>
      %swap3A_229 = vector.shape_cast %get3A_222 : vector<8x56x56xf32> to vector<1x8x56x56xf32>
      tpu.vector_store %arg3[%swap3A_223, %swap3A_224, %swap3A_225, %swap3A_226], %swap3A_229 {strides = array<i32>} : memref<1x8x224x224xf32, #tpu.memory_space<vmem>>, vector<1x8x56x56xf32>,
      %get3A_230 = arith.constant 0 : index
      %get3A_231 = arith.constant 0 : index
      %get3A_232 = arith.constant 56 : index
      %get3A_233 = arith.constant 168 : index
      %get3A_234 = vector.load %arg2[%get3A_230, %get3A_231, %get3A_232, %get3A_233] : memref<1x8x224x224xf32, #tpu.memory_space<vmem>>, vector<1x8x56x56xf32>
      %get3A_235 = vector.shape_cast %get3A_234 : vector<1x8x56x56xf32> to vector<8x56x56xf32>
      %swap3A_236 = arith.constant 0 : index
      %swap3A_237 = arith.constant 0 : index
      %swap3A_238 = arith.constant 168 : index
      %swap3A_239 = arith.constant 168 : index
      %swap3A_240 = vector.load %arg3[%swap3A_236, %swap3A_237, %swap3A_238, %swap3A_239] : memref<1x8x224x224xf32, #tpu.memory_space<vmem>>, vector<1x8x56x56xf32>
      %swap3A_241 = vector.shape_cast %swap3A_240 : vector<1x8x56x56xf32> to vector<8x56x56xf32>
      %swap3A_242 = vector.shape_cast %get3A_235 : vector<8x56x56xf32> to vector<1x8x56x56xf32>
      tpu.vector_store %arg3[%swap3A_236, %swap3A_237, %swap3A_238, %swap3A_239], %swap3A_242 {strides = array<i32>} : memref<1x8x224x224xf32, #tpu.memory_space<vmem>>, vector<1x8x56x56xf32>,
    } else {
    }
    return
  }
  func.func @transform_0(%arg0: i32, %arg1: i32) -> (i32, i32, i32, i32) {
    %add3A = arith.constant 1 : i32
    %add3A_0 = arith.addi %arg1, %add3A : i32
    %c0_i32 = arith.constant 0 : i32
    %c0_i32_1 = arith.constant 0 : i32
    %c0_i32_2 = arith.constant 0 : i32
    return %arg0, %add3A_0, %c0_i32, %c0_i32_1 : i32, i32, i32, i32
  }
  func.func @transform_1(%arg0: i32, %arg1: i32) -> (i32, i32, i32, i32) {
    %add3A = arith.constant 1 : i32
    %add3A_0 = arith.addi %arg1, %add3A : i32
    %c0_i32 = arith.constant 0 : i32
    %c0_i32_1 = arith.constant 0 : i32
    %c0_i32_2 = arith.constant 0 : i32
    return %arg0, %add3A_0, %c0_i32, %c0_i32_1 : i32, i32, i32, i32
  }
}

</mosaic_0001>

<sc_bundles>
// kernel: sc_block_permute.3.cloned.1.call-start
scs
__scs_entry_jumppad:
0x0: {  	(pc) =	sbr.rel $0x88, $3  }
0x1: {  	(tag) =	ssettag $0x0;
	lr =	simm.s32 $0x1  }
0x2: {  	[smem:$0x3FA0] =	sst lr;
	_ =	strace $0xD0000000  }
0x3: {  	_ = 	snop  }
0x4: {  	_ = 	snop  }
0x5: {  	_ = 	snop  }
0x6: {  	_ = 	snop  }
0x7: {  	_ = 	snop  }
__scs_overlays_trampoline_lowered:
0x8: {  	[smem:$0x3FAF] =	sst s0  }
0x9: {  	[smem:$0x3FB0] =	sst s1  }
0xa: {  	[smem:$0x3FB1] =	sst s2  }
0xb: {  	[smem:$0x3FB2] =	sst s3  }
0xc: {  	[smem:$0x3FB3] =	sst s4  }
0xd: {  	[smem:$0x3FB4] =	sst s5  }
0xe: {  	[smem:$0x3FB5] =	sst s6  }
0xf: {  	[smem:$0x3FB6] =	sst s7  }
0x10: {  	[smem:$0x3FB7] =	sst s8  }
0x11: {  	[smem:$0x3FB8] =	sst s9;
	s0 =	simm.s32 @!p0 $0x0  }
0x12: {  	s1 =	sld [smem:$0x3F9E];
	s0 =	simm.s32 @p0 $0x1  }
0x13: {  	[smem:$0x3FB9] =	sst s0;
	s0 =	simm.s32 @!p1 $0x0  }
0x14: {  	s2 =	sld [smem:$0x3F9D];
	s0 =	simm.s32 @p1 $0x1  }
0x15: {  	[smem:$0x3FBA] =	sst s0;
	s0 =	simm.s32 @!p2 $0x0  }
0x16: {  	s3 =	sld [smem:$0x3FDB];
	s0 =	simm.s32 @p2 $0x1  }
0x17: {  	s4 =	simm.s32 $0x1BF5;
	[smem:$0x3FBC] =	sst s0  }
0x18: {  	s0 =	sld [smem:$0x3F9F];
	_ =	swait.ge [sflag:s4], $0x0  }
0x19: {  	s7 =	sld [smem:$0x3FA0]  }
0x1a: {  	s8 =	sadd.s32 $0xFFFFE003, lr  }
0x1b: {  	s9 =	sadd.s32 $0xFFFFFEF7, lr;
	s5 =	simm.s32 $0xFFFFFFFF;
	p2 =	slt.u32 s8, $0xFFFFF086  }
0x1c: {  	p1 =	slt.u32 s9, $0xF7A;
	s5 =	simm.s32 @!p2 $0x0  }
0x1d: {  	s5 =	simm.s32 @p1 $0x1;
	p0 =	seq.s32 s7, s2  }
0x1e: {  	s7 =	smul.u32 @!p0 $0xF7A, s2;
	p2 =	seq.s32 @!p0 s5, $0x0  }
0x1f: {  	s9 =	smul.u32 $0xF7A, s1;
	s8 =	simm.s32 @!p0 $0x1BF5;
	p2 =	por !p2, p0  }
0x20: {  	[sflag:s8] =	ssyncset.s32 @!p0 $0xFFFFF086;
	s6 =	sadd.s32 @!p0 s3, s7;
	s7 =	simm.s32 @!p0 $0x108  }
0x21: {  	s3 =	sadd.s32 s3, s9;
	s6 =	sadd.s32 @!p0 $0x88, s6;
	s7 =	simm.s32 @p2 $0x1082  }
0x22: {  	[simem:s7], [sflag:s8] =	dma.local @!p0 [hbm:s6], $0xF7A  }
0x23: {  	s9 =	sor.u32 $0xD0000000, s2;
	s6 =	simm.s32 $0x108;
	_ =	swait.ge @!p0 [sflag:s8], $0x0  }
0x24: {  	s3 =	sadd.s32 $0x88, s3;
	s6 =	simm.s32 @!p1 $0x1082;
	[sflag:s4] =	ssyncset.s32 $0xFFFFF086  }
0x25: {  	[simem:s6], [sflag:s4] =	dma.local [hbm:s3], $0xF7A  }
0x26: {  	[smem:$0x3FA0] =	sst s1;
	(tag) =	ssettag s2;
	_ =	strace s9  }
0x27: {  	s1 =	sld [smem:$0x3FB0]  }
0x28: {  	s2 =	sld [smem:$0x3FB1]  }
0x29: {  	s4 =	sld [smem:$0x3FB3]  }
0x2a: {  	p0 =	seq.s32 s5, $0x0;
	s5 =	sld [smem:$0x3FB4]  }
0x2b: {  	s6 =	sld [smem:$0x3FB5]  }
0x2c: {  	s7 =	sld [smem:$0x3FB6]  }
0x2d: {  	s3 =	simm.s32 $0x108;
	s8 =	sld [smem:$0x3FB7]  }
0x2e: {  	s3 =	simm.s32 @!p0 $0x1082;
	s9 =	sld [smem:$0x3FB8]  }
0x2f: {  	lr =	sadd.s32 s0, s3;
	s0 =	sld [smem:$0x3FAF]  }
0x30: {  	s3 =	sld [smem:$0x3FB2]  }
0x31: {  	[smem:$0x3FBB] =	sst s10  }
0x32: {  	s10 =	sld [smem:$0x3FB9];
	_ =	sdelay $0x3  }
0x33: {  	p0 =	seq.s32 s10, $0x1;
	s10 =	sld [smem:$0x3FBB];
	_ =	sdelay $0x3  }
0x34: {  	[smem:$0x3FBB] =	sst s10  }
0x35: {  	s10 =	sld [smem:$0x3FBA];
	_ =	sdelay $0x3  }
0x36: {  	p1 =	seq.s32 s10, $0x1;
	s10 =	sld [smem:$0x3FBB];
	_ =	sdelay $0x3  }
0x37: {  	[smem:$0x3FBB] =	sst s10  }
0x38: {  	s10 =	sld [smem:$0x3FBC]  }
0x39: {  	_ = 	snop;
	(pc) =	sbr.ind lr, $3  }
0x3a: {  	_ = 	snop  }
0x3b: {  	_ = 	snop  }
0x3c: {  	p2 =	seq.s32 s10, $0x1;
	s10 =	sld [smem:$0x3FBB]  }
0x3d: {  	_ =	shalt  }
0x3e: {  	_ =	shalt  }
0x3f: {  	_ =	shalt  }
0x40: {  	_ =	shalt  }
0x41: {  	_ =	shalt  }
0x42: {  	_ =	shalt  }
0x43: {  	_ =	shalt  }
0x44: {  	_ =	shalt  }
0x45: {  	_ =	shalt  }
0x46: {  	_ =	shalt  }
0x47: {  	_ =	shalt  }
0x48: {  	_ =	shalt  }
0x49: {  	_ =	shalt  }
0x4a: {  	_ =	shalt  }
0x4b: {  	_ =	shalt  }
0x4c: {  	_ =	shalt  }
0x4d: {  	_ =	shalt  }
0x4e: {  	_ =	shalt  }
0x4f: {  	_ =	shalt  }
0x50: {  	_ =	shalt  }
0x51: {  	_ =	shalt  }
0x52: {  	_ =	shalt  }
0x53: {  	_ =	shalt  }
0x54: {  	_ =	shalt  }
0x55: {  	_ =	shalt  }
0x56: {  	_ =	shalt  }
0x57: {  	_ =	shalt  }
0x58: {  	_ =	shalt  }
0x59: {  	_ =	shalt  }
0x5a: {  	_ =	shalt  }
0x5b: {  	_ =	shalt  }
0x5c: {  	_ =	shalt  }
0x5d: {  	_ =	shalt  }
0x5e: {  	_ =	shalt  }
0x5f: {  	_ =	shalt  }
0x60: {  	_ =	shalt  }
0x61: {  	_ =	shalt  }
0x62: {  	_ =	shalt  }
0x63: {  	_ =	shalt  }
0x64: {  	_ =	shalt  }
0x65: {  	_ =	shalt  }
0x66: {  	_ =	shalt  }
0x67: {  	_ =	shalt  }
0x68: {  	_ =	shalt  }
0x69: {  	_ =	shalt  }
0x6a: {  	_ =	shalt  }
0x6b: {  	_ =	shalt  }
0x6c: {  	_ =	shalt  }
0x6d: {  	_ =	shalt  }
0x6e: {  	_ =	shalt  }
0x6f: {  	_ =	shalt  }
0x70: {  	_ =	shalt  }
0x71: {  	_ =	shalt  }
0x72: {  	_ =	shalt  }
0x73: {  	_ =	shalt  }
0x74: {  	_ =	shalt  }
0x75: {  	_ =	shalt  }
0x76: {  	_ =	shalt  }
0x77: {  	_ =	shalt  }
0x78: {  	_ =	shalt  }
0x79: {  	_ =	shalt  }
0x7a: {  	_ =	shalt  }
0x7b: {  	_ =	shalt  }
0x7c: {  	_ =	shalt  }
0x7d: {  	_ =	shalt  }
0x7e: {  	_ =	shalt  }
0x7f: {  	_ =	shalt  }
0x80: {  	_ =	shalt  }
0x81: {  	_ =	shalt  }
0x82: {  	_ =	shalt  }
0x83: {  	_ =	shalt  }
0x84: {  	_ =	shalt  }
0x85: {  	_ =	shalt  }
0x86: {  	_ =	shalt  }
0x87: {  	_ =	shalt  }
.Lfunc_end0:
.L_simem_size_0:
called_computation_lowered:
.L_overlay_start_0:
0x88: {  	s2 =	sld [smem:$0x3FD9]  }
0x89: {  	s3 =	sld [smem:$0x3FFE];
	_ =	sdelay $0x1  }
0x8a: {  	s1 =	srdreg.scid  }
0x8b: {  	s0 =	sand.u32 $0x1, s1  }
0x8c: {  	s16 =	sshll.u32 s0, $0xA;
	s2 =	sadd.s32 s3, s2  }
0x8d: {  	s2 =	sadd.s32 s2, s16  }
0x8e: {  	[smem:$0x3FC7] =	sst s2  }
0x8f: {  	_ = 	snop  }
0x90: {  	(tm) =	ssettm $0x1  }
0x91: {  	s17 =	sld [smem:$0x3FFB];
	_ =	sdelay $0x3  }
0x92: {  	_ =	strace s17  }
0x93: {  	s2 =	sld [smem:$0x3FFC];
	_ =	sdelay $0x3  }
0x94: {  	_ =	strace s2  }
0x95: {  	s2 =	sld [smem:$0x3FFD];
	_ =	sdelay $0x3  }
0x96: {  	_ =	strace s2  }
0x97: {  	_ =	strace $0x8FFFFFFF  }
0x98: {  	s18 =	sld [smem:$0x3FDB];
	_ =	sdelay $0x1  }
0x99: {  	s19 =	simm.s32 $_scs_section_size  }
0x9a: {  	s4 =	simm.s32 $_size__tile_overlayer_lowered;
	s5 =	simm.s32 $_tile_overlayer_lowered  }
0x9b: {  	s22 =	simm.s32 $0x1BFF;
	s21 =	sshll.u32 s5, $0x1;
	s2 =	sadd.s32 s19, s18  }
0x9c: {  	s6 =	simm.s32 $0x0;
	s20 =	sshll.u32 s4, $0x1;
	s4 =	sadd.s32 s21, s2  }
0x9d: {  	[timem:s6], [sflag:s22] =	dma.local [hbm:s4], s20  }
0x9e: {  	_ =	swait.ge [sflag:s22], s20  }
0x9f: {  	s3 =	ssub.s32 $0x0, s20;
	[sflag:s22] =	ssyncset.done $0x0  }
0xa0: {  	[sflag:s22] =	ssyncadd.s32 s3;
	_ =	sdelay $0x1  }
0xa1: {  	s23 =	simm.s32 $0x1B8B  }
0xa2: {  	_ =	swait.ge [sflag:s23], $0x1  }
0xa3: {  	[sflag:s23] =	ssyncset.done $0x0  }
0xa4: {  	s25 =	simm.s32 $0x1B8E;
	s24 =	sld [smem:$0x3FFE];
	[sflag:s23] =	ssyncadd.s32 $0xFFFFFFFF  }
0xa5: {  	s26 =	simm.s32 $execute0_lowered;
	[smem:$0x3FD2] =	sst s25  }
0xa6: {  	s4 =	sshll.u32 s26, $0x1;
	_ =	strace $0x80000046;
	[dreg:$0x1] =	wrdreg $0xFFFFFFFF  }
0xa7: {  	s28 =	simm.s32 $_size_execute0_lowered;
	s2 =	sadd.s32 s2, s4;
	[dreg:$0x0] =	wrdreg $0x0  }
0xa8: {  	s4 =	sshll.u32 s28, $0x1;
	[dreg:$0x2] =	wrdreg s2  }
0xa9: {  	[dreg:$0x3] =	wrdreg s4  }
0xaa: {  	[dreg:$0x4] =	wrdreg $0xC0  }
0xab: {  	_ =	task [dreg:s6], $0x5FFFF  }
0xac: {  	[dreg:$0x1] =	wrdreg $0xFFFFFFFF  }
0xad: {  	[dreg:$0x0] =	wrdreg $0x60  }
0xae: {  	[dreg:$0x2] =	wrdreg s24  }
0xaf: {  	[dreg:$0x3] =	wrdreg $0x9  }
0xb0: {  	_ =	task.clear_ibuf [dreg:s6], $0x4FFFF;
	_ =	strace $0x90000046  }
0xb1: {  	s29 =	simm.s32 $0x9;
	_ =	strace $0x80000048  }
0xb2: {  	_ =	swait.ge [sflag:s29], $0x1  }
0xb3: {  	[sflag:s29] =	ssyncadd.s32 $0xFFFFFFFF  }
0xb4: {  	_ =	strace $0x90000048  }
0xb5: {  	_ =	sfence  }
0xb6: {  	s30 =	sld [smem:$0x0];
	_ =	sdelay $0x2  }
0xb7: {  	s31 =	sshll.u32 s1, $0xD;
	s1 =	sshrl.u32 s1, $0x2  }
0xb8: {  	s3 =	sand.u32 $0x4000, s31;
	s1 =	sadd.s32 s1, s30  }
0xb9: {  	s0 =	sor.u32 s3, s0;
	s1 =	sshll.u32 s1, $0x11  }
0xba: {  	s0 =	sor.u32 s1, s0  }
0xbb: {  	s0 =	sadd.s32 $0x8F2B, s0  }
0xbc: {  	[sflag:s0] =	ssyncadd.remote.s32 $0x1  }
0xbd: {  	_ =	sfence.sel $0xFFFF  }
0xbe: {  	[dreg:$0x0] =	wrdreg $0xFFFFFFFF;
	(pc) =	sbr.abs _section_cstart, $3  }
0xbf: {  	[dreg:$0x1] =	wrdreg $0xFFFFFFFF  }
0xc0: {  	_ =	task.clear_ibuf [dreg:s6], $0x2FFFF;
	_ =	strace $0x9FFFFFFF  }
0xc1: {  	(tm) =	ssettm $0x7FFFFFFF  }
tec
execute0_lowered:
.L_overlay_start_1:
0x0: {  	(tag) =	ssettag $0x1  }
0x1: {  	s0 =	srdreg.scid  }
0x2: {  	s3 =	stileid.u32;
	s2 =	rddreg [dreg:$0x0];
	s22 =	simm.s32 $0x0  }
0x3: {  	s4 =	simm.s32 $0xDE9650F4;
	s29 =	simm.s32 $0xF500;
	s28 =	simm.s32 $0x13E80  }
0x4: {  	s5 =	sand.u32 $0x1, s0;
	s9 =	sshll.u32 s3, $0x3;
	s7 =	sshrl.u32 s3, $0x1  }
0x5: {  	[smem:$0x7FF] =	sst s22;
	s0 =	sadd.s32 $0x400, s2;
	s3 =	simm.s32 $0xA1C2873B  }
0x6: {  	s1 =	sshll.u32 s5, $0x2;
	s6 =	sand.u32 $0x8, s9;
	_ =	strace $0x80000047  }
0x7: {  	p0 =	seq.s32 s7, $0x1;
	p1 =	seq.s32 s7, $0x2;
	s5 =	ssub.s32 $0x2, s5  }
0x8: {  	s8 =	sor.u32 s1, s6;
	s1 =	smul.u32 $0x62000, s7;
	s4 =	simm.s32 @!p0 $0x91E5C60D  }
0x9: {  	s3 =	simm.s32 @!p0 $0xA74FB832;
	p0 =	seq.s32 s7, $0x3;
	s10 =	sshrl.u32 s8, $0x2  }
0xa: {  	s4 =	simm.s32 @p1 $0x2603CDAE;
	s3 =	simm.s32 @p1 $0xF519748B;
	p1 =	seq.s32 s7, $0x4  }
0xb: {  	s12 =	smax.u32 s8, $0x8;
	s11 =	smul.u32 $0x3100, s10;
	s4 =	simm.s32 @p0 $0xC43DBA2F  }
0xc: {  	s3 =	simm.s32 @p0 $0x78590E61;
	p0 =	seq.s32 s7, $0x5;
	s4 =	simm.s32 @p1 $0x814F53A0  }
0xd: {  	s3 =	simm.s32 @p1 $0x27C96DEB;
	p1 =	seq.s32 s7, $0x6;
	s9 =	sadd.s32 s1, s11  }
0xe: {  	s4 =	simm.s32 @p0 $0x57C9D10F;
	s3 =	simm.s32 @p0 $0x3E428AB6;
	p0 =	seq.s32 s7, $0x7  }
0xf: {  	s7 =	sshll.u32 s12, $0x2;
	s4 =	simm.s32 @p1 $0xA49DC067;
	s3 =	simm.s32 @p1 $0x5E132B8F  }
0x10: {  	s7 =	sadd.s32 $0xFFFFFFE0, s7;
	s9 =	sshrl.u32 s9, $0x3;
	s4 =	simm.s32 @p0 $0x41FA6BCD  }
0x11: {  	s3 =	simm.s32 @p0 $0x7E839052;
	p0 =	seq.s32 s6, $0x0;
	s6 =	sshll.u32 s8, $0x2  }
0x12: {  	s8 =	smax.u32 s8, $0x7;
	s2 =	sadd.s32 s9, s2;
	s10 =	sshrl.u32 s4, s6  }
0x13: {  	s7 =	sshrl.u32 s3, s7;
	s8 =	sshll.u32 s8, $0x2;
	s13 =	sor.u32 $0x4, s6  }
0x14: {  	s17 =	sor.u32 $0x8, s6;
	s12 =	sadd.s32 $0xFFFFFFE8, s6;
	s30 =	sadd.s32 $0x62400, s2  }
0x15: {  	s31 =	sadd.s32 $0x62415, s2;
	s7 =	smov.u32 @p0 s10;
	s8 =	sadd.s32 $0xFFFFFFE4, s8  }
0x16: {  	s10 =	sshrl.u32 s4, s13;
	s11 =	sshrl.u32 s7, $0x2;
	s7 =	sand.u32 $0x3, s7  }
0x17: {  	s8 =	sshrl.u32 s3, s8;
	s11 =	sand.u32 $0x3, s11;
	s7 =	smul.u32 $0x38, s7  }
0x18: {  	s12 =	sshrl.u32 s3, s12;
	s8 =	smov.u32 @p0 s10;
	s14 =	smul.u32 $0x3100, s11  }
0x19: {  	s15 =	sshrl.u32 s8, $0x2;
	s8 =	sand.u32 $0x3, s8;
	s11 =	sshrl.u32 s4, s17  }
0x1a: {  	s16 =	sand.u32 $0x3, s15;
	s8 =	smul.u32 $0x38, s8;
	s10 =	sadd.s32 s1, s14  }
0x1b: {  	s12 =	smov.u32 @p0 s11;
	s9 =	smul.u32 $0x3100, s16;
	s7 =	sor.u32 s7, s10  }
0x1c: {  	s18 =	sshrl.u32 s12, $0x2;
	s25 =	sand.u32 $0x3, s12;
	s7 =	sshrl.u32 s7, $0x3  }
0x1d: {  	s16 =	sor.u32 $0xC, s6;
	s6 =	sadd.s32 $0xFFFFFFEC, s6;
	s21 =	sadd.s32 s0, s7  }
0x1e: {  	s20 =	sand.u32 $0x3, s18;
	s4 =	sshrl.u32 s4, s16;
	s24 =	sadd.s32 $0x1880, s21  }
0x1f: {  	s3 =	sshrl.u32 s3, s6;
	s26 =	sadd.s32 $0x3100, s21;
	[dreg:$0x2] =	wrdreg s24  }
0x20: {  	s9 =	sadd.s32 s1, s9;
	s11 =	sadd.s32 $0x4980, s21;
	[dreg:$0x3] =	wrdreg s26  }
0x21: {  	s23 =	smul.u32 $0x3100, s20;
	s12 =	sadd.s32 $0x6200, s21;
	[dreg:$0x4] =	wrdreg s11  }
0x22: {  	s8 =	sor.u32 s8, s9;
	s13 =	sadd.s32 $0x7A80, s21;
	[dreg:$0x5] =	wrdreg s12  }
0x23: {  	s19 =	sshrl.u32 s8, $0x3;
	s14 =	sadd.s32 $0x9300, s21;
	[dreg:$0x6] =	wrdreg s13  }
0x24: {  	s15 =	sadd.s32 $0xAB80, s21;
	s10 =	sadd.s32 s0, s19;
	[dreg:$0x7] =	wrdreg s14  }
0x25: {  	s3 =	smov.u32 @p0 s4;
	[dreg:$0x8] =	wrdreg s15;
	s17 =	sadd.s32 $0x1880, s10  }
0x26: {  	s4 =	simm.s32 $0x38;
	s18 =	sadd.s32 $0x3100, s10;
	[dreg:$0x9] =	wrdreg s17  }
0x27: {  	s9 =	smul.u32 $0x38, s25;
	s19 =	sadd.s32 $0x4980, s10;
	[dreg:$0xa] =	wrdreg s18  }
0x28: {  	s7 =	sadd.s32 s1, s23;
	s20 =	sadd.s32 $0x6200, s10;
	[dreg:$0xb] =	wrdreg s19  }
0x29: {  	s7 =	sor.u32 s9, s7;
	s23 =	sadd.s32 $0x7A80, s10;
	[dreg:$0xc] =	wrdreg s20  }
0x2a: {  	s7 =	sshrl.u32 s7, $0x3;
	s25 =	sadd.s32 $0x9300, s10;
	[dreg:$0xd] =	wrdreg s23  }
0x2b: {  	s26 =	sadd.s32 $0xAB80, s10;
	s11 =	sadd.s32 s0, s7;
	[dreg:$0xe] =	wrdreg s25  }
0x2c: {  	p0 =	por $0x0, $0x0;
	[dreg:$0xf] =	wrdreg s26;
	s7 =	sadd.s32 $0x1880, s11  }
0x2d: {  	s24 =	sshrl.u32 s3, $0x2;
	s8 =	sadd.s32 $0x3100, s11;
	[dreg:$0x10] =	wrdreg s7  }
0x2e: {  	s3 =	sand.u32 $0x3, s3;
	s9 =	sadd.s32 $0x4980, s11;
	[dreg:$0x11] =	wrdreg s8  }
0x2f: {  	s6 =	sand.u32 $0x3, s24;
	s12 =	sadd.s32 $0x6200, s11;
	[dreg:$0x12] =	wrdreg s9  }
0x30: {  	s3 =	smul.u32 $0x38, s3;
	s13 =	sadd.s32 $0x7A80, s11;
	[dreg:$0x13] =	wrdreg s12  }
0x31: {  	s6 =	smul.u32 $0x3100, s6;
	s14 =	sadd.s32 $0x9300, s11;
	[dreg:$0x14] =	wrdreg s13  }
0x32: {  	s17 =	sshrl.u32 s5, $0x1;
	s16 =	sadd.s32 $0xAB80, s11;
	[dreg:$0x15] =	wrdreg s14  }
0x33: {  	s1 =	sadd.s32 s1, s6;
	[dreg:$0x16] =	wrdreg s16;
	s9 =	sadd.s32 $0x6240E, s2  }
0x34: {  	s14 =	simm.s32 $0x86C0;
	s13 =	simm.s32 $0xAB80;
	s16 =	simm.s32 $0x14AC0  }
0x35: {  	s7 =	simm.s32 $0x17BC0;
	s12 =	simm.s32 $0x5;
	s1 =	sor.u32 s3, s1  }
0x36: {  	s8 =	simm.s32 $0x6;
	s6 =	simm.s32 $0x7;
	s1 =	sshrl.u32 s1, $0x3  }
0x37: {  	s3 =	sadd.s32 $0x62407, s2;
	s2 =	simm.s32 $0x8;
	s15 =	sadd.s32 s0, s1  }
0x38: {  	s1 =	ssub.s32 s5, s17;
	s18 =	sadd.s32 $0x1880, s15;
	[dreg:$0x1e] =	wrdreg s15  }
0x39: {  	s5 =	simm.s32 $0xE0;
	s19 =	sadd.s32 $0x3100, s15;
	[dreg:$0x17] =	wrdreg s18  }
0x3a: {  	s17 =	simm.s32 $0x16340;
	s20 =	sadd.s32 $0x4980, s15;
	[dreg:$0x18] =	wrdreg s19  }
0x3b: {  	s23 =	sadd.s32 $0x6200, s15;
	s1 =	smax.u32 s1, $0x1;
	[dreg:$0x19] =	wrdreg s20  }
0x3c: {  	s24 =	sadd.s32 $0x7A80, s15;
	[dreg:$0x1a] =	wrdreg s23;
	p1 =	sne.s32 s1, $0x1  }
.Ltmp0:
0x3d: {  	s25 =	sadd.s32 $0x9300, s15;
	[dreg:$0x1b] =	wrdreg s24;
	(pc) =	sbr.rel @!p1 .LBB2_5-.Ltmp0, $4  }
0x3e: {  	s26 =	sadd.s32 $0xAB80, s15;
	s15 =	simm.s32 $0x16F80;
	[dreg:$0x1c] =	wrdreg s25  }
0x3f: {  	[dreg:$0x1d] =	wrdreg s26;
	s0 =	sadd.s32 $0xFFFFFFFF, s1;
	s20 =	simm.s32 $0xC400  }
0x40: {  	s25 =	simm.s32 $0x10140;
	s24 =	simm.s32 $0x10D80;
	s23 =	simm.s32 $0x119C0  }
0x41: {  	s26 =	simm.s32 $0x12600;
	s18 =	simm.s32 $0x13240;
	s19 =	simm.s32 $0x15700  }
0x42: {  	[tilespmem:s22], [sflag:$0x1] =	stream.strided.gather [hbm4b:s21+s4], $0xC40, s5, s4, $0x38;
	[tilespmem:$0x18800] =	vst v63  }
0x43: {  	s12 =	rddreg [dreg:$0x2];
	s2 =	simm.s32 $0xC40  }
0x44: {  	[tilespmem:s2], [sflag:$0x1] =	stream.strided.gather [hbm4b:s12+s4], $0xC40, s5, s4, $0x38;
	[tilespmem:$0x18800] =	vst v63  }
0x45: {  	s1 =	rddreg [dreg:$0x3];
	s12 =	simm.s32 $0x1880  }
0x46: {  	[tilespmem:s12], [sflag:$0x1] =	stream.strided.gather [hbm4b:s1+s4], $0xC40, s5, s4, $0x38;
	[tilespmem:$0x18800] =	vst v63  }
0x47: {  	s6 =	rddreg [dreg:$0x4];
	s12 =	simm.s32 $0x24C0  }
0x48: {  	[tilespmem:s12], [sflag:$0x1] =	stream.strided.gather [hbm4b:s6+s4], $0xC40, s5, s4, $0x38;
	[tilespmem:$0x18800] =	vst v63  }
0x49: {  	s2 =	rddreg [dreg:$0x5];
	s6 =	simm.s32 $0x3100  }
0x4a: {  	[tilespmem:s6], [sflag:$0x1] =	stream.strided.gather [hbm4b:s2+s4], $0xC40, s5, s4, $0x38;
	[tilespmem:$0x18800] =	vst v63  }
0x4b: {  	s8 =	smov.u32 s0;
	s0 =	rddreg [dreg:$0x6];
	s6 =	simm.s32 $0x3D40  }
0x4c: {  	[tilespmem:s6], [sflag:$0x1] =	stream.strided.gather [hbm4b:s0+s4], $0xC40, s5, s4, $0x38;
	[tilespmem:$0x18800] =	vst v63  }
0x4d: {  	s1 =	rddreg [dreg:$0x7];
	s2 =	simm.s32 $0x4980  }
0x4e: {  	[tilespmem:s2], [sflag:$0x1] =	stream.strided.gather [hbm4b:s1+s4], $0xC40, s5, s4, $0x38;
	[tilespmem:$0x18800] =	vst v63  }
0x4f: {  	s0 =	rddreg [dreg:$0x8];
	s2 =	simm.s32 $0x55C0  }
0x50: {  	[tilespmem:s2], [sflag:$0x1] =	stream.strided.gather [hbm4b:s0+s4], $0xC40, s5, s4, $0x38;
	[tilespmem:$0x18800] =	vst v63  }
0x51: {  	s2 =	simm.s32 $0x6200  }
0x52: {  	[tilespmem:s2], [sflag:$0x2] =	stream.strided.gather [hbm4b:s10+s4], $0xC40, s5, s4, $0x38;
	[tilespmem:$0x18800] =	vst v63  }
0x53: {  	s0 =	rddreg [dreg:$0x9];
	s2 =	simm.s32 $0x6E40  }
0x54: {  	[tilespmem:s2], [sflag:$0x2] =	stream.strided.gather [hbm4b:s0+s4], $0xC40, s5, s4, $0x38;
	[tilespmem:$0x18800] =	vst v63  }
0x55: {  	s1 =	rddreg [dreg:$0xa];
	s2 =	simm.s32 $0x7A80  }
0x56: {  	[tilespmem:s2], [sflag:$0x2] =	stream.strided.gather [hbm4b:s1+s4], $0xC40, s5, s4, $0x38;
	[tilespmem:$0x18800] =	vst v63  }
0x57: {  	s0 =	rddreg [dreg:$0xb]  }
0x58: {  	[tilespmem:s14], [sflag:$0x2] =	stream.strided.gather [hbm4b:s0+s4], $0xC40, s5, s4, $0x38;
	[tilespmem:$0x18800] =	vst v63  }
0x59: {  	s1 =	rddreg [dreg:$0xc];
	s2 =	simm.s32 $0x9300  }
0x5a: {  	[tilespmem:s2], [sflag:$0x2] =	stream.strided.gather [hbm4b:s1+s4], $0xC40, s5, s4, $0x38;
	[tilespmem:$0x18800] =	vst v63  }
0x5b: {  	s0 =	rddreg [dreg:$0xd];
	s2 =	simm.s32 $0x9F40  }
0x5c: {  	[tilespmem:s2], [sflag:$0x2] =	stream.strided.gather [hbm4b:s0+s4], $0xC40, s5, s4, $0x38;
	[tilespmem:$0x18800] =	vst v63  }
0x5d: {  	s1 =	rddreg [dreg:$0xe]  }
0x5e: {  	[tilespmem:s13], [sflag:$0x2] =	stream.strided.gather [hbm4b:s1+s4], $0xC40, s5, s4, $0x38;
	[tilespmem:$0x18800] =	vst v63  }
0x5f: {  	s0 =	rddreg [dreg:$0xf];
	s13 =	simm.s32 $0xB7C0  }
0x60: {  	[tilespmem:s13], [sflag:$0x2] =	stream.strided.gather [hbm4b:s0+s4], $0xC40, s5, s4, $0x38;
	[tilespmem:$0x18800] =	vst v63  }
0x61: {  	_ = 	snop  }
0x62: {  	[tilespmem:s20], [sflag:$0x3] =	stream.strided.gather [hbm4b:s11+s4], $0xC40, s5, s4, $0x38;
	[tilespmem:$0x18800] =	vst v63  }
0x63: {  	s0 =	rddreg [dreg:$0x10];
	s13 =	simm.s32 $0xD040  }
0x64: {  	[tilespmem:s13], [sflag:$0x3] =	stream.strided.gather [hbm4b:s0+s4], $0xC40, s5, s4, $0x38;
	[tilespmem:$0x18800] =	vst v63  }
0x65: {  	s1 =	rddreg [dreg:$0x11];
	s13 =	simm.s32 $0xDC80  }
0x66: {  	[tilespmem:s13], [sflag:$0x3] =	stream.strided.gather [hbm4b:s1+s4], $0xC40, s5, s4, $0x38;
	[tilespmem:$0x18800] =	vst v63  }
0x67: {  	s0 =	rddreg [dreg:$0x12];
	s13 =	simm.s32 $0xE8C0  }
0x68: {  	[tilespmem:s13], [sflag:$0x3] =	stream.strided.gather [hbm4b:s0+s4], $0xC40, s5, s4, $0x38;
	[tilespmem:$0x18800] =	vst v63  }
0x69: {  	s1 =	rddreg [dreg:$0x13]  }
0x6a: {  	[tilespmem:s29], [sflag:$0x3] =	stream.strided.gather [hbm4b:s1+s4], $0xC40, s5, s4, $0x38;
	[tilespmem:$0x18800] =	vst v63  }
0x6b: {  	s0 =	rddreg [dreg:$0x14]  }
0x6c: {  	[tilespmem:s25], [sflag:$0x3] =	stream.strided.gather [hbm4b:s0+s4], $0xC40, s5, s4, $0x38;
	[tilespmem:$0x18800] =	vst v63  }
0x6d: {  	s1 =	rddreg [dreg:$0x15]  }
0x6e: {  	[tilespmem:s24], [sflag:$0x3] =	stream.strided.gather [hbm4b:s1+s4], $0xC40, s5, s4, $0x38;
	[tilespmem:$0x18800] =	vst v63  }
0x6f: {  	s0 =	rddreg [dreg:$0x16]  }
0x70: {  	[tilespmem:s23], [sflag:$0x3] =	stream.strided.gather [hbm4b:s0+s4], $0xC40, s5, s4, $0x38;
	[tilespmem:$0x18800] =	vst v63  }
0x71: {  	s1 =	rddreg [dreg:$0x1e]  }
0x72: {  	[tilespmem:s26], [sflag:$0x4] =	stream.strided.gather [hbm4b:s1+s4], $0xC40, s5, s4, $0x38;
	[tilespmem:$0x18800] =	vst v63  }
0x73: {  	s0 =	rddreg [dreg:$0x17]  }
0x74: {  	[tilespmem:s18], [sflag:$0x4] =	stream.strided.gather [hbm4b:s0+s4], $0xC40, s5, s4, $0x38;
	[tilespmem:$0x18800] =	vst v63  }
0x75: {  	s1 =	rddreg [dreg:$0x18]  }
0x76: {  	[tilespmem:s28], [sflag:$0x4] =	stream.strided.gather [hbm4b:s1+s4], $0xC40, s5, s4, $0x38;
	[tilespmem:$0x18800] =	vst v63  }
0x77: {  	s0 =	rddreg [dreg:$0x19]  }
0x78: {  	[tilespmem:s16], [sflag:$0x4] =	stream.strided.gather [hbm4b:s0+s4], $0xC40, s5, s4, $0x38;
	[tilespmem:$0x18800] =	vst v63  }
0x79: {  	s1 =	rddreg [dreg:$0x1a]  }
0x7a: {  	[tilespmem:s19], [sflag:$0x4] =	stream.strided.gather [hbm4b:s1+s4], $0xC40, s5, s4, $0x38;
	[tilespmem:$0x18800] =	vst v63  }
0x7b: {  	s0 =	rddreg [dreg:$0x1b]  }
0x7c: {  	[tilespmem:s17], [sflag:$0x4] =	stream.strided.gather [hbm4b:s0+s4], $0xC40, s5, s4, $0x38;
	[tilespmem:$0x18800] =	vst v63  }
0x7d: {  	s1 =	rddreg [dreg:$0x1c]  }
0x7e: {  	[tilespmem:s15], [sflag:$0x4] =	stream.strided.gather [hbm4b:s1+s4], $0xC40, s5, s4, $0x38;
	[tilespmem:$0x18800] =	vst v63  }
0x7f: {  	s0 =	rddreg [dreg:$0x1d]  }
0x80: {  	[tilespmem:s7], [sflag:$0x4] =	stream.strided.gather [hbm4b:s0+s4], $0xC40, s5, s4, $0x38;
	[tilespmem:$0x18800] =	vst v63  }
0x81: {  	s7 =	simm.s32 $0x1  }
0x82: {  	_ =	swait.ge [sflag:s7], $0x6200  }
0x83: {  	[sflag:s7] =	ssyncset.done $0x0  }
0x84: {  	[sflag:s7] =	ssyncadd.s32 $0xFFFF9E00  }
0x85: {  	[hbm4b:s30+s4] =	stream.strided.scatter [tilespmem:s22], [sflag:$0x5], $0xC40, s5, s4, $0x38;
	[tilespmem:$0x18800] =	vst v63  }
0x86: {  	s1 =	sadd.s32 $0x1880, s30;
	s7 =	simm.s32 $0xC40  }
0x87: {  	[hbm4b:s1+s4] =	stream.strided.scatter [tilespmem:s7], [sflag:$0x5], $0xC40, s5, s4, $0x38;
	[tilespmem:$0x18800] =	vst v63  }
0x88: {  	[dreg:$0x1f] =	wrdreg s1;
	s1 =	sadd.s32 $0x3100, s30;
	s7 =	simm.s32 $0x1880  }
0x89: {  	[hbm4b:s1+s4] =	stream.strided.scatter [tilespmem:s7], [sflag:$0x5], $0xC40, s5, s4, $0x38;
	[tilespmem:$0x18800] =	vst v63  }
0x8a: {  	[smem:$0x7DD] =	sst s1;
	s7 =	sadd.s32 $0x4980, s30  }
0x8b: {  	s1 =	sadd.s32 $0x6200, s30;
	[smem:$0x7DE] =	sst s7  }
0x8c: {  	[hbm4b:s7+s4] =	stream.strided.scatter [tilespmem:s12], [sflag:$0x5], $0xC40, s5, s4, $0x38;
	[tilespmem:$0x18800] =	vst v63  }
0x8d: {  	[smem:$0x7DF] =	sst s1;
	s7 =	simm.s32 $0x3100;
	s12 =	sadd.s32 $0x7A80, s30  }
0x8e: {  	[hbm4b:s1+s4] =	stream.strided.scatter [tilespmem:s7], [sflag:$0x5], $0xC40, s5, s4, $0x38;
	[tilespmem:$0x18800] =	vst v63  }
0x8f: {  	[smem:$0x7E0] =	sst s12;
	s1 =	sadd.s32 $0x9300, s30  }
0x90: {  	[hbm4b:s12+s4] =	stream.strided.scatter [tilespmem:s6], [sflag:$0x5], $0xC40, s5, s4, $0x38;
	[tilespmem:$0x18800] =	vst v63  }
0x91: {  	s7 =	sadd.s32 $0xAB80, s30;
	[smem:$0x7E1] =	sst s1;
	s6 =	simm.s32 $0x4980  }
0x92: {  	[hbm4b:s1+s4] =	stream.strided.scatter [tilespmem:s6], [sflag:$0x5], $0xC40, s5, s4, $0x38;
	[tilespmem:$0x18800] =	vst v63  }
0x93: {  	[smem:$0x7E2] =	sst s7;
	s12 =	simm.s32 $0x55C0;
	s1 =	simm.s32 $0x2  }
0x94: {  	[hbm4b:s7+s4] =	stream.strided.scatter [tilespmem:s12], [sflag:$0x5], $0xC40, s5, s4, $0x38;
	[tilespmem:$0x18800] =	vst v63  }
0x95: {  	_ =	swait.ge [sflag:s1], $0x6200  }
0x96: {  	[sflag:s1] =	ssyncset.done $0x0  }
0x97: {  	s6 =	simm.s32 $0x6200;
	s7 =	sadd.s32 $0x1880, s3;
	[sflag:s1] =	ssyncadd.s32 $0xFFFF9E00  }
0x98: {  	[hbm4b:s3+s4] =	stream.strided.scatter [tilespmem:s6], [sflag:$0x6], $0xC40, s5, s4, $0x38;
	[tilespmem:$0x18800] =	vst v63  }
0x99: {  	s12 =	simm.s32 $0x6E40;
	[smem:$0x7E3] =	sst s7;
	s1 =	sadd.s32 $0x3100, s3  }
0x9a: {  	[hbm4b:s7+s4] =	stream.strided.scatter [tilespmem:s12], [sflag:$0x6], $0xC40, s5, s4, $0x38;
	[tilespmem:$0x18800] =	vst v63  }
0x9b: {  	[smem:$0x7E4] =	sst s1;
	s6 =	simm.s32 $0x7A80;
	s7 =	sadd.s32 $0x4980, s3  }
0x9c: {  	[hbm4b:s1+s4] =	stream.strided.scatter [tilespmem:s6], [sflag:$0x6], $0xC40, s5, s4, $0x38;
	[tilespmem:$0x18800] =	vst v63  }
0x9d: {  	s12 =	sadd.s32 $0x6200, s3;
	[smem:$0x7E5] =	sst s7  }
0x9e: {  	[hbm4b:s7+s4] =	stream.strided.scatter [tilespmem:s14], [sflag:$0x6], $0xC40, s5, s4, $0x38;
	[tilespmem:$0x18800] =	vst v63  }
0x9f: {  	[smem:$0x7E6] =	sst s12;
	s1 =	sadd.s32 $0x7A80, s3;
	s14 =	simm.s32 $0x9300  }
0xa0: {  	[hbm4b:s12+s4] =	stream.strided.scatter [tilespmem:s14], [sflag:$0x6], $0xC40, s5, s4, $0x38;
	[tilespmem:$0x18800] =	vst v63  }
0xa1: {  	s6 =	sadd.s32 $0x9300, s3;
	[smem:$0x7E7] =	sst s1  }
0xa2: {  	[hbm4b:s1+s4] =	stream.strided.scatter [tilespmem:s2], [sflag:$0x6], $0xC40, s5, s4, $0x38;
	[tilespmem:$0x18800] =	vst v63  }
0xa3: {  	[smem:$0x7E8] =	sst s6;
	s7 =	simm.s32 $0xAB80;
	s12 =	sadd.s32 $0xAB80, s3  }
0xa4: {  	[hbm4b:s6+s4] =	stream.strided.scatter [tilespmem:s7], [sflag:$0x6], $0xC40, s5, s4, $0x38;
	[tilespmem:$0x18800] =	vst v63  }
0xa5: {  	s14 =	simm.s32 $0xB7C0;
	[smem:$0x7E9] =	sst s12;
	s2 =	simm.s32 $0x3  }
0xa6: {  	[hbm4b:s12+s4] =	stream.strided.scatter [tilespmem:s14], [sflag:$0x6], $0xC40, s5, s4, $0x38;
	[tilespmem:$0x18800] =	vst v63  }
0xa7: {  	s6 =	sadd.s32 $0x1880, s9;
	_ =	swait.ge [sflag:s2], $0x6200  }
0xa8: {  	s12 =	sadd.s32 $0x3100, s9;
	[smem:$0x7EA] =	sst s6  }
0xa9: {  	[sflag:s2] =	ssyncset.done $0x0;
	[smem:$0x7EB] =	sst s12  }
0xaa: {  	[smem:$0x7EC] =	sst s3;
	[sflag:s2] =	ssyncadd.s32 $0xFFFF9E00  }
0xab: {  	[hbm4b:s9+s4] =	stream.strided.scatter [tilespmem:s20], [sflag:$0x7], $0xC40, s5, s4, $0x38;
	[tilespmem:$0x18800] =	vst v63  }
0xac: {  	s13 =	simm.s32 $0xE8C0;
	s7 =	simm.s32 $0xD040;
	[smem:$0x7ED] =	sst s10  }
0xad: {  	[hbm4b:s6+s4] =	stream.strided.scatter [tilespmem:s7], [sflag:$0x7], $0xC40, s5, s4, $0x38;
	[tilespmem:$0x18800] =	vst v63  }
0xae: {  	s14 =	simm.s32 $0xDC80;
	[smem:$0x7EF] =	sst s21;
	s3 =	sadd.s32 $0x6200, s9  }
0xaf: {  	[hbm4b:s12+s4] =	stream.strided.scatter [tilespmem:s14], [sflag:$0x7], $0xC40, s5, s4, $0x38;
	[tilespmem:$0x18800] =	vst v63  }
0xb0: {  	s10 =	sadd.s32 $0xAB80, s9;
	[smem:$0x7F0] =	sst s3;
	s20 =	sadd.s32 $0x4980, s9  }
0xb1: {  	[hbm4b:s20+s4] =	stream.strided.scatter [tilespmem:s13], [sflag:$0x7], $0xC40, s5, s4, $0x38;
	[tilespmem:$0x18800] =	vst v63  }
0xb2: {  	[smem:$0x7F3] =	sst s10  }
0xb3: {  	[hbm4b:s3+s4] =	stream.strided.scatter [tilespmem:s29], [sflag:$0x7], $0xC40, s5, s4, $0x38;
	[tilespmem:$0x18800] =	vst v63  }
0xb4: {  	[smem:$0x7EE] =	sst s20;
	s6 =	sadd.s32 $0x7A80, s9  }
0xb5: {  	[hbm4b:s6+s4] =	stream.strided.scatter [tilespmem:s25], [sflag:$0x7], $0xC40, s5, s4, $0x38;
	[tilespmem:$0x18800] =	vst v63  }
0xb6: {  	s7 =	sadd.s32 $0x9300, s9;
	[smem:$0x7F1] =	sst s6  }
0xb7: {  	[hbm4b:s7+s4] =	stream.strided.scatter [tilespmem:s24], [sflag:$0x7], $0xC40, s5, s4, $0x38;
	[tilespmem:$0x18800] =	vst v63  }
0xb8: {  	[smem:$0x7F2] =	sst s7;
	s12 =	simm.s32 $0x4  }
0xb9: {  	[hbm4b:s10+s4] =	stream.strided.scatter [tilespmem:s23], [sflag:$0x7], $0xC40, s5, s4, $0x38;
	[tilespmem:$0x18800] =	vst v63  }
0xba: {  	_ =	swait.ge [sflag:s12], $0x6200  }
0xbb: {  	s14 =	sadd.s32 $0x1880, s31;
	[smem:$0x7F4] =	sst s9  }
0xbc: {  	[sflag:s12] =	ssyncset.done $0x0;
	[smem:$0x7F5] =	sst s14  }
0xbd: {  	s23 =	sadd.s32 $0x3100, s31;
	[smem:$0x7F6] =	sst s11;
	[sflag:s12] =	ssyncadd.s32 $0xFFFF9E00  }
0xbe: {  	[hbm4b:s31+s4] =	stream.strided.scatter [tilespmem:s26], [sflag:$0x8], $0xC40, s5, s4, $0x38;
	[tilespmem:$0x18800] =	vst v63  }
0xbf: {  	s24 =	sadd.s32 $0x4980, s31;
	[smem:$0x7F7] =	sst s23  }
0xc0: {  	[hbm4b:s14+s4] =	stream.strided.scatter [tilespmem:s18], [sflag:$0x8], $0xC40, s5, s4, $0x38;
	[tilespmem:$0x18800] =	vst v63  }
0xc1: {  	[smem:$0x7F8] =	sst s24  }
0xc2: {  	[hbm4b:s23+s4] =	stream.strided.scatter [tilespmem:s28], [sflag:$0x8], $0xC40, s5, s4, $0x38;
	[tilespmem:$0x18800] =	vst v63  }
0xc3: {  	s25 =	sadd.s32 $0x6200, s31;
	[smem:$0x7F9] =	sst s30  }
0xc4: {  	[hbm4b:s24+s4] =	stream.strided.scatter [tilespmem:s16], [sflag:$0x8], $0xC40, s5, s4, $0x38;
	[tilespmem:$0x18800] =	vst v63  }
0xc5: {  	s29 =	sadd.s32 $0xAB80, s31;
	[smem:$0x7FA] =	sst s25  }
0xc6: {  	[hbm4b:s25+s4] =	stream.strided.scatter [tilespmem:s19], [sflag:$0x8], $0xC40, s5, s4, $0x38;
	[tilespmem:$0x18800] =	vst v63  }
0xc7: {  	[smem:$0x7FD] =	sst s29;
	s26 =	sadd.s32 $0x7A80, s31  }
0xc8: {  	[hbm4b:s26+s4] =	stream.strided.scatter [tilespmem:s17], [sflag:$0x8], $0xC40, s5, s4, $0x38;
	[tilespmem:$0x18800] =	vst v63  }
0xc9: {  	[smem:$0x7FB] =	sst s26;
	s28 =	sadd.s32 $0x9300, s31  }
0xca: {  	[hbm4b:s28+s4] =	stream.strided.scatter [tilespmem:s15], [sflag:$0x8], $0xC40, s5, s4, $0x38;
	[tilespmem:$0x18800] =	vst v63  }
0xcb: {  	s21 =	simm.s32 $0x17BC0;
	s20 =	simm.s32 $0x5;
	[smem:$0x7FC] =	sst s28  }
0xcc: {  	[hbm4b:s29+s4] =	stream.strided.scatter [tilespmem:s21], [sflag:$0x8], $0xC40, s5, s4, $0x38;
	[tilespmem:$0x18800] =	vst v63  }
0xcd: {  	_ =	swait.ge [sflag:s20], $0x6200  }
0xce: {  	[sflag:s20] =	ssyncset.done $0x0  }
0xcf: {  	s2 =	simm.s32 $0x6;
	[sflag:s20] =	ssyncadd.s32 $0xFFFF9E00  }
0xd0: {  	_ =	swait.ge [sflag:s2], $0x6200  }
0xd1: {  	[sflag:s2] =	ssyncset.done $0x0  }
0xd2: {  	p1 =	sne.s32 s8, $0x1;
	s1 =	simm.s32 $0x7;
	[sflag:s2] =	ssyncadd.s32 $0xFFFF9E00  }
.Ltmp1:
0xd3: {  	_ =	swait.ge [sflag:s1], $0x6200;
	(pc) =	sbr.rel @!p1 .LBB2_6-.Ltmp1, $4  }
0xd4: {  	[sflag:s1] =	ssyncset.done $0x0  }
0xd5: {  	s13 =	simm.s32 $0x8;
	[sflag:s1] =	ssyncadd.s32 $0xFFFF9E00  }
0xd6: {  	_ =	swait.ge [sflag:s13], $0x6200  }
0xd7: {  	p0 =	por $0x1, $0x1;
	s30 =	sadd.s32 $0xFFFFFFFF, s8;
	[sflag:s13] =	ssyncset.done $0x0  }
0xd8: {  	s29 =	simm.s32 $0x1880;
	s16 =	simm.s32 $0x4980  }
0xd9: {  	s21 =	simm.s32 $0x55C0;
	s28 =	simm.s32 $0x86C0;
	s25 =	simm.s32 $0x9300  }
0xda: {  	s12 =	simm.s32 $0x9F40;
	s19 =	simm.s32 $0xAB80;
	s20 =	simm.s32 $0xB7C0  }
0xdb: {  	s24 =	simm.s32 $0xD040;
	s18 =	simm.s32 $0xDC80;
	s13 =	simm.s32 $0xE8C0  }
0xdc: {  	s11 =	simm.s32 $0xF500;
	s8 =	simm.s32 $0x10140;
	s23 =	simm.s32 $0x10D80  }
0xdd: {  	s15 =	simm.s32 $0x12600;
	s14 =	simm.s32 $0x13240;
	s10 =	simm.s32 $0x13E80  }
0xde: {  	s9 =	simm.s32 $0x14AC0;
	s6 =	simm.s32 $0x15700;
	s26 =	simm.s32 $0x17BC0  }
.LBB2_3:
0xdf: {  	s17 =	sld [smem:$0x7EF]  }
0xe0: {  	s0 =	simm.s32 $0x8  }
0xe1: {  	s1 =	smov.u32 s31;
	s31 =	rddreg [dreg:$0x2];
	[sflag:s0] =	ssyncadd.s32 $0xFFFF9E00  }
0xe2: {  	[tilespmem:s22], [sflag:$0x1] =	stream.strided.gather [hbm4b:s17+s4], $0xC40, s5, s4, $0x38;
	[tilespmem:$0x18800] =	vst v63  }
0xe3: {  	s2 =	rddreg [dreg:$0x5];
	s17 =	simm.s32 $0xC40  }
0xe4: {  	[tilespmem:s17], [sflag:$0x1] =	stream.strided.gather [hbm4b:s31+s4], $0xC40, s5, s4, $0x38;
	[tilespmem:$0x18800] =	vst v63  }
0xe5: {  	s0 =	rddreg [dreg:$0x3]  }
0xe6: {  	[tilespmem:s29], [sflag:$0x1] =	stream.strided.gather [hbm4b:s0+s4], $0xC40, s5, s4, $0x38;
	[tilespmem:$0x18800] =	vst v63  }
0xe7: {  	s3 =	simm.s32 $0x24C0;
	s31 =	rddreg [dreg:$0x4]  }
0xe8: {  	[tilespmem:s3], [sflag:$0x1] =	stream.strided.gather [hbm4b:s31+s4], $0xC40, s5, s4, $0x38;
	[tilespmem:$0x18800] =	vst v63  }
0xe9: {  	s7 =	simm.s32 $0x3100;
	s31 =	rddreg [dreg:$0x6]  }
0xea: {  	[tilespmem:s7], [sflag:$0x1] =	stream.strided.gather [hbm4b:s2+s4], $0xC40, s5, s4, $0x38;
	[tilespmem:$0x18800] =	vst v63  }
0xeb: {  	s0 =	simm.s32 $0x3D40;
	s2 =	rddreg [dreg:$0x7]  }
0xec: {  	[tilespmem:s0], [sflag:$0x1] =	stream.strided.gather [hbm4b:s31+s4], $0xC40, s5, s4, $0x38;
	[tilespmem:$0x18800] =	vst v63  }
0xed: {  	s7 =	sld [smem:$0x7ED]  }
0xee: {  	[tilespmem:s16], [sflag:$0x1] =	stream.strided.gather [hbm4b:s2+s4], $0xC40, s5, s4, $0x38;
	[tilespmem:$0x18800] =	vst v63  }
0xef: {  	s31 =	rddreg [dreg:$0x8]  }
0xf0: {  	[tilespmem:s21], [sflag:$0x1] =	stream.strided.gather [hbm4b:s31+s4], $0xC40, s5, s4, $0x38;
	[tilespmem:$0x18800] =	vst v63  }
0xf1: {  	s3 =	rddreg [dreg:$0x9];
	s2 =	simm.s32 $0x6200  }
0xf2: {  	[tilespmem:s2], [sflag:$0x2] =	stream.strided.gather [hbm4b:s7+s4], $0xC40, s5, s4, $0x38;
	[tilespmem:$0x18800] =	vst v63  }
0xf3: {  	s31 =	rddreg [dreg:$0xa];
	s7 =	simm.s32 $0x6E40  }
0xf4: {  	[tilespmem:s7], [sflag:$0x2] =	stream.strided.gather [hbm4b:s3+s4], $0xC40, s5, s4, $0x38;
	[tilespmem:$0x18800] =	vst v63  }
0xf5: {  	s2 =	rddreg [dreg:$0xd];
	s7 =	simm.s32 $0x7A80  }
0xf6: {  	[tilespmem:s7], [sflag:$0x2] =	stream.strided.gather [hbm4b:s31+s4], $0xC40, s5, s4, $0x38;
	[tilespmem:$0x18800] =	vst v63  }
0xf7: {  	s3 =	rddreg [dreg:$0xb]  }
0xf8: {  	[tilespmem:s28], [sflag:$0x2] =	stream.strided.gather [hbm4b:s3+s4], $0xC40, s5, s4, $0x38;
	[tilespmem:$0x18800] =	vst v63  }
0xf9: {  	s31 =	rddreg [dreg:$0xc]  }
0xfa: {  	[tilespmem:s25], [sflag:$0x2] =	stream.strided.gather [hbm4b:s31+s4], $0xC40, s5, s4, $0x38;
	[tilespmem:$0x18800] =	vst v63  }
0xfb: {  	s7 =	sld [smem:$0x7F6]  }
0xfc: {  	[tilespmem:s12], [sflag:$0x2] =	stream.strided.gather [hbm4b:s2+s4], $0xC40, s5, s4, $0x38;
	[tilespmem:$0x18800] =	vst v63  }
0xfd: {  	s31 =	rddreg [dreg:$0xe]  }
0xfe: {  	[tilespmem:s19], [sflag:$0x2] =	stream.strided.gather [hbm4b:s31+s4], $0xC40, s5, s4, $0x38;
	[tilespmem:$0x18800] =	vst v63  }
0xff: {  	s3 =	rddreg [dreg:$0xf]  }
0x100: {  	[tilespmem:s20], [sflag:$0x2] =	stream.strided.gather [hbm4b:s3+s4], $0xC40, s5, s4, $0x38;
	[tilespmem:$0x18800] =	vst v63  }
0x101: {  	s3 =	simm.s32 $0xC400  }
0x102: {  	[tilespmem:s3], [sflag:$0x3] =	stream.strided.gather [hbm4b:s7+s4], $0xC40, s5, s4, $0x38;
	[tilespmem:$0x18800] =	vst v63  }
0x103: {  	s22 =	rddreg [dreg:$0x10]  }
0x104: {  	[tilespmem:s24], [sflag:$0x3] =	stream.strided.gather [hbm4b:s22+s4], $0xC40, s5, s4, $0x38;
	[tilespmem:$0x18800] =	vst v63  }
0x105: {  	s31 =	rddreg [dreg:$0x11]  }
0x106: {  	[tilespmem:s18], [sflag:$0x3] =	stream.strided.gather [hbm4b:s31+s4], $0xC40, s5, s4, $0x38;
	[tilespmem:$0x18800] =	vst v63  }
0x107: {  	s7 =	rddreg [dreg:$0x12]  }
0x108: {  	[tilespmem:s13], [sflag:$0x3] =	stream.strided.gather [hbm4b:s7+s4], $0xC40, s5, s4, $0x38;
	[tilespmem:$0x18800] =	vst v63  }
0x109: {  	s31 =	rddreg [dreg:$0x13]  }
0x10a: {  	[tilespmem:s11], [sflag:$0x3] =	stream.strided.gather [hbm4b:s31+s4], $0xC40, s5, s4, $0x38;
	[tilespmem:$0x18800] =	vst v63  }
0x10b: {  	s2 =	rddreg [dreg:$0x14]  }
0x10c: {  	[tilespmem:s8], [sflag:$0x3] =	stream.strided.gather [hbm4b:s2+s4], $0xC40, s5, s4, $0x38;
	[tilespmem:$0x18800] =	vst v63  }
0x10d: {  	s31 =	rddreg [dreg:$0x15]  }
0x10e: {  	[tilespmem:s23], [sflag:$0x3] =	stream.strided.gather [hbm4b:s31+s4], $0xC40, s5, s4, $0x38;
	[tilespmem:$0x18800] =	vst v63  }
0x10f: {  	s3 =	rddreg [dreg:$0x16];
	s7 =	simm.s32 $0x119C0  }
0x110: {  	[tilespmem:s7], [sflag:$0x3] =	stream.strided.gather [hbm4b:s3+s4], $0xC40, s5, s4, $0x38;
	[tilespmem:$0x18800] =	vst v63  }
0x111: {  	s31 =	rddreg [dreg:$0x1e]  }
0x112: {  	[tilespmem:s15], [sflag:$0x4] =	stream.strided.gather [hbm4b:s31+s4], $0xC40, s5, s4, $0x38;
	[tilespmem:$0x18800] =	vst v63  }
0x113: {  	s2 =	rddreg [dreg:$0x17]  }
0x114: {  	[tilespmem:s14], [sflag:$0x4] =	stream.strided.gather [hbm4b:s2+s4], $0xC40, s5, s4, $0x38;
	[tilespmem:$0x18800] =	vst v63  }
0x115: {  	s31 =	rddreg [dreg:$0x18]  }
0x116: {  	[tilespmem:s10], [sflag:$0x4] =	stream.strided.gather [hbm4b:s31+s4], $0xC40, s5, s4, $0x38;
	[tilespmem:$0x18800] =	vst v63  }
0x117: {  	s3 =	rddreg [dreg:$0x19]  }
0x118: {  	[tilespmem:s9], [sflag:$0x4] =	stream.strided.gather [hbm4b:s3+s4], $0xC40, s5, s4, $0x38;
	[tilespmem:$0x18800] =	vst v63  }
0x119: {  	s31 =	rddreg [dreg:$0x1a]  }
0x11a: {  	[tilespmem:s6], [sflag:$0x4] =	stream.strided.gather [hbm4b:s31+s4], $0xC40, s5, s4, $0x38;
	[tilespmem:$0x18800] =	vst v63  }
0x11b: {  	s2 =	rddreg [dreg:$0x1b];
	s3 =	simm.s32 $0x16340  }
0x11c: {  	[tilespmem:s3], [sflag:$0x4] =	stream.strided.gather [hbm4b:s2+s4], $0xC40, s5, s4, $0x38;
	[tilespmem:$0x18800] =	vst v63  }
0x11d: {  	s31 =	rddreg [dreg:$0x1c];
	s2 =	simm.s32 $0x16F80  }
0x11e: {  	[tilespmem:s2], [sflag:$0x4] =	stream.strided.gather [hbm4b:s31+s4], $0xC40, s5, s4, $0x38;
	[tilespmem:$0x18800] =	vst v63  }
0x11f: {  	s22 =	rddreg [dreg:$0x1d];
	s31 =	smov.u32 s1;
	s1 =	simm.s32 $0x1  }
0x120: {  	[tilespmem:s26], [sflag:$0x4] =	stream.strided.gather [hbm4b:s22+s4], $0xC40, s5, s4, $0x38;
	[tilespmem:$0x18800] =	vst v63  }
0x121: {  	_ =	swait.ge [sflag:s1], $0x6200  }
0x122: {  	[sflag:s1] =	ssyncset.done $0x0  }
0x123: {  	[sflag:s1] =	ssyncadd.s32 $0xFFFF9E00;
	s1 =	sld [smem:$0x7F9];
	_ =	sdelay $0x1  }
0x124: {  	s22 =	simm.s32 $0x0  }
0x125: {  	[hbm4b:s1+s4] =	stream.strided.scatter [tilespmem:s22], [sflag:$0x5], $0xC40, s5, s4, $0x38;
	[tilespmem:$0x18800] =	vst v63  }
0x126: {  	s1 =	rddreg [dreg:$0x1f]  }
0x127: {  	[hbm4b:s1+s4] =	stream.strided.scatter [tilespmem:s17], [sflag:$0x5], $0xC40, s5, s4, $0x38;
	[tilespmem:$0x18800] =	vst v63  }
0x128: {  	s17 =	sld [smem:$0x7DD];
	_ =	sdelay $0x1  }
0x129: {  	s1 =	sld [smem:$0x7DE]  }
0x12a: {  	[hbm4b:s17+s4] =	stream.strided.scatter [tilespmem:s29], [sflag:$0x5], $0xC40, s5, s4, $0x38;
	[tilespmem:$0x18800] =	vst v63  }
0x12b: {  	s17 =	simm.s32 $0x24C0  }
0x12c: {  	[hbm4b:s1+s4] =	stream.strided.scatter [tilespmem:s17], [sflag:$0x5], $0xC40, s5, s4, $0x38;
	[tilespmem:$0x18800] =	vst v63  }
0x12d: {  	s1 =	sld [smem:$0x7DF];
	_ =	sdelay $0x1  }
0x12e: {  	s17 =	simm.s32 $0x3100  }
0x12f: {  	[hbm4b:s1+s4] =	stream.strided.scatter [tilespmem:s17], [sflag:$0x5], $0xC40, s5, s4, $0x38;
	[tilespmem:$0x18800] =	vst v63  }
0x130: {  	s17 =	sld [smem:$0x7E0];
	_ =	sdelay $0x2  }
0x131: {  	[hbm4b:s17+s4] =	stream.strided.scatter [tilespmem:s0], [sflag:$0x5], $0xC40, s5, s4, $0x38;
	[tilespmem:$0x18800] =	vst v63  }
0x132: {  	s17 =	sld [smem:$0x7E1];
	_ =	sdelay $0x1  }
0x133: {  	s1 =	sld [smem:$0x7E2]  }
0x134: {  	[hbm4b:s17+s4] =	stream.strided.scatter [tilespmem:s16], [sflag:$0x5], $0xC40, s5, s4, $0x38;
	[tilespmem:$0x18800] =	vst v63  }
0x135: {  	s17 =	simm.s32 $0x2  }
0x136: {  	[hbm4b:s1+s4] =	stream.strided.scatter [tilespmem:s21], [sflag:$0x5], $0xC40, s5, s4, $0x38;
	[tilespmem:$0x18800] =	vst v63  }
0x137: {  	_ =	swait.ge [sflag:s17], $0x6200  }
0x138: {  	s1 =	sld [smem:$0x7EC]  }
0x139: {  	[sflag:s17] =	ssyncset.done $0x0  }
0x13a: {  	[sflag:s17] =	ssyncadd.s32 $0xFFFF9E00;
	s17 =	simm.s32 $0x6200  }
0x13b: {  	[hbm4b:s1+s4] =	stream.strided.scatter [tilespmem:s17], [sflag:$0x6], $0xC40, s5, s4, $0x38;
	[tilespmem:$0x18800] =	vst v63  }
0x13c: {  	s1 =	sld [smem:$0x7E3];
	_ =	sdelay $0x1  }
0x13d: {  	s17 =	simm.s32 $0x6E40  }
0x13e: {  	[hbm4b:s1+s4] =	stream.strided.scatter [tilespmem:s17], [sflag:$0x6], $0xC40, s5, s4, $0x38;
	[tilespmem:$0x18800] =	vst v63  }
0x13f: {  	s1 =	sld [smem:$0x7E4];
	_ =	sdelay $0x1  }
0x140: {  	s17 =	simm.s32 $0x7A80  }
0x141: {  	[hbm4b:s1+s4] =	stream.strided.scatter [tilespmem:s17], [sflag:$0x6], $0xC40, s5, s4, $0x38;
	[tilespmem:$0x18800] =	vst v63  }
0x142: {  	s1 =	sld [smem:$0x7E5];
	_ =	sdelay $0x1  }
0x143: {  	s17 =	sld [smem:$0x7E6]  }
0x144: {  	[hbm4b:s1+s4] =	stream.strided.scatter [tilespmem:s28], [sflag:$0x6], $0xC40, s5, s4, $0x38;
	[tilespmem:$0x18800] =	vst v63  }
0x145: {  	s1 =	sld [smem:$0x7E7]  }
0x146: {  	[hbm4b:s17+s4] =	stream.strided.scatter [tilespmem:s25], [sflag:$0x6], $0xC40, s5, s4, $0x38;
	[tilespmem:$0x18800] =	vst v63  }
0x147: {  	s17 =	sld [smem:$0x7E8]  }
0x148: {  	[hbm4b:s1+s4] =	stream.strided.scatter [tilespmem:s12], [sflag:$0x6], $0xC40, s5, s4, $0x38;
	[tilespmem:$0x18800] =	vst v63  }
0x149: {  	s1 =	sld [smem:$0x7E9]  }
0x14a: {  	[hbm4b:s17+s4] =	stream.strided.scatter [tilespmem:s19], [sflag:$0x6], $0xC40, s5, s4, $0x38;
	[tilespmem:$0x18800] =	vst v63  }
0x14b: {  	s17 =	simm.s32 $0x3  }
0x14c: {  	[hbm4b:s1+s4] =	stream.strided.scatter [tilespmem:s20], [sflag:$0x6], $0xC40, s5, s4, $0x38;
	[tilespmem:$0x18800] =	vst v63  }
0x14d: {  	_ =	swait.ge [sflag:s17], $0x6200  }
0x14e: {  	s1 =	sld [smem:$0x7F4]  }
0x14f: {  	[sflag:s17] =	ssyncset.done $0x0  }
0x150: {  	[sflag:s17] =	ssyncadd.s32 $0xFFFF9E00;
	s17 =	simm.s32 $0xC400  }
0x151: {  	[hbm4b:s1+s4] =	stream.strided.scatter [tilespmem:s17], [sflag:$0x7], $0xC40, s5, s4, $0x38;
	[tilespmem:$0x18800] =	vst v63  }
0x152: {  	s17 =	sld [smem:$0x7EA];
	_ =	sdelay $0x1  }
0x153: {  	s1 =	sld [smem:$0x7EB]  }
0x154: {  	[hbm4b:s17+s4] =	stream.strided.scatter [tilespmem:s24], [sflag:$0x7], $0xC40, s5, s4, $0x38;
	[tilespmem:$0x18800] =	vst v63  }
0x155: {  	s17 =	sld [smem:$0x7EE]  }
0x156: {  	[hbm4b:s1+s4] =	stream.strided.scatter [tilespmem:s18], [sflag:$0x7], $0xC40, s5, s4, $0x38;
	[tilespmem:$0x18800] =	vst v63  }
0x157: {  	s1 =	sld [smem:$0x7F0]  }
0x158: {  	[hbm4b:s17+s4] =	stream.strided.scatter [tilespmem:s13], [sflag:$0x7], $0xC40, s5, s4, $0x38;
	[tilespmem:$0x18800] =	vst v63  }
0x159: {  	s17 =	sld [smem:$0x7F1]  }
0x15a: {  	[hbm4b:s1+s4] =	stream.strided.scatter [tilespmem:s11], [sflag:$0x7], $0xC40, s5, s4, $0x38;
	[tilespmem:$0x18800] =	vst v63  }
0x15b: {  	s1 =	sld [smem:$0x7F2]  }
0x15c: {  	[hbm4b:s17+s4] =	stream.strided.scatter [tilespmem:s8], [sflag:$0x7], $0xC40, s5, s4, $0x38;
	[tilespmem:$0x18800] =	vst v63  }
0x15d: {  	s17 =	sld [smem:$0x7F3]  }
0x15e: {  	[hbm4b:s1+s4] =	stream.strided.scatter [tilespmem:s23], [sflag:$0x7], $0xC40, s5, s4, $0x38;
	[tilespmem:$0x18800] =	vst v63  }
0x15f: {  	s0 =	simm.s32 $0x4  }
0x160: {  	[hbm4b:s17+s4] =	stream.strided.scatter [tilespmem:s7], [sflag:$0x7], $0xC40, s5, s4, $0x38;
	[tilespmem:$0x18800] =	vst v63  }
0x161: {  	_ =	swait.ge [sflag:s0], $0x6200  }
0x162: {  	[sflag:s0] =	ssyncset.done $0x0  }
0x163: {  	s1 =	sld [smem:$0x7F5];
	[sflag:s0] =	ssyncadd.s32 $0xFFFF9E00  }
0x164: {  	[hbm4b:s31+s4] =	stream.strided.scatter [tilespmem:s15], [sflag:$0x8], $0xC40, s5, s4, $0x38;
	[tilespmem:$0x18800] =	vst v63  }
0x165: {  	s7 =	sld [smem:$0x7F7]  }
0x166: {  	[hbm4b:s1+s4] =	stream.strided.scatter [tilespmem:s14], [sflag:$0x8], $0xC40, s5, s4, $0x38;
	[tilespmem:$0x18800] =	vst v63  }
0x167: {  	s17 =	sld [smem:$0x7F8]  }
0x168: {  	[hbm4b:s7+s4] =	stream.strided.scatter [tilespmem:s10], [sflag:$0x8], $0xC40, s5, s4, $0x38;
	[tilespmem:$0x18800] =	vst v63  }
0x169: {  	s1 =	sld [smem:$0x7FA]  }
0x16a: {  	[hbm4b:s17+s4] =	stream.strided.scatter [tilespmem:s9], [sflag:$0x8], $0xC40, s5, s4, $0x38;
	[tilespmem:$0x18800] =	vst v63  }
0x16b: {  	s7 =	sld [smem:$0x7FB]  }
0x16c: {  	[hbm4b:s1+s4] =	stream.strided.scatter [tilespmem:s6], [sflag:$0x8], $0xC40, s5, s4, $0x38;
	[tilespmem:$0x18800] =	vst v63  }
0x16d: {  	s17 =	sld [smem:$0x7FC]  }
0x16e: {  	[hbm4b:s7+s4] =	stream.strided.scatter [tilespmem:s3], [sflag:$0x8], $0xC40, s5, s4, $0x38;
	[tilespmem:$0x18800] =	vst v63  }
0x16f: {  	s1 =	sld [smem:$0x7FD]  }
0x170: {  	[hbm4b:s17+s4] =	stream.strided.scatter [tilespmem:s2], [sflag:$0x8], $0xC40, s5, s4, $0x38;
	[tilespmem:$0x18800] =	vst v63  }
0x171: {  	s2 =	simm.s32 $0x5  }
0x172: {  	[hbm4b:s1+s4] =	stream.strided.scatter [tilespmem:s26], [sflag:$0x8], $0xC40, s5, s4, $0x38;
	[tilespmem:$0x18800] =	vst v63  }
0x173: {  	_ =	swait.ge [sflag:s2], $0x6200  }
0x174: {  	[sflag:s2] =	ssyncset.done $0x0  }
0x175: {  	s3 =	simm.s32 $0x6;
	[sflag:s2] =	ssyncadd.s32 $0xFFFF9E00  }
0x176: {  	_ =	swait.ge [sflag:s3], $0x6200  }
0x177: {  	[sflag:s3] =	ssyncset.done $0x0  }
0x178: {  	p1 =	sne.s32 s30, $0x1;
	s7 =	simm.s32 $0x7;
	[sflag:s3] =	ssyncadd.s32 $0xFFFF9E00  }
.Ltmp2:
0x179: {  	_ =	swait.ge [sflag:s7], $0x6200;
	(pc) =	sbr.rel @p1 .LBB2_3-.Ltmp2, $4  }
0x17a: {  	[sflag:s7] =	ssyncset.done $0x0  }
0x17b: {  	s17 =	simm.s32 $0x8;
	[sflag:s7] =	ssyncadd.s32 $0xFFFF9E00  }
0x17c: {  	_ =	swait.ge [sflag:s17], $0x6200  }
0x17d: {  	s30 =	sadd.s32 $0xFFFFFFFF, s30;
	[sflag:s17] =	ssyncset.done $0x0  }
0x17e: {  	s9 =	sld [smem:$0x7F4]  }
0x17f: {  	s3 =	sld [smem:$0x7EC]  }
0x180: {  	s10 =	sld [smem:$0x7ED];
	s2 =	simm.s32 $0x8  }
0x181: {  	s11 =	sld [smem:$0x7F6];
	s6 =	simm.s32 $0x7;
	s7 =	simm.s32 $0x17BC0  }
0x182: {  	s8 =	simm.s32 $0x6;
	s15 =	simm.s32 $0x16F80;
	s17 =	simm.s32 $0x16340  }
0x183: {  	s12 =	simm.s32 $0x5;
	s19 =	simm.s32 $0x15700;
	s30 =	sld [smem:$0x7F9]  }
0x184: {  	s16 =	simm.s32 $0x14AC0;
	s28 =	simm.s32 $0x13E80;
	s18 =	simm.s32 $0x13240  }
0x185: {  	s21 =	sld [smem:$0x7EF];
	s26 =	simm.s32 $0x12600;
	s23 =	simm.s32 $0x119C0  }
0x186: {  	s24 =	simm.s32 $0x10D80;
	s25 =	simm.s32 $0x10140;
	s29 =	simm.s32 $0xF500  }
0x187: {  	s20 =	simm.s32 $0xC400;
	s14 =	simm.s32 $0x86C0;
	s13 =	simm.s32 $0xAB80  }
.LBB2_5:
0x188: {  	[sflag:s2] =	ssyncadd.s32 @p0 $0xFFFF9E00  }
0x189: {  	[tilespmem:s22], [sflag:$0x1] =	stream.strided.gather [hbm4b:s21+s4], $0xC40, s5, s4, $0x38;
	[tilespmem:$0x18800] =	vst v63  }
0x18a: {  	s0 =	rddreg [dreg:$0x2];
	s21 =	simm.s32 $0xC40  }
0x18b: {  	[tilespmem:s21], [sflag:$0x1] =	stream.strided.gather [hbm4b:s0+s4], $0xC40, s5, s4, $0x38;
	[tilespmem:$0x18800] =	vst v63  }
0x18c: {  	s1 =	rddreg [dreg:$0x3];
	s21 =	simm.s32 $0x1880  }
0x18d: {  	[tilespmem:s21], [sflag:$0x1] =	stream.strided.gather [hbm4b:s1+s4], $0xC40, s5, s4, $0x38;
	[tilespmem:$0x18800] =	vst v63  }
0x18e: {  	s0 =	rddreg [dreg:$0x4];
	s21 =	simm.s32 $0x24C0  }
0x18f: {  	[tilespmem:s21], [sflag:$0x1] =	stream.strided.gather [hbm4b:s0+s4], $0xC40, s5, s4, $0x38;
	[tilespmem:$0x18800] =	vst v63  }
0x190: {  	s1 =	rddreg [dreg:$0x5];
	s21 =	simm.s32 $0x3100  }
0x191: {  	[tilespmem:s21], [sflag:$0x1] =	stream.strided.gather [hbm4b:s1+s4], $0xC40, s5, s4, $0x38;
	[tilespmem:$0x18800] =	vst v63  }
0x192: {  	s0 =	rddreg [dreg:$0x6];
	s21 =	simm.s32 $0x3D40  }
0x193: {  	[tilespmem:s21], [sflag:$0x1] =	stream.strided.gather [hbm4b:s0+s4], $0xC40, s5, s4, $0x38;
	[tilespmem:$0x18800] =	vst v63  }
0x194: {  	s1 =	rddreg [dreg:$0x7];
	s21 =	simm.s32 $0x4980  }
0x195: {  	[tilespmem:s21], [sflag:$0x1] =	stream.strided.gather [hbm4b:s1+s4], $0xC40, s5, s4, $0x38;
	[tilespmem:$0x18800] =	vst v63  }
0x196: {  	s0 =	rddreg [dreg:$0x8];
	s1 =	simm.s32 $0x55C0  }
0x197: {  	[tilespmem:s1], [sflag:$0x1] =	stream.strided.gather [hbm4b:s0+s4], $0xC40, s5, s4, $0x38;
	[tilespmem:$0x18800] =	vst v63  }
0x198: {  	s1 =	simm.s32 $0x6200  }
0x199: {  	[tilespmem:s1], [sflag:$0x2] =	stream.strided.gather [hbm4b:s10+s4], $0xC40, s5, s4, $0x38;
	[tilespmem:$0x18800] =	vst v63  }
0x19a: {  	s0 =	rddreg [dreg:$0x9];
	s10 =	simm.s32 $0x6E40  }
0x19b: {  	[tilespmem:s10], [sflag:$0x2] =	stream.strided.gather [hbm4b:s0+s4], $0xC40, s5, s4, $0x38;
	[tilespmem:$0x18800] =	vst v63  }
0x19c: {  	s1 =	rddreg [dreg:$0xa];
	s10 =	simm.s32 $0x7A80  }
0x19d: {  	[tilespmem:s10], [sflag:$0x2] =	stream.strided.gather [hbm4b:s1+s4], $0xC40, s5, s4, $0x38;
	[tilespmem:$0x18800] =	vst v63  }
0x19e: {  	s0 =	rddreg [dreg:$0xb]  }
0x19f: {  	[tilespmem:s14], [sflag:$0x2] =	stream.strided.gather [hbm4b:s0+s4], $0xC40, s5, s4, $0x38;
	[tilespmem:$0x18800] =	vst v63  }
0x1a0: {  	s10 =	rddreg [dreg:$0xc];
	s14 =	simm.s32 $0x9300  }
0x1a1: {  	[tilespmem:s14], [sflag:$0x2] =	stream.strided.gather [hbm4b:s10+s4], $0xC40, s5, s4, $0x38;
	[tilespmem:$0x18800] =	vst v63  }
0x1a2: {  	s0 =	rddreg [dreg:$0xd];
	s10 =	simm.s32 $0x9F40  }
0x1a3: {  	[tilespmem:s10], [sflag:$0x2] =	stream.strided.gather [hbm4b:s0+s4], $0xC40, s5, s4, $0x38;
	[tilespmem:$0x18800] =	vst v63  }
0x1a4: {  	s1 =	rddreg [dreg:$0xe]  }
0x1a5: {  	[tilespmem:s13], [sflag:$0x2] =	stream.strided.gather [hbm4b:s1+s4], $0xC40, s5, s4, $0x38;
	[tilespmem:$0x18800] =	vst v63  }
0x1a6: {  	s0 =	rddreg [dreg:$0xf];
	s13 =	simm.s32 $0xB7C0  }
0x1a7: {  	[tilespmem:s13], [sflag:$0x2] =	stream.strided.gather [hbm4b:s0+s4], $0xC40, s5, s4, $0x38;
	[tilespmem:$0x18800] =	vst v63  }
0x1a8: {  	_ = 	snop  }
0x1a9: {  	[tilespmem:s20], [sflag:$0x3] =	stream.strided.gather [hbm4b:s11+s4], $0xC40, s5, s4, $0x38;
	[tilespmem:$0x18800] =	vst v63  }
0x1aa: {  	s0 =	rddreg [dreg:$0x10];
	s20 =	simm.s32 $0xD040  }
0x1ab: {  	[tilespmem:s20], [sflag:$0x3] =	stream.strided.gather [hbm4b:s0+s4], $0xC40, s5, s4, $0x38;
	[tilespmem:$0x18800] =	vst v63  }
0x1ac: {  	s1 =	rddreg [dreg:$0x11];
	s11 =	simm.s32 $0xDC80  }
0x1ad: {  	[tilespmem:s11], [sflag:$0x3] =	stream.strided.gather [hbm4b:s1+s4], $0xC40, s5, s4, $0x38;
	[tilespmem:$0x18800] =	vst v63  }
0x1ae: {  	s0 =	rddreg [dreg:$0x12];
	s11 =	simm.s32 $0xE8C0  }
0x1af: {  	[tilespmem:s11], [sflag:$0x3] =	stream.strided.gather [hbm4b:s0+s4], $0xC40, s5, s4, $0x38;
	[tilespmem:$0x18800] =	vst v63  }
0x1b0: {  	s1 =	rddreg [dreg:$0x13]  }
0x1b1: {  	[tilespmem:s29], [sflag:$0x3] =	stream.strided.gather [hbm4b:s1+s4], $0xC40, s5, s4, $0x38;
	[tilespmem:$0x18800] =	vst v63  }
0x1b2: {  	s0 =	rddreg [dreg:$0x14]  }
0x1b3: {  	[tilespmem:s25], [sflag:$0x3] =	stream.strided.gather [hbm4b:s0+s4], $0xC40, s5, s4, $0x38;
	[tilespmem:$0x18800] =	vst v63  }
0x1b4: {  	s1 =	rddreg [dreg:$0x15]  }
0x1b5: {  	[tilespmem:s24], [sflag:$0x3] =	stream.strided.gather [hbm4b:s1+s4], $0xC40, s5, s4, $0x38;
	[tilespmem:$0x18800] =	vst v63  }
0x1b6: {  	s0 =	rddreg [dreg:$0x16]  }
0x1b7: {  	[tilespmem:s23], [sflag:$0x3] =	stream.strided.gather [hbm4b:s0+s4], $0xC40, s5, s4, $0x38;
	[tilespmem:$0x18800] =	vst v63  }
0x1b8: {  	s1 =	rddreg [dreg:$0x1e]  }
0x1b9: {  	[tilespmem:s26], [sflag:$0x4] =	stream.strided.gather [hbm4b:s1+s4], $0xC40, s5, s4, $0x38;
	[tilespmem:$0x18800] =	vst v63  }
0x1ba: {  	s0 =	rddreg [dreg:$0x17]  }
0x1bb: {  	[tilespmem:s18], [sflag:$0x4] =	stream.strided.gather [hbm4b:s0+s4], $0xC40, s5, s4, $0x38;
	[tilespmem:$0x18800] =	vst v63  }
0x1bc: {  	s1 =	rddreg [dreg:$0x18]  }
0x1bd: {  	[tilespmem:s28], [sflag:$0x4] =	stream.strided.gather [hbm4b:s1+s4], $0xC40, s5, s4, $0x38;
	[tilespmem:$0x18800] =	vst v63  }
0x1be: {  	s0 =	rddreg [dreg:$0x19]  }
0x1bf: {  	[tilespmem:s16], [sflag:$0x4] =	stream.strided.gather [hbm4b:s0+s4], $0xC40, s5, s4, $0x38;
	[tilespmem:$0x18800] =	vst v63  }
0x1c0: {  	s1 =	rddreg [dreg:$0x1a]  }
0x1c1: {  	[tilespmem:s19], [sflag:$0x4] =	stream.strided.gather [hbm4b:s1+s4], $0xC40, s5, s4, $0x38;
	[tilespmem:$0x18800] =	vst v63  }
0x1c2: {  	s0 =	rddreg [dreg:$0x1b]  }
0x1c3: {  	[tilespmem:s17], [sflag:$0x4] =	stream.strided.gather [hbm4b:s0+s4], $0xC40, s5, s4, $0x38;
	[tilespmem:$0x18800] =	vst v63  }
0x1c4: {  	s1 =	rddreg [dreg:$0x1c]  }
0x1c5: {  	[tilespmem:s15], [sflag:$0x4] =	stream.strided.gather [hbm4b:s1+s4], $0xC40, s5, s4, $0x38;
	[tilespmem:$0x18800] =	vst v63  }
0x1c6: {  	s0 =	rddreg [dreg:$0x1d];
	s1 =	simm.s32 $0x1  }
0x1c7: {  	[tilespmem:s7], [sflag:$0x4] =	stream.strided.gather [hbm4b:s0+s4], $0xC40, s5, s4, $0x38;
	[tilespmem:$0x18800] =	vst v63  }
0x1c8: {  	_ =	swait.ge [sflag:s1], $0x6200  }
0x1c9: {  	[sflag:s1] =	ssyncset.done $0x0  }
0x1ca: {  	[sflag:s1] =	ssyncadd.s32 $0xFFFF9E00  }
0x1cb: {  	[hbm4b:s30+s4] =	stream.strided.scatter [tilespmem:s22], [sflag:$0x5], $0xC40, s5, s4, $0x38;
	[tilespmem:$0x18800] =	vst v63  }
0x1cc: {  	s1 =	sadd.s32 $0x1880, s30;
	s22 =	simm.s32 $0xC40  }
0x1cd: {  	[hbm4b:s1+s4] =	stream.strided.scatter [tilespmem:s22], [sflag:$0x5], $0xC40, s5, s4, $0x38;
	[tilespmem:$0x18800] =	vst v63  }
0x1ce: {  	s1 =	sadd.s32 $0x3100, s30;
	s22 =	simm.s32 $0x1880  }
0x1cf: {  	[hbm4b:s1+s4] =	stream.strided.scatter [tilespmem:s22], [sflag:$0x5], $0xC40, s5, s4, $0x38;
	[tilespmem:$0x18800] =	vst v63  }
0x1d0: {  	s1 =	sadd.s32 $0x4980, s30;
	s22 =	simm.s32 $0x24C0  }
0x1d1: {  	[hbm4b:s1+s4] =	stream.strided.scatter [tilespmem:s22], [sflag:$0x5], $0xC40, s5, s4, $0x38;
	[tilespmem:$0x18800] =	vst v63  }
0x1d2: {  	s1 =	sadd.s32 $0x6200, s30;
	s22 =	simm.s32 $0x3100  }
0x1d3: {  	[hbm4b:s1+s4] =	stream.strided.scatter [tilespmem:s22], [sflag:$0x5], $0xC40, s5, s4, $0x38;
	[tilespmem:$0x18800] =	vst v63  }
0x1d4: {  	s1 =	sadd.s32 $0x7A80, s30;
	s22 =	simm.s32 $0x3D40  }
0x1d5: {  	[hbm4b:s1+s4] =	stream.strided.scatter [tilespmem:s22], [sflag:$0x5], $0xC40, s5, s4, $0x38;
	[tilespmem:$0x18800] =	vst v63  }
0x1d6: {  	s21 =	simm.s32 $0x4980;
	s22 =	sadd.s32 $0x9300, s30  }
0x1d7: {  	[hbm4b:s22+s4] =	stream.strided.scatter [tilespmem:s21], [sflag:$0x5], $0xC40, s5, s4, $0x38;
	[tilespmem:$0x18800] =	vst v63  }
0x1d8: {  	s1 =	sadd.s32 $0xAB80, s30;
	s21 =	simm.s32 $0x55C0;
	s22 =	simm.s32 $0x2  }
0x1d9: {  	[hbm4b:s1+s4] =	stream.strided.scatter [tilespmem:s21], [sflag:$0x5], $0xC40, s5, s4, $0x38;
	[tilespmem:$0x18800] =	vst v63  }
0x1da: {  	_ =	swait.ge [sflag:s22], $0x6200  }
0x1db: {  	[sflag:s22] =	ssyncset.done $0x0  }
0x1dc: {  	s30 =	simm.s32 $0x6200;
	[sflag:s22] =	ssyncadd.s32 $0xFFFF9E00  }
0x1dd: {  	[hbm4b:s3+s4] =	stream.strided.scatter [tilespmem:s30], [sflag:$0x6], $0xC40, s5, s4, $0x38;
	[tilespmem:$0x18800] =	vst v63  }
0x1de: {  	s1 =	sadd.s32 $0x1880, s3;
	s21 =	simm.s32 $0x6E40  }
0x1df: {  	[hbm4b:s1+s4] =	stream.strided.scatter [tilespmem:s21], [sflag:$0x6], $0xC40, s5, s4, $0x38;
	[tilespmem:$0x18800] =	vst v63  }
0x1e0: {  	s22 =	sadd.s32 $0x3100, s3;
	s30 =	simm.s32 $0x7A80  }
0x1e1: {  	[hbm4b:s22+s4] =	stream.strided.scatter [tilespmem:s30], [sflag:$0x6], $0xC40, s5, s4, $0x38;
	[tilespmem:$0x18800] =	vst v63  }
0x1e2: {  	s1 =	sadd.s32 $0x4980, s3;
	s21 =	simm.s32 $0x86C0  }
0x1e3: {  	[hbm4b:s1+s4] =	stream.strided.scatter [tilespmem:s21], [sflag:$0x6], $0xC40, s5, s4, $0x38;
	[tilespmem:$0x18800] =	vst v63  }
0x1e4: {  	s22 =	sadd.s32 $0x6200, s3  }
0x1e5: {  	[hbm4b:s22+s4] =	stream.strided.scatter [tilespmem:s14], [sflag:$0x6], $0xC40, s5, s4, $0x38;
	[tilespmem:$0x18800] =	vst v63  }
0x1e6: {  	s30 =	sadd.s32 $0x7A80, s3  }
0x1e7: {  	[hbm4b:s30+s4] =	stream.strided.scatter [tilespmem:s10], [sflag:$0x6], $0xC40, s5, s4, $0x38;
	[tilespmem:$0x18800] =	vst v63  }
0x1e8: {  	s1 =	sadd.s32 $0x9300, s3;
	s10 =	simm.s32 $0xAB80  }
0x1e9: {  	[hbm4b:s1+s4] =	stream.strided.scatter [tilespmem:s10], [sflag:$0x6], $0xC40, s5, s4, $0x38;
	[tilespmem:$0x18800] =	vst v63  }
0x1ea: {  	s21 =	simm.s32 $0x3;
	s14 =	sadd.s32 $0xAB80, s3  }
0x1eb: {  	[hbm4b:s14+s4] =	stream.strided.scatter [tilespmem:s13], [sflag:$0x6], $0xC40, s5, s4, $0x38;
	[tilespmem:$0x18800] =	vst v63  }
0x1ec: {  	_ =	swait.ge [sflag:s21], $0x6200  }
0x1ed: {  	[sflag:s21] =	ssyncset.done $0x0  }
0x1ee: {  	s22 =	simm.s32 $0xC400;
	[sflag:s21] =	ssyncadd.s32 $0xFFFF9E00  }
0x1ef: {  	[hbm4b:s9+s4] =	stream.strided.scatter [tilespmem:s22], [sflag:$0x7], $0xC40, s5, s4, $0x38;
	[tilespmem:$0x18800] =	vst v63  }
0x1f0: {  	s30 =	sadd.s32 $0x1880, s9  }
0x1f1: {  	[hbm4b:s30+s4] =	stream.strided.scatter [tilespmem:s20], [sflag:$0x7], $0xC40, s5, s4, $0x38;
	[tilespmem:$0x18800] =	vst v63  }
0x1f2: {  	s3 =	simm.s32 $0xDC80;
	s1 =	sadd.s32 $0x3100, s9  }
0x1f3: {  	[hbm4b:s1+s4] =	stream.strided.scatter [tilespmem:s3], [sflag:$0x7], $0xC40, s5, s4, $0x38;
	[tilespmem:$0x18800] =	vst v63  }
0x1f4: {  	s11 =	simm.s32 $0xE8C0;
	s10 =	sadd.s32 $0x4980, s9  }
0x1f5: {  	[hbm4b:s10+s4] =	stream.strided.scatter [tilespmem:s11], [sflag:$0x7], $0xC40, s5, s4, $0x38;
	[tilespmem:$0x18800] =	vst v63  }
0x1f6: {  	s13 =	sadd.s32 $0x6200, s9  }
0x1f7: {  	[hbm4b:s13+s4] =	stream.strided.scatter [tilespmem:s29], [sflag:$0x7], $0xC40, s5, s4, $0x38;
	[tilespmem:$0x18800] =	vst v63  }
0x1f8: {  	s14 =	sadd.s32 $0x7A80, s9  }
0x1f9: {  	[hbm4b:s14+s4] =	stream.strided.scatter [tilespmem:s25], [sflag:$0x7], $0xC40, s5, s4, $0x38;
	[tilespmem:$0x18800] =	vst v63  }
0x1fa: {  	s20 =	sadd.s32 $0x9300, s9  }
0x1fb: {  	[hbm4b:s20+s4] =	stream.strided.scatter [tilespmem:s24], [sflag:$0x7], $0xC40, s5, s4, $0x38;
	[tilespmem:$0x18800] =	vst v63  }
0x1fc: {  	s21 =	sadd.s32 $0xAB80, s9;
	s22 =	simm.s32 $0x4  }
0x1fd: {  	[hbm4b:s21+s4] =	stream.strided.scatter [tilespmem:s23], [sflag:$0x7], $0xC40, s5, s4, $0x38;
	[tilespmem:$0x18800] =	vst v63  }
0x1fe: {  	_ =	swait.ge [sflag:s22], $0x6200  }
0x1ff: {  	[sflag:s22] =	ssyncset.done $0x0  }
0x200: {  	[sflag:s22] =	ssyncadd.s32 $0xFFFF9E00  }
0x201: {  	[hbm4b:s31+s4] =	stream.strided.scatter [tilespmem:s26], [sflag:$0x8], $0xC40, s5, s4, $0x38;
	[tilespmem:$0x18800] =	vst v63  }
0x202: {  	s23 =	sadd.s32 $0x1880, s31  }
0x203: {  	[hbm4b:s23+s4] =	stream.strided.scatter [tilespmem:s18], [sflag:$0x8], $0xC40, s5, s4, $0x38;
	[tilespmem:$0x18800] =	vst v63  }
0x204: {  	s24 =	sadd.s32 $0x3100, s31  }
0x205: {  	[hbm4b:s24+s4] =	stream.strided.scatter [tilespmem:s28], [sflag:$0x8], $0xC40, s5, s4, $0x38;
	[tilespmem:$0x18800] =	vst v63  }
0x206: {  	s25 =	sadd.s32 $0x4980, s31  }
0x207: {  	[hbm4b:s25+s4] =	stream.strided.scatter [tilespmem:s16], [sflag:$0x8], $0xC40, s5, s4, $0x38;
	[tilespmem:$0x18800] =	vst v63  }
0x208: {  	s26 =	sadd.s32 $0x6200, s31  }
0x209: {  	[hbm4b:s26+s4] =	stream.strided.scatter [tilespmem:s19], [sflag:$0x8], $0xC40, s5, s4, $0x38;
	[tilespmem:$0x18800] =	vst v63  }
0x20a: {  	s28 =	sadd.s32 $0x7A80, s31  }
0x20b: {  	[hbm4b:s28+s4] =	stream.strided.scatter [tilespmem:s17], [sflag:$0x8], $0xC40, s5, s4, $0x38;
	[tilespmem:$0x18800] =	vst v63  }
0x20c: {  	s29 =	sadd.s32 $0x9300, s31  }
0x20d: {  	[hbm4b:s29+s4] =	stream.strided.scatter [tilespmem:s15], [sflag:$0x8], $0xC40, s5, s4, $0x38;
	[tilespmem:$0x18800] =	vst v63  }
0x20e: {  	s30 =	sadd.s32 $0xAB80, s31  }
0x20f: {  	[hbm4b:s30+s4] =	stream.strided.scatter [tilespmem:s7], [sflag:$0x8], $0xC40, s5, s4, $0x38;
	[tilespmem:$0x18800] =	vst v63  }
0x210: {  	_ =	swait.ge [sflag:s12], $0x6200  }
0x211: {  	[sflag:s12] =	ssyncset.done $0x0  }
0x212: {  	[sflag:s12] =	ssyncadd.s32 $0xFFFF9E00  }
0x213: {  	_ =	swait.ge [sflag:s8], $0x6200  }
0x214: {  	[sflag:s8] =	ssyncset.done $0x0  }
0x215: {  	[sflag:s8] =	ssyncadd.s32 $0xFFFF9E00  }
0x216: {  	_ =	swait.ge [sflag:s6], $0x6200  }
0x217: {  	[sflag:s6] =	ssyncset.done $0x0  }
0x218: {  	[sflag:s6] =	ssyncadd.s32 $0xFFFF9E00  }
0x219: {  	_ =	swait.ge [sflag:s2], $0x6200  }
0x21a: {  	[sflag:s2] =	ssyncset.done $0x0  }
0x21b: {  	[sflag:s2] =	ssyncadd.s32 $0xFFFF9E00  }
0x21c: {  	_ =	sfence.sel $0x180000  }
0x21d: {  	[bflag:$0x0] =	sbarrier.arrive $0xFFFF  }
0x21e: {  	_ =	strace $0x90000047  }
0x21f: {  	s31 =	stileid.u32;
	[bflag:$0x2] =	sbarrier.arrive $0xFFFF  }
0x220: {  	p0 =	sne.s32 s31, $0x0;
	s0 =	rddreg [dreg:$0x1]  }
0x221: {  	s0 =	sadd.s32 @!p0 $0x100000, s0  }
0x222: {  	[sflag:s0] =	ssyncadd.tile.s32 @!p0 $0x1;
	_ =	shalt  }
.LBB2_6:
0x223: {  	s9 =	sld [smem:$0x7F4]  }
0x224: {  	s3 =	sld [smem:$0x7EC]  }
0x225: {  	s10 =	sld [smem:$0x7ED]  }
0x226: {  	s2 =	simm.s32 $0x8;
	s11 =	sld [smem:$0x7F6]  }
0x227: {  	s6 =	simm.s32 $0x7;
	s7 =	simm.s32 $0x17BC0;
	s8 =	simm.s32 $0x6  }
0x228: {  	s15 =	simm.s32 $0x16F80;
	s17 =	simm.s32 $0x16340;
	s12 =	simm.s32 $0x5  }
.Ltmp3:
0x229: {  	s19 =	simm.s32 $0x15700;
	s30 =	sld [smem:$0x7F9];
	(pc) =	sbr.rel .LBB2_5-.Ltmp3, $4  }
0x22a: {  	s16 =	simm.s32 $0x14AC0;
	s28 =	simm.s32 $0x13E80;
	s18 =	simm.s32 $0x13240  }
0x22b: {  	s21 =	sld [smem:$0x7EF];
	s26 =	simm.s32 $0x12600;
	s23 =	simm.s32 $0x119C0  }
0x22c: {  	s24 =	simm.s32 $0x10D80;
	s25 =	simm.s32 $0x10140;
	s29 =	simm.s32 $0xF500  }
0x22d: {  	s20 =	simm.s32 $0xC400;
	s14 =	simm.s32 $0x86C0;
	s13 =	simm.s32 $0xAB80  }
.Lfunc_end2:
_tile_overlayer_lowered:
.L_overlay_start_2:
0x22e: {  	(tag) =	ssettag $0x2  }
0x22f: {  	s0 =	rddreg [dreg:$0x0];
	s2 =	stileid.u32  }
0x230: {  	s1 =	rddreg [dreg:$0x1];
	p0 =	sne.s32 s2, $0x0  }
0x231: {  	s3 =	rddreg [dreg:$0x2];
	[bflag:$0x3] =	sbarrier.arrive $0xFFFF;
	s2 =	simm.s32 @!p0 $0x1C09  }
0x232: {  	[timem:s3], [sflag:s2] =	dma.local @!p0 [hbm:s0], s1  }
0x233: {  	s0 =	simm.s32 @!p0 $0x9  }
0x234: {  	_ =	swait.ge @!p0 [sflag:s0], s1  }
0x235: {  	s1 =	ssub.s32 @!p0 $0x0, s1;
	[sflag:s0] =	ssyncset.done @!p0 $0x0  }
0x236: {  	[sflag:s0] =	ssyncadd.s32 @!p0 s1  }
0x237: {  	[bflag:$0x3] =	sbarrier.arrive $0xFFFF  }
0x238: {  	_ =	shalt  }

</sc_bundles>
